<compile_context>
chip_gen: v7x
topology: tpu7x:2x2x1
jax: 0.10.2.dev20260603
libtpu: 0.0.44.dev20260713+nightly
codegen_flags: <defaults>
</compile_context>

<pallas_src>
import functools

import jax
import jax.numpy as jnp
from jax import lax
from jax.experimental import pallas as pl
from jax.experimental.pallas import tpu as pltpu
from jax.experimental.pallas import tpu_sc as plsc

N_NODES = 10000
N_HE = 5000
N_INC = 320000
D = 128

NC = 2
NS = 16
NW = NC * NS

CHUNK = 128
E_PAD = 327680
E_HALF = 176128
SEG_PAD = 5120
N_SINK = SEG_PAD - 5000



def _ln_v(x, g, b):
    m = jnp.mean(x, axis=-1, keepdims=True)
    v = jnp.mean(jnp.square(x - m), axis=-1, keepdims=True)
    return (x - m) / jnp.sqrt(v + 1e-5) * g + b


def _mlp_v(x, g0, b0, W0, bb0, g1, b1, W1, bb1):
    h = _ln_v(x, g0, b0)
    h = jnp.maximum(jnp.dot(h, W0, preferred_element_type=jnp.float32) + bb0, 0.0)
    h = _ln_v(h, g1, b1)
    return jnp.dot(h, W1, preferred_element_type=jnp.float32) + bb1


def _head_v(x, W0, b0, W1, b1, softplus):
    y = jnp.maximum(jnp.dot(x, W0, preferred_element_type=jnp.float32) + b0, 0.0)
    y = jnp.dot(y, W1, preferred_element_type=jnp.float32) + b1
    return jax.nn.softplus(y) if softplus else y


def _mlp_args(p):
    return (p['ln0_g'].reshape(1, -1), p['ln0_b'].reshape(1, -1),
            p['W0'], p['b0'].reshape(1, -1),
            p['ln1_g'].reshape(1, -1), p['ln1_b'].reshape(1, -1),
            p['W1'], p['b1'].reshape(1, -1))


def _head_args(p):
    return (p['W0'], p['b0'].reshape(1, -1), p['W1'], p['b1'].reshape(1, -1))


def _rep_spec(a):
    return pl.BlockSpec(a.shape, lambda i: (0,) * a.ndim)


def _enc_stage(x, enc_p, blk=1000):
    n = x.shape[0]
    args = _mlp_args(enc_p)

    def body(x_ref, g0, b0, W0, bb0, g1, b1, W1, bb1, o_ref):
        h = _mlp_v(x_ref[...], g0[...], b0[...], W0[...], bb0[...],
                   g1[...], b1[...], W1[...], bb1[...])
        o_ref[...] = jnp.maximum(h, 0.0)

    return pl.pallas_call(
        body, grid=(n // blk,),
        in_specs=[pl.BlockSpec((blk, D), lambda i: (i, 0))] +
                 [_rep_spec(a) for a in args],
        out_specs=pl.BlockSpec((blk, D), lambda i: (i, 0)),
        out_shape=jax.ShapeDtypeStruct((n, D), jnp.float32),
    )(x, *args)


def _he_stage(f0, f1, c0, c1, noise, dec_p, enc_p, mh_p, sh_p, blk=1000):
    n = f0.shape[0]
    args = (_mlp_args(dec_p) + _mlp_args(enc_p) +
            _head_args(mh_p) + _head_args(sh_p))

    def body(f0r, f1r, c0r, c1r, nz, *refs):
        d, e = refs[:8], refs[8:16]
        m, s = refs[16:20], refs[20:24]
        o_enc, o_fin, o_mean, o_std = refs[24:]
        a = f0r[...] + f1r[...]
        c = c0r[...] + c1r[...]
        mean = a / jnp.maximum(c, 1.0)
        x_he = jnp.maximum(_mlp_v(mean, *[r[...] for r in d]), 0.0)
        o_enc[...] = jnp.maximum(_mlp_v(x_he, *[r[...] for r in e]), 0.0)
        mhead = _head_v(x_he, *[r[...] for r in m], softplus=False)
        shead = _head_v(x_he, *[r[...] for r in s], softplus=True)
        o_fin[...] = nz[...] * shead + mhead
        o_mean[...] = mhead
        o_std[...] = shead

    row = pl.BlockSpec((blk, D), lambda i: (i, 0))
    cnt = pl.BlockSpec((blk, 1), lambda i: (i, 0))
    return pl.pallas_call(
        body, grid=(n // blk,),
        in_specs=[row, row, cnt, cnt, row] + [_rep_spec(a) for a in args],
        out_specs=[row, row, row, row],
        out_shape=[jax.ShapeDtypeStruct((n, D), jnp.float32)] * 4,
    )(f0, f1, c0, c1, noise, *args)


def _node_stage(f, c_in, noise, dec_p, mh_p, sh_p, blk=1000):
    n = f.shape[0]
    args = _mlp_args(dec_p) + _head_args(mh_p) + _head_args(sh_p)

    def body(fr, cr, nz, *refs):
        d = refs[:8]
        m, s = refs[8:12], refs[12:16]
        o_fin, o_mean, o_std = refs[16:]
        c = cr[...]
        mean = fr[...] / jnp.maximum(c, 1.0)
        x_node = jnp.maximum(_mlp_v(mean, *[r[...] for r in d]), 0.0)
        mhead = _head_v(x_node, *[r[...] for r in m], softplus=False)
        shead = _head_v(x_node, *[r[...] for r in s], softplus=True)
        o_fin[...] = nz[...] * shead + mhead
        o_mean[...] = mhead
        o_std[...] = shead

    row = pl.BlockSpec((blk, D), lambda i: (i, 0))
    cnt = pl.BlockSpec((blk, 1), lambda i: (i, 0))
    return pl.pallas_call(
        body, grid=(n // blk,),
        in_specs=[row, cnt, row] + [_rep_spec(a) for a in args],
        out_specs=[row, row, row],
        out_shape=[jax.ShapeDtypeStruct((n, D), jnp.float32)] * 3,
    )(f, c_in, noise, *args)



def _make_sc_scatter(mode):
    e_per_w = E_PAD // (NW if mode == "edge" else NS)
    n_chunks = e_per_w // CHUNK
    z_rows = SEG_PAD // NS
    mesh = plsc.VectorSubcoreMesh(core_axis_name="c", subcore_axis_name="s")

    @functools.partial(
        pl.kernel,
        mesh=mesh,
        out_type=(
            jax.ShapeDtypeStruct((NC, SEG_PAD, D), jnp.float32),
            jax.ShapeDtypeStruct((NC * SEG_PAD,), jnp.float32),
        ),
        scratch_types=[
            pltpu.VMEM((CHUNK,), jnp.int32),
            pltpu.VMEM((CHUNK,), jnp.int32),
            pltpu.VMEM((CHUNK,), jnp.int32),
            pltpu.VMEM((CHUNK,), jnp.int32),
            pltpu.VMEM((CHUNK, 16), jnp.float32),
            pltpu.VMEM((CHUNK, 16), jnp.float32),
            pltpu.VMEM((CHUNK, D), jnp.float32),
            pltpu.VMEM((CHUNK, D), jnp.float32),
            pltpu.VMEM((CHUNK,), jnp.float32),
            pltpu.VMEM((z_rows,), jnp.float32),
            pltpu.VMEM_SHARED((SEG_PAD, D), jnp.float32),
            pltpu.VMEM_SHARED((SEG_PAD,), jnp.float32),
            pltpu.SemaphoreType.DMA,
            pltpu.SemaphoreType.DMA,
            pltpu.SemaphoreType.DMA,
            pltpu.SemaphoreType.DMA,
            pltpu.SemaphoreType.DMA,
            pltpu.SemaphoreType.DMA,
        ],
    )
    def sck(tab, gidx, sidx2, nrm, feats_out, cnt_out,
            gb0, gb1, sb0, sb1, nr0, nr1, rw0, rw1, ones1, cbuf,
            facc, cacc, sm0, sm1, st0, st1, sx0, sx1):
        cid = lax.axis_index("c")
        sid = lax.axis_index("s")
        if mode == "edge":
            ebase = (sid * NC + cid) * e_per_w
        else:
            ebase = sid * e_per_w
        soff = cid * E_PAD
        gb = (gb0, gb1)
        sb = (sb0, sb1)
        nr = (nr0, nr1)
        rw = (rw0, rw1)
        sm = (sm0, sm1)
        st = (st0, st1)
        sx = (sx0, sx1)

        zero16 = jnp.zeros((16,), jnp.float32)
        one16 = jnp.ones((16,), jnp.float32)

        def zrow(i, _):
            for j in range(D // 16):
                rw0[i, pl.ds(j * 16, 16)] = zero16
            return 0

        lax.fori_loop(0, CHUNK, zrow, 0)

        def zrow1(i, _):
            cbuf[pl.ds(i * 16, 16)] = zero16
            return 0

        lax.fori_loop(0, z_rows // 16, zrow1, 0)

        def orow1(i, _):
            ones1[pl.ds(i * 16, 16)] = one16
            return 0

        lax.fori_loop(0, CHUNK // 16, orow1, 0)

        zb = sid * z_rows
        r = 0
        while r < z_rows:
            nrows = min(CHUNK, z_rows - r)
            pltpu.sync_copy(rw0.at[pl.ds(0, nrows)],
                            facc.at[pl.ds(zb + r, nrows)])
            r += nrows
        pltpu.sync_copy(cbuf, cacc.at[pl.ds(zb, z_rows)])
        plsc.subcore_barrier()

        def prestage(k, b):
            base = pl.multiple_of(ebase + k * CHUNK, CHUNK)
            sbase = pl.multiple_of(soff + ebase + k * CHUNK, 8)
            pltpu.async_copy(gidx.at[pl.ds(base, CHUNK)], gb[b], st[b])
            pltpu.async_copy(sidx2.at[pl.ds(sbase, CHUNK)], sb[b], sx[b])
            pltpu.async_copy(nrm.at[pl.ds(base, CHUNK)], nr[b], sx[b])

        def firegather(k, b):
            base = pl.multiple_of(ebase + k * CHUNK, CHUNK)
            pltpu.make_async_copy(gidx.at[pl.ds(base, CHUNK)], gb[b],
                                  st[b]).wait()
            pltpu.async_copy(tab.at[gb[b]], rw[b], sm[b])

        def process(k, b):
            base = pl.multiple_of(ebase + k * CHUNK, CHUNK)
            sbase = pl.multiple_of(soff + ebase + k * CHUNK, 8)
            pltpu.make_async_copy(tab.at[gb[b]], rw[b], sm[b]).wait()
            pltpu.make_async_copy(sidx2.at[pl.ds(sbase, CHUNK)], sb[b],
                                  sx[b]).wait()
            pltpu.make_async_copy(nrm.at[pl.ds(base, CHUNK)], nr[b],
                                  sx[b]).wait()

            def scale(e, _):
                nsplat = nr[b][e]
                for j in range(D // 16):
                    rw[b][e, pl.ds(j * 16, 16)] = (
                        rw[b][e, pl.ds(j * 16, 16)] * nsplat)
                return 0

            lax.fori_loop(0, CHUNK, scale, 0)
            pltpu.sync_copy(rw[b], facc.at[sb[b]], add=True)
            pltpu.sync_copy(ones1, cacc.at[sb[b]], add=True)

        prestage(0, 0)
        firegather(0, 0)
        prestage(1, 1)

        def pair(kk, _):
            k0 = 2 * kk
            firegather(k0 + 1, 1)
            process(k0, 0)

            @pl.when(kk < n_chunks // 2 - 1)
            def _():
                prestage(k0 + 2, 0)
                firegather(k0 + 2, 0)

            process(k0 + 1, 1)

            @pl.when(kk < n_chunks // 2 - 1)
            def _():
                prestage(k0 + 3, 1)
            return 0

        lax.fori_loop(0, n_chunks // 2, pair, 0)
        plsc.subcore_barrier()

        pltpu.sync_copy(facc.at[pl.ds(zb, z_rows)],
                        feats_out.at[cid, pl.ds(zb, z_rows)])
        cb = pl.multiple_of(cid * SEG_PAD + zb, 8)
        pltpu.sync_copy(cacc.at[pl.ds(zb, z_rows)], cbuf)
        pltpu.sync_copy(cbuf, cnt_out.at[pl.ds(cb, z_rows)])

    return sck


_sc_scatter_he = _make_sc_scatter("edge")
_sc_scatter_node = _make_sc_scatter("seg")



def kernel(x, edge_index, norm, params):
    src = edge_index[0].astype(jnp.int32)
    he = (edge_index[1] - jnp.min(edge_index[1])).astype(jnp.int32)

    npad = E_PAD - N_INC
    zero_pad = jnp.zeros((npad,), jnp.int32)
    valid = jnp.concatenate([jnp.ones((N_INC,), jnp.bool_),
                             jnp.zeros((npad,), jnp.bool_)])
    sink = 5000 + (jnp.arange(E_PAD, dtype=jnp.int32) % N_SINK)

    src_p = jnp.concatenate([src, zero_pad])
    he_p = jnp.concatenate([he, zero_pad])
    he_s = jnp.where(valid, he_p, sink)
    sidx_he = jnp.concatenate([he_s, he_s])
    nrm_p = jnp.concatenate([norm, jnp.zeros((npad,), jnp.float32)])
    nrm_rep = jnp.broadcast_to(nrm_p[:, None], (E_PAD, 16))

    x_enc = _enc_stage(x, params['v2e']['f_enc'])
    f_he, c_he = _sc_scatter_he(x_enc, src_p, sidx_he, nrm_rep)
    c_he = c_he.reshape(NC, SEG_PAD)

    noise_e = jax.random.normal(jax.random.key(8), (N_HE, D), dtype=jnp.float32)
    x_he_enc, he_final, he_mean, he_std = _he_stage(
        f_he[0, :N_HE], f_he[1, :N_HE],
        c_he[0, :N_HE, None], c_he[1, :N_HE, None],
        noise_e, params['v2e']['f_dec'], params['e2v']['f_enc'],
        params['mean_he'], params['std_he'])

    sidx_nd = jnp.concatenate([
        jnp.where(valid & (src_p < 5000), src_p, sink),
        jnp.where(valid & (src_p >= 5000), src_p - 5000, sink),
    ])
    f_nd, c_nd = _sc_scatter_node(x_he_enc, he_p, sidx_nd, nrm_rep)
    f_nodes = f_nd[:, :5000].reshape(N_NODES, D)
    c_nodes = c_nd.reshape(NC, SEG_PAD)[:, :5000].reshape(N_NODES, 1)

    noise_n = jax.random.normal(jax.random.key(7), (N_NODES, D),
                                dtype=jnp.float32)
    node_final, node_mean, node_std = _node_stage(
        f_nodes, c_nodes, noise_n, params['e2v']['f_dec'],
        params['mean_node'], params['std_node'])

    return (node_final, node_mean, node_std, he_final, he_mean, he_std)

# --- scband reference (transcript-rebuilt; emitter-appended) ---
"""Pipeline reference for scband-vhgae-encoder-6803228196945 (READ-ONLY COPY).

The authoritative reference and input builder live on the scoring server;
editing this copy changes nothing except your own understanding.
"""

import jax, jax.numpy as jnp
import numpy as np

N_NODES = 10000
N_HE = 5000
N_INC = 320000
D_FEAT = 128
HID = 128

def _ln(x, g, b, eps=1e-5):
    m = jnp.mean(x, axis=-1, keepdims=True)
    v = jnp.var(x, axis=-1, keepdims=True)
    return (x - m) / jnp.sqrt(v + eps) * g + b

def _mlp(x, p):
    x = _ln(x, p['ln0_g'], p['ln0_b'])
    x = x @ p['W0'] + p['b0']
    x = jax.nn.relu(x)
    x = _ln(x, p['ln1_g'], p['ln1_b'])
    x = x @ p['W1'] + p['b1']
    return x

def _scatter_mean(vals, idx, num_segments):
    s = jax.ops.segment_sum(vals, idx, num_segments=num_segments)
    cnt = jax.ops.segment_sum(jnp.ones((vals.shape[0],), vals.dtype), idx, num_segments=num_segments)
    return s / jnp.clip(cnt, 1.0)[:, None]

def _half_conv(x, src, dst, norm, p, num_segments):
    x = jax.nn.relu(_mlp(x, p['f_enc']))
    msg = norm[:, None] * jnp.take(x, src, axis=0)
    agg = _scatter_mean(msg, dst, num_segments)
    return jax.nn.relu(_mlp(agg, p['f_dec']))

def _head(x, p, softplus=False):
    y = jax.nn.relu(x @ p['W0'] + p['b0'])
    y = y @ p['W1'] + p['b1']
    return jax.nn.softplus(y) if softplus else y

def _mlp_params(key, din, dh, dout):
    k0, k1 = jax.random.split(key)
    return {'ln0_g': jnp.ones((din,), jnp.float32), 'ln0_b': jnp.zeros((din,), jnp.float32),
            'W0': (jax.random.normal(k0, (din, dh)) / np.sqrt(din)).astype(jnp.float32),
            'b0': jnp.zeros((dh,), jnp.float32),
            'ln1_g': jnp.ones((dh,), jnp.float32), 'ln1_b': jnp.zeros((dh,), jnp.float32),
            'W1': (jax.random.normal(k1, (dh, dout)) / np.sqrt(dh)).astype(jnp.float32),
            'b1': jnp.zeros((dout,), jnp.float32)}

def _head_params(key, h):
    k0, k1 = jax.random.split(key)
    return {'W0': (jax.random.normal(k0, (h, h)) / np.sqrt(h)).astype(jnp.float32),
            'b0': jnp.zeros((h,), jnp.float32),
            'W1': (jax.random.normal(k1, (h, h)) / np.sqrt(h)).astype(jnp.float32),
            'b1': jnp.zeros((h,), jnp.float32)}

def setup_inputs(seed: int = 0):
    key = jax.random.key(seed)
    ks = jax.random.split(key, 12)
    x = jax.random.normal(ks[0], (N_NODES, D_FEAT), dtype=jnp.float32)
    src = jax.random.randint(ks[1], (N_INC,), 0, N_NODES, dtype=jnp.int32)
    dst = jax.random.randint(ks[2], (N_INC,), 0, N_HE, dtype=jnp.int32)
    edge_index = jnp.stack([src, dst], axis=0)
    norm = jax.random.uniform(ks[3], (N_INC,), dtype=jnp.float32)
    params = {
        'v2e': {'f_enc': _mlp_params(ks[4], D_FEAT, HID, HID), 'f_dec': _mlp_params(ks[5], HID, HID, HID)},
        'e2v': {'f_enc': _mlp_params(ks[6], HID, HID, HID), 'f_dec': _mlp_params(ks[7], HID, HID, HID)},
        'mean_node': _head_params(ks[8], HID),
        'std_node': _head_params(ks[9], HID),
        'mean_he': _head_params(ks[10], HID),
        'std_he': _head_params(ks[11], HID),
    }
    return {'x': x, 'edge_index': edge_index, 'norm': norm, 'params': params}

def reference(x, edge_index, norm, params):
    src = edge_index[0]
    he = edge_index[1] - jnp.min(edge_index[1])
    x_he = jax.nn.relu(_half_conv(x, src, he, norm, params['v2e'], N_HE))
    x_node = jax.nn.relu(_half_conv(x_he, he, src, norm, params['e2v'], N_NODES))
    x_mean_node = _head(x_node, params['mean_node'])
    x_std_node = _head(x_node, params['std_node'], True)
    noise_n = jax.random.normal(jax.random.key(7), x_mean_node.shape, dtype=jnp.float32)
    x_node_final = noise_n * x_std_node + x_mean_node
    x_mean_he = _head(x_he, params['mean_he'])
    x_std_he = _head(x_he, params['std_he'], True)
    noise_e = jax.random.normal(jax.random.key(8), x_mean_he.shape, dtype=jnp.float32)
    x_he_final = noise_e * x_std_he + x_mean_he
    return (x_node_final, x_mean_node, x_std_node, x_he_final, x_mean_he, x_std_he)

if __name__ == "__main__":
    import jax
    _d = setup_inputs()
    print(jax.jit(kernel)(*tuple(_d.values())))

</pallas_src>

<mosaic_0001>
#map = affine_map<(d0, d1) -> (0, 0)>
#map1 = affine_map<(d0, d1) -> (0)>
#map2 = affine_map<(d0, d1) -> (0, 0, 0)>
module attributes {stable_mosaic.version = 14 : i64} {
  func.func @sck(%arg0: i32, %arg1: i32, %arg2: memref<5000x128xf32, #tpu.memory_space<hbm>>, %arg3: memref<327680xi32, #tpu.memory_space<hbm>>, %arg4: memref<655360xi32, #tpu.memory_space<hbm>>, %arg5: memref<327680x16xf32, #tpu.memory_space<hbm>>, %arg6: memref<2x5120x128xf32, #tpu.memory_space<hbm>>, %arg7: memref<10240xf32, #tpu.memory_space<hbm>>, %arg8: memref<128xi32, #tpu.memory_space<vmem>>, %arg9: memref<128xi32, #tpu.memory_space<vmem>>, %arg10: memref<128xi32, #tpu.memory_space<vmem>>, %arg11: memref<128xi32, #tpu.memory_space<vmem>>, %arg12: memref<128x16xf32, #tpu.memory_space<vmem>>, %arg13: memref<128x16xf32, #tpu.memory_space<vmem>>, %arg14: memref<128x128xf32, #tpu.memory_space<vmem>>, %arg15: memref<128x128xf32, #tpu.memory_space<vmem>>, %arg16: memref<128xf32, #tpu.memory_space<vmem>>, %arg17: memref<320xf32, #tpu.memory_space<vmem>>, %arg18: memref<5120x128xf32, #tpu.memory_space<vmem_shared>>, %arg19: memref<5120xf32, #tpu.memory_space<vmem_shared>>, %arg20: memref<!tpu.dma_semaphore, #tpu.memory_space<semaphore_mem>>, %arg21: memref<!tpu.dma_semaphore, #tpu.memory_space<semaphore_mem>>, %arg22: memref<!tpu.dma_semaphore, #tpu.memory_space<semaphore_mem>>, %arg23: memref<!tpu.dma_semaphore, #tpu.memory_space<semaphore_mem>>, %arg24: memref<!tpu.dma_semaphore, #tpu.memory_space<semaphore_mem>>, %arg25: memref<!tpu.dma_semaphore, #tpu.memory_space<semaphore_mem>>) attributes {dimension_semantics = [#tpu.dimension_semantics<core_parallel>, #tpu.dimension_semantics<subcore_parallel>], iteration_bounds = array<i64: 2, 16>, scalar_prefetch = 0 : i64, scratch_operands = 18 : i64, tpu.core_type = #tpu.core_type<sc_vector_subcore>, window_params = [{transform_indices = #map}, {transform_indices = #map1}, {transform_indices = #map1}, {transform_indices = #map}, {transform_indices = #map2}, {transform_indices = #map1}]} {
    %mul3A = arith.constant 20480 : i32
    %mul3A_0 = arith.muli %arg1, %mul3A : i32
    %mul3A_1 = arith.constant 327680 : i32
    %mul3A_2 = arith.muli %arg0, %mul3A_1 : i32
    %broadcast_in_dim3A = arith.constant 0.000000e+00 : f32
    %broadcast_in_dim3A_3 = vector.broadcast %broadcast_in_dim3A : f32 to vector<16xf32>
    %broadcast_in_dim3A_4 = arith.constant 1.000000e+00 : f32
    %broadcast_in_dim3A_5 = vector.broadcast %broadcast_in_dim3A_4 : f32 to vector<16xf32>
    %scan3A = arith.constant 0 : i32
    %scan3A_6 = arith.constant 0 : i32
    %scan3A_7 = arith.constant 128 : i32
    %scan3A_8 = arith.addi %scan3A_6, %scan3A_7 : i32
    %scan3A_9 = arith.constant 1 : i32
    %scan3A_10 = scf.for %scan3A_80 = %scan3A_6 to %scan3A_8 step %scan3A_9 iter_args(%scan3A_81 = %scan3A) -> (i32)  : i32 {
      %swap3A = arith.index_cast %scan3A_80 : i32 to index
      %swap3A_82 = arith.constant 0 : index
      %swap3A_83 = tpu.vector_load %arg14[%swap3A, %swap3A_82] {strides = array<i32>} : memref<128x128xf32, #tpu.memory_space<vmem>>, vector<1x16xf32>,
      %swap3A_84 = vector.shape_cast %swap3A_83 : vector<1x16xf32> to vector<16xf32>
      %swap3A_85 = vector.shape_cast %broadcast_in_dim3A_3 : vector<16xf32> to vector<1x16xf32>
      tpu.vector_store %arg14[%swap3A, %swap3A_82], %swap3A_85 {strides = array<i32>} : memref<128x128xf32, #tpu.memory_space<vmem>>, vector<1x16xf32>,
      %swap3A_86 = arith.index_cast %scan3A_80 : i32 to index
      %swap3A_87 = arith.constant 16 : index
      %swap3A_88 = tpu.vector_load %arg14[%swap3A_86, %swap3A_87] {strides = array<i32>} : memref<128x128xf32, #tpu.memory_space<vmem>>, vector<1x16xf32>,
      %swap3A_89 = vector.shape_cast %swap3A_88 : vector<1x16xf32> to vector<16xf32>
      %swap3A_90 = vector.shape_cast %broadcast_in_dim3A_3 : vector<16xf32> to vector<1x16xf32>
      tpu.vector_store %arg14[%swap3A_86, %swap3A_87], %swap3A_90 {strides = array<i32>} : memref<128x128xf32, #tpu.memory_space<vmem>>, vector<1x16xf32>,
      %swap3A_91 = arith.index_cast %scan3A_80 : i32 to index
      %swap3A_92 = arith.constant 32 : index
      %swap3A_93 = tpu.vector_load %arg14[%swap3A_91, %swap3A_92] {strides = array<i32>} : memref<128x128xf32, #tpu.memory_space<vmem>>, vector<1x16xf32>,
      %swap3A_94 = vector.shape_cast %swap3A_93 : vector<1x16xf32> to vector<16xf32>
      %swap3A_95 = vector.shape_cast %broadcast_in_dim3A_3 : vector<16xf32> to vector<1x16xf32>
      tpu.vector_store %arg14[%swap3A_91, %swap3A_92], %swap3A_95 {strides = array<i32>} : memref<128x128xf32, #tpu.memory_space<vmem>>, vector<1x16xf32>,
      %swap3A_96 = arith.index_cast %scan3A_80 : i32 to index
      %swap3A_97 = arith.constant 48 : index
      %swap3A_98 = tpu.vector_load %arg14[%swap3A_96, %swap3A_97] {strides = array<i32>} : memref<128x128xf32, #tpu.memory_space<vmem>>, vector<1x16xf32>,
      %swap3A_99 = vector.shape_cast %swap3A_98 : vector<1x16xf32> to vector<16xf32>
      %swap3A_100 = vector.shape_cast %broadcast_in_dim3A_3 : vector<16xf32> to vector<1x16xf32>
      tpu.vector_store %arg14[%swap3A_96, %swap3A_97], %swap3A_100 {strides = array<i32>} : memref<128x128xf32, #tpu.memory_space<vmem>>, vector<1x16xf32>,
      %swap3A_101 = arith.index_cast %scan3A_80 : i32 to index
      %swap3A_102 = arith.constant 64 : index
      %swap3A_103 = tpu.vector_load %arg14[%swap3A_101, %swap3A_102] {strides = array<i32>} : memref<128x128xf32, #tpu.memory_space<vmem>>, vector<1x16xf32>,
      %swap3A_104 = vector.shape_cast %swap3A_103 : vector<1x16xf32> to vector<16xf32>
      %swap3A_105 = vector.shape_cast %broadcast_in_dim3A_3 : vector<16xf32> to vector<1x16xf32>
      tpu.vector_store %arg14[%swap3A_101, %swap3A_102], %swap3A_105 {strides = array<i32>} : memref<128x128xf32, #tpu.memory_space<vmem>>, vector<1x16xf32>,
      %swap3A_106 = arith.index_cast %scan3A_80 : i32 to index
      %swap3A_107 = arith.constant 80 : index
      %swap3A_108 = tpu.vector_load %arg14[%swap3A_106, %swap3A_107] {strides = array<i32>} : memref<128x128xf32, #tpu.memory_space<vmem>>, vector<1x16xf32>,
      %swap3A_109 = vector.shape_cast %swap3A_108 : vector<1x16xf32> to vector<16xf32>
      %swap3A_110 = vector.shape_cast %broadcast_in_dim3A_3 : vector<16xf32> to vector<1x16xf32>
      tpu.vector_store %arg14[%swap3A_106, %swap3A_107], %swap3A_110 {strides = array<i32>} : memref<128x128xf32, #tpu.memory_space<vmem>>, vector<1x16xf32>,
      %swap3A_111 = arith.index_cast %scan3A_80 : i32 to index
      %swap3A_112 = arith.constant 96 : index
      %swap3A_113 = tpu.vector_load %arg14[%swap3A_111, %swap3A_112] {strides = array<i32>} : memref<128x128xf32, #tpu.memory_space<vmem>>, vector<1x16xf32>,
      %swap3A_114 = vector.shape_cast %swap3A_113 : vector<1x16xf32> to vector<16xf32>
      %swap3A_115 = vector.shape_cast %broadcast_in_dim3A_3 : vector<16xf32> to vector<1x16xf32>
      tpu.vector_store %arg14[%swap3A_111, %swap3A_112], %swap3A_115 {strides = array<i32>} : memref<128x128xf32, #tpu.memory_space<vmem>>, vector<1x16xf32>,
      %swap3A_116 = arith.index_cast %scan3A_80 : i32 to index
      %swap3A_117 = arith.constant 112 : index
      %swap3A_118 = tpu.vector_load %arg14[%swap3A_116, %swap3A_117] {strides = array<i32>} : memref<128x128xf32, #tpu.memory_space<vmem>>, vector<1x16xf32>,
      %swap3A_119 = vector.shape_cast %swap3A_118 : vector<1x16xf32> to vector<16xf32>
      %swap3A_120 = vector.shape_cast %broadcast_in_dim3A_3 : vector<16xf32> to vector<1x16xf32>
      tpu.vector_store %arg14[%swap3A_116, %swap3A_117], %swap3A_120 {strides = array<i32>} : memref<128x128xf32, #tpu.memory_space<vmem>>, vector<1x16xf32>,
      %scan3A_121 = arith.constant 0 : i32
      scf.yield %scan3A_121 : i32
    }
    %scan3A_11 = arith.constant 128 : i32
    %scan3A_12 = arith.constant 0 : i32
    %scan3A_13 = arith.constant 0 : i32
    %scan3A_14 = arith.constant 20 : i32
    %scan3A_15 = arith.addi %scan3A_13, %scan3A_14 : i32
    %scan3A_16 = arith.constant 1 : i32
    %scan3A_17 = scf.for %scan3A_80 = %scan3A_13 to %scan3A_15 step %scan3A_16 iter_args(%scan3A_81 = %scan3A_12) -> (i32)  : i32 {
      %mul3A_82 = arith.constant 16 : i32
      %mul3A_83 = arith.muli %scan3A_80, %mul3A_82 : i32
      %swap3A = arith.index_cast %mul3A_83 : i32 to index
      %swap3A_84 = tpu.vector_load %arg17[%swap3A] {strides = array<i32>} : memref<320xf32, #tpu.memory_space<vmem>>, vector<16xf32>,
      %swap3A_85 = vector.shape_cast %swap3A_84 : vector<16xf32> to vector<16xf32>
      %swap3A_86 = vector.shape_cast %broadcast_in_dim3A_3 : vector<16xf32> to vector<16xf32>
      tpu.vector_store %arg17[%swap3A], %swap3A_86 {strides = array<i32>} : memref<320xf32, #tpu.memory_space<vmem>>, vector<16xf32>,
      %scan3A_87 = arith.constant 0 : i32
      scf.yield %scan3A_87 : i32
    }
    %scan3A_18 = arith.constant 20 : i32
    %scan3A_19 = arith.constant 0 : i32
    %scan3A_20 = arith.constant 0 : i32
    %scan3A_21 = arith.constant 8 : i32
    %scan3A_22 = arith.addi %scan3A_20, %scan3A_21 : i32
    %scan3A_23 = arith.constant 1 : i32
    %scan3A_24 = scf.for %scan3A_80 = %scan3A_20 to %scan3A_22 step %scan3A_23 iter_args(%scan3A_81 = %scan3A_19) -> (i32)  : i32 {
      %mul3A_82 = arith.constant 16 : i32
      %mul3A_83 = arith.muli %scan3A_80, %mul3A_82 : i32
      %swap3A = arith.index_cast %mul3A_83 : i32 to index
      %swap3A_84 = tpu.vector_load %arg16[%swap3A] {strides = array<i32>} : memref<128xf32, #tpu.memory_space<vmem>>, vector<16xf32>,
      %swap3A_85 = vector.shape_cast %swap3A_84 : vector<16xf32> to vector<16xf32>
      %swap3A_86 = vector.shape_cast %broadcast_in_dim3A_5 : vector<16xf32> to vector<16xf32>
      tpu.vector_store %arg16[%swap3A], %swap3A_86 {strides = array<i32>} : memref<128xf32, #tpu.memory_space<vmem>>, vector<16xf32>,
      %scan3A_87 = arith.constant 0 : i32
      scf.yield %scan3A_87 : i32
    }
    %scan3A_25 = arith.constant 8 : i32
    %mul3A_26 = arith.constant 320 : i32
    %mul3A_27 = arith.muli %arg1, %mul3A_26 : i32
    %add3A = arith.constant 0 : i32
    %add3A_28 = arith.addi %mul3A_27, %add3A : i32
    "tpu.region"() ({
      %run_scoped3A = tpu.sem_alloc : memref<!tpu.dma_semaphore, #tpu.memory_space<semaphore_mem>>
      %dma_start3A_80 = arith.constant 0 : i32
      %dma_start3A_81 = arith.constant 0 : i32
      %dma_start3A_82 = tpu.memref_slice %arg14[%dma_start3A_80, %dma_start3A_81] : memref<128x128xf32, #tpu.memory_space<vmem>> -> memref<128x128xf32, #tpu.memory_space<vmem>>
      %dma_start3A_83 = arith.constant 0 : i32
      %dma_start3A_84 = tpu.memref_slice %arg18[%add3A_28, %dma_start3A_83] : memref<5120x128xf32, #tpu.memory_space<vmem_shared>> -> memref<128x128xf32, #tpu.memory_space<vmem_shared>>
      %dma_start3A_85 = arith.constant 0 : i32
      %dma_start3A_86 = tpu.memref_slice %arg18[%add3A_28, %dma_start3A_85] : memref<5120x128xf32, #tpu.memory_space<vmem_shared>> -> memref<128x128xf32, #tpu.memory_space<vmem_shared>>
      %dma_start3A_87 = arith.constant 0 : i32
      %dma_start3A_88 = arith.constant 0 : i32
      %dma_start3A_89 = tpu.memref_slice %arg14[%dma_start3A_87, %dma_start3A_88] : memref<128x128xf32, #tpu.memory_space<vmem>> -> memref<128x128xf32, #tpu.memory_space<vmem>>
      tpu.enqueue_dma source(%dma_start3A_89 : memref<128x128xf32, #tpu.memory_space<vmem>>) target(%dma_start3A_86 : memref<128x128xf32, #tpu.memory_space<vmem_shared>>) target_semaphore(%run_scoped3A : memref<!tpu.dma_semaphore, #tpu.memory_space<semaphore_mem>>)
      %dma_wait3A_90 = arith.constant 0 : i32
      %dma_wait3A_91 = arith.constant 0 : i32
      %dma_wait3A_92 = tpu.memref_slice %arg14[%dma_wait3A_90, %dma_wait3A_91] : memref<128x128xf32, #tpu.memory_space<vmem>> -> memref<128x128xf32, #tpu.memory_space<vmem>>
      %dma_wait3A_93 = arith.constant 0 : i32
      %dma_wait3A_94 = tpu.memref_slice %arg18[%add3A_28, %dma_wait3A_93] : memref<5120x128xf32, #tpu.memory_space<vmem_shared>> -> memref<128x128xf32, #tpu.memory_space<vmem_shared>>
      %dma_wait3A_95 = arith.constant 0 : i32
      %dma_wait3A_96 = tpu.memref_slice %arg18[%add3A_28, %dma_wait3A_95] : memref<5120x128xf32, #tpu.memory_space<vmem_shared>> -> memref<128x128xf32, #tpu.memory_space<vmem_shared>>
      %dma_wait3A_97 = arith.constant 0 : i32
      %dma_wait3A_98 = arith.constant 0 : i32
      %dma_wait3A_99 = tpu.memref_slice %arg14[%dma_wait3A_97, %dma_wait3A_98] : memref<128x128xf32, #tpu.memory_space<vmem>> -> memref<128x128xf32, #tpu.memory_space<vmem>>
      tpu.wait_dma2 semaphore(%run_scoped3A : memref<!tpu.dma_semaphore, #tpu.memory_space<semaphore_mem>>) src(%dma_wait3A_99 : memref<128x128xf32, #tpu.memory_space<vmem>>) dst(%dma_wait3A_96 : memref<128x128xf32, #tpu.memory_space<vmem_shared>>)
      tpu.yield
    }) : () -> ()
    %add3A_29 = arith.constant 128 : i32
    %add3A_30 = arith.addi %mul3A_27, %add3A_29 : i32
    "tpu.region"() ({
      %run_scoped3A = tpu.sem_alloc : memref<!tpu.dma_semaphore, #tpu.memory_space<semaphore_mem>>
      %dma_start3A_80 = arith.constant 0 : i32
      %dma_start3A_81 = arith.constant 0 : i32
      %dma_start3A_82 = tpu.memref_slice %arg14[%dma_start3A_80, %dma_start3A_81] : memref<128x128xf32, #tpu.memory_space<vmem>> -> memref<128x128xf32, #tpu.memory_space<vmem>>
      %dma_start3A_83 = arith.constant 0 : i32
      %dma_start3A_84 = tpu.memref_slice %arg18[%add3A_30, %dma_start3A_83] : memref<5120x128xf32, #tpu.memory_space<vmem_shared>> -> memref<128x128xf32, #tpu.memory_space<vmem_shared>>
      %dma_start3A_85 = arith.constant 0 : i32
      %dma_start3A_86 = tpu.memref_slice %arg18[%add3A_30, %dma_start3A_85] : memref<5120x128xf32, #tpu.memory_space<vmem_shared>> -> memref<128x128xf32, #tpu.memory_space<vmem_shared>>
      %dma_start3A_87 = arith.constant 0 : i32
      %dma_start3A_88 = arith.constant 0 : i32
      %dma_start3A_89 = tpu.memref_slice %arg14[%dma_start3A_87, %dma_start3A_88] : memref<128x128xf32, #tpu.memory_space<vmem>> -> memref<128x128xf32, #tpu.memory_space<vmem>>
      tpu.enqueue_dma source(%dma_start3A_89 : memref<128x128xf32, #tpu.memory_space<vmem>>) target(%dma_start3A_86 : memref<128x128xf32, #tpu.memory_space<vmem_shared>>) target_semaphore(%run_scoped3A : memref<!tpu.dma_semaphore, #tpu.memory_space<semaphore_mem>>)
      %dma_wait3A_90 = arith.constant 0 : i32
      %dma_wait3A_91 = arith.constant 0 : i32
      %dma_wait3A_92 = tpu.memref_slice %arg14[%dma_wait3A_90, %dma_wait3A_91] : memref<128x128xf32, #tpu.memory_space<vmem>> -> memref<128x128xf32, #tpu.memory_space<vmem>>
      %dma_wait3A_93 = arith.constant 0 : i32
      %dma_wait3A_94 = tpu.memref_slice %arg18[%add3A_30, %dma_wait3A_93] : memref<5120x128xf32, #tpu.memory_space<vmem_shared>> -> memref<128x128xf32, #tpu.memory_space<vmem_shared>>
      %dma_wait3A_95 = arith.constant 0 : i32
      %dma_wait3A_96 = tpu.memref_slice %arg18[%add3A_30, %dma_wait3A_95] : memref<5120x128xf32, #tpu.memory_space<vmem_shared>> -> memref<128x128xf32, #tpu.memory_space<vmem_shared>>
      %dma_wait3A_97 = arith.constant 0 : i32
      %dma_wait3A_98 = arith.constant 0 : i32
      %dma_wait3A_99 = tpu.memref_slice %arg14[%dma_wait3A_97, %dma_wait3A_98] : memref<128x128xf32, #tpu.memory_space<vmem>> -> memref<128x128xf32, #tpu.memory_space<vmem>>
      tpu.wait_dma2 semaphore(%run_scoped3A : memref<!tpu.dma_semaphore, #tpu.memory_space<semaphore_mem>>) src(%dma_wait3A_99 : memref<128x128xf32, #tpu.memory_space<vmem>>) dst(%dma_wait3A_96 : memref<128x128xf32, #tpu.memory_space<vmem_shared>>)
      tpu.yield
    }) : () -> ()
    %add3A_31 = arith.constant 256 : i32
    %add3A_32 = arith.addi %mul3A_27, %add3A_31 : i32
    "tpu.region"() ({
      %run_scoped3A = tpu.sem_alloc : memref<!tpu.dma_semaphore, #tpu.memory_space<semaphore_mem>>
      %dma_start3A_80 = arith.constant 0 : i32
      %dma_start3A_81 = arith.constant 0 : i32
      %dma_start3A_82 = tpu.memref_slice %arg14[%dma_start3A_80, %dma_start3A_81] : memref<128x128xf32, #tpu.memory_space<vmem>> -> memref<64x128xf32, #tpu.memory_space<vmem>>
      %dma_start3A_83 = arith.constant 0 : i32
      %dma_start3A_84 = tpu.memref_slice %arg18[%add3A_32, %dma_start3A_83] : memref<5120x128xf32, #tpu.memory_space<vmem_shared>> -> memref<64x128xf32, #tpu.memory_space<vmem_shared>>
      %dma_start3A_85 = arith.constant 0 : i32
      %dma_start3A_86 = tpu.memref_slice %arg18[%add3A_32, %dma_start3A_85] : memref<5120x128xf32, #tpu.memory_space<vmem_shared>> -> memref<64x128xf32, #tpu.memory_space<vmem_shared>>
      %dma_start3A_87 = arith.constant 0 : i32
      %dma_start3A_88 = arith.constant 0 : i32
      %dma_start3A_89 = tpu.memref_slice %arg14[%dma_start3A_87, %dma_start3A_88] : memref<128x128xf32, #tpu.memory_space<vmem>> -> memref<64x128xf32, #tpu.memory_space<vmem>>
      tpu.enqueue_dma source(%dma_start3A_89 : memref<64x128xf32, #tpu.memory_space<vmem>>) target(%dma_start3A_86 : memref<64x128xf32, #tpu.memory_space<vmem_shared>>) target_semaphore(%run_scoped3A : memref<!tpu.dma_semaphore, #tpu.memory_space<semaphore_mem>>)
      %dma_wait3A_90 = arith.constant 0 : i32
      %dma_wait3A_91 = arith.constant 0 : i32
      %dma_wait3A_92 = tpu.memref_slice %arg14[%dma_wait3A_90, %dma_wait3A_91] : memref<128x128xf32, #tpu.memory_space<vmem>> -> memref<64x128xf32, #tpu.memory_space<vmem>>
      %dma_wait3A_93 = arith.constant 0 : i32
      %dma_wait3A_94 = tpu.memref_slice %arg18[%add3A_32, %dma_wait3A_93] : memref<5120x128xf32, #tpu.memory_space<vmem_shared>> -> memref<64x128xf32, #tpu.memory_space<vmem_shared>>
      %dma_wait3A_95 = arith.constant 0 : i32
      %dma_wait3A_96 = tpu.memref_slice %arg18[%add3A_32, %dma_wait3A_95] : memref<5120x128xf32, #tpu.memory_space<vmem_shared>> -> memref<64x128xf32, #tpu.memory_space<vmem_shared>>
      %dma_wait3A_97 = arith.constant 0 : i32
      %dma_wait3A_98 = arith.constant 0 : i32
      %dma_wait3A_99 = tpu.memref_slice %arg14[%dma_wait3A_97, %dma_wait3A_98] : memref<128x128xf32, #tpu.memory_space<vmem>> -> memref<64x128xf32, #tpu.memory_space<vmem>>
      tpu.wait_dma2 semaphore(%run_scoped3A : memref<!tpu.dma_semaphore, #tpu.memory_space<semaphore_mem>>) src(%dma_wait3A_99 : memref<64x128xf32, #tpu.memory_space<vmem>>) dst(%dma_wait3A_96 : memref<64x128xf32, #tpu.memory_space<vmem_shared>>)
      tpu.yield
    }) : () -> ()
    "tpu.region"() ({
      %run_scoped3A = tpu.sem_alloc : memref<!tpu.dma_semaphore, #tpu.memory_space<semaphore_mem>>
      %dma_start3A_80 = tpu.memref_slice %arg19[%mul3A_27] : memref<5120xf32, #tpu.memory_space<vmem_shared>> -> memref<320xf32, #tpu.memory_space<vmem_shared>>
      %dma_start3A_81 = tpu.memref_slice %arg19[%mul3A_27] : memref<5120xf32, #tpu.memory_space<vmem_shared>> -> memref<320xf32, #tpu.memory_space<vmem_shared>>
      tpu.enqueue_dma source(%arg17 : memref<320xf32, #tpu.memory_space<vmem>>) target(%dma_start3A_81 : memref<320xf32, #tpu.memory_space<vmem_shared>>) target_semaphore(%run_scoped3A : memref<!tpu.dma_semaphore, #tpu.memory_space<semaphore_mem>>)
      %dma_wait3A_82 = tpu.memref_slice %arg19[%mul3A_27] : memref<5120xf32, #tpu.memory_space<vmem_shared>> -> memref<320xf32, #tpu.memory_space<vmem_shared>>
      %dma_wait3A_83 = tpu.memref_slice %arg19[%mul3A_27] : memref<5120xf32, #tpu.memory_space<vmem_shared>> -> memref<320xf32, #tpu.memory_space<vmem_shared>>
      tpu.wait_dma2 semaphore(%run_scoped3A : memref<!tpu.dma_semaphore, #tpu.memory_space<semaphore_mem>>) src(%arg17 : memref<320xf32, #tpu.memory_space<vmem>>) dst(%dma_wait3A_83 : memref<320xf32, #tpu.memory_space<vmem_shared>>)
      tpu.yield
    }) : () -> ()
    %barrier3A = arith.constant 0 : index
    tpu.barrier barrier_id(%barrier3A)
    %add3A_33 = arith.constant 0 : i32
    %add3A_34 = arith.addi %mul3A_0, %add3A_33 : i32
    %multiple_of3A = tpu.assume_multiple %add3A_34, 128 : i32
    %add3A_35 = arith.addi %mul3A_2, %mul3A_0 : i32
    %add3A_36 = arith.constant 0 : i32
    %add3A_37 = arith.addi %add3A_35, %add3A_36 : i32
    %multiple_of3A_38 = tpu.assume_multiple %add3A_37, 8 : i32
    %dma_start3A = tpu.memref_slice %arg3[%multiple_of3A] : memref<327680xi32, #tpu.memory_space<hbm>> -> memref<128xi32, #tpu.memory_space<hbm>>
    %dma_start3A_39 = tpu.memref_slice %arg3[%multiple_of3A] : memref<327680xi32, #tpu.memory_space<hbm>> -> memref<128xi32, #tpu.memory_space<hbm>>
    tpu.enqueue_dma source(%dma_start3A_39 : memref<128xi32, #tpu.memory_space<hbm>>) target(%arg8 : memref<128xi32, #tpu.memory_space<vmem>>) target_semaphore(%arg22 : memref<!tpu.dma_semaphore, #tpu.memory_space<semaphore_mem>>)
    %dma_start3A_40 = tpu.memref_slice %arg4[%multiple_of3A_38] : memref<655360xi32, #tpu.memory_space<hbm>> -> memref<128xi32, #tpu.memory_space<hbm>>
    %dma_start3A_41 = tpu.memref_slice %arg4[%multiple_of3A_38] : memref<655360xi32, #tpu.memory_space<hbm>> -> memref<128xi32, #tpu.memory_space<hbm>>
    tpu.enqueue_dma source(%dma_start3A_41 : memref<128xi32, #tpu.memory_space<hbm>>) target(%arg10 : memref<128xi32, #tpu.memory_space<vmem>>) target_semaphore(%arg24 : memref<!tpu.dma_semaphore, #tpu.memory_space<semaphore_mem>>)
    %dma_start3A_42 = arith.constant 0 : i32
    %dma_start3A_43 = tpu.memref_slice %arg5[%multiple_of3A, %dma_start3A_42] : memref<327680x16xf32, #tpu.memory_space<hbm>> -> memref<128x16xf32, #tpu.memory_space<hbm>>
    %dma_start3A_44 = arith.constant 0 : i32
    %dma_start3A_45 = tpu.memref_slice %arg5[%multiple_of3A, %dma_start3A_44] : memref<327680x16xf32, #tpu.memory_space<hbm>> -> memref<128x16xf32, #tpu.memory_space<hbm>>
    tpu.enqueue_dma source(%dma_start3A_45 : memref<128x16xf32, #tpu.memory_space<hbm>>) target(%arg12 : memref<128x16xf32, #tpu.memory_space<vmem>>) target_semaphore(%arg24 : memref<!tpu.dma_semaphore, #tpu.memory_space<semaphore_mem>>)
    %add3A_46 = arith.constant 0 : i32
    %add3A_47 = arith.addi %mul3A_0, %add3A_46 : i32
    %multiple_of3A_48 = tpu.assume_multiple %add3A_47, 128 : i32
    %dma_wait3A = tpu.memref_slice %arg3[%multiple_of3A_48] : memref<327680xi32, #tpu.memory_space<hbm>> -> memref<128xi32, #tpu.memory_space<hbm>>
    %dma_wait3A_49 = tpu.memref_slice %arg3[%multiple_of3A_48] : memref<327680xi32, #tpu.memory_space<hbm>> -> memref<128xi32, #tpu.memory_space<hbm>>
    tpu.wait_dma2 semaphore(%arg22 : memref<!tpu.dma_semaphore, #tpu.memory_space<semaphore_mem>>) src(%dma_wait3A_49 : memref<128xi32, #tpu.memory_space<hbm>>) dst(%arg8 : memref<128xi32, #tpu.memory_space<vmem>>)
    %dma_start3A_50 = arith.constant 0 : i32
    %dma_start3A_51 = arith.constant 0 : i32
    %dma_start3A_52 = tpu.memref_slice %arg2[%dma_start3A_50, %dma_start3A_51] : memref<5000x128xf32, #tpu.memory_space<hbm>> -> memref<5000x128xf32, #tpu.memory_space<hbm>>
    tpu.enqueue_indirect_dma source(%dma_start3A_52 : memref<5000x128xf32, #tpu.memory_space<hbm>>) target(%arg14 : memref<128x128xf32, #tpu.memory_space<vmem>>) offsets(%arg8 : memref<128xi32, #tpu.memory_space<vmem>>) semaphore(%arg20 : memref<!tpu.dma_semaphore, #tpu.memory_space<semaphore_mem>>)
    %add3A_53 = arith.constant 128 : i32
    %add3A_54 = arith.addi %mul3A_0, %add3A_53 : i32
    %multiple_of3A_55 = tpu.assume_multiple %add3A_54, 128 : i32
    %add3A_56 = arith.addi %mul3A_2, %mul3A_0 : i32
    %add3A_57 = arith.constant 128 : i32
    %add3A_58 = arith.addi %add3A_56, %add3A_57 : i32
    %multiple_of3A_59 = tpu.assume_multiple %add3A_58, 8 : i32
    %dma_start3A_60 = tpu.memref_slice %arg3[%multiple_of3A_55] : memref<327680xi32, #tpu.memory_space<hbm>> -> memref<128xi32, #tpu.memory_space<hbm>>
    %dma_start3A_61 = tpu.memref_slice %arg3[%multiple_of3A_55] : memref<327680xi32, #tpu.memory_space<hbm>> -> memref<128xi32, #tpu.memory_space<hbm>>
    tpu.enqueue_dma source(%dma_start3A_61 : memref<128xi32, #tpu.memory_space<hbm>>) target(%arg9 : memref<128xi32, #tpu.memory_space<vmem>>) target_semaphore(%arg23 : memref<!tpu.dma_semaphore, #tpu.memory_space<semaphore_mem>>)
    %dma_start3A_62 = tpu.memref_slice %arg4[%multiple_of3A_59] : memref<655360xi32, #tpu.memory_space<hbm>> -> memref<128xi32, #tpu.memory_space<hbm>>
    %dma_start3A_63 = tpu.memref_slice %arg4[%multiple_of3A_59] : memref<655360xi32, #tpu.memory_space<hbm>> -> memref<128xi32, #tpu.memory_space<hbm>>
    tpu.enqueue_dma source(%dma_start3A_63 : memref<128xi32, #tpu.memory_space<hbm>>) target(%arg11 : memref<128xi32, #tpu.memory_space<vmem>>) target_semaphore(%arg25 : memref<!tpu.dma_semaphore, #tpu.memory_space<semaphore_mem>>)
    %dma_start3A_64 = arith.constant 0 : i32
    %dma_start3A_65 = tpu.memref_slice %arg5[%multiple_of3A_55, %dma_start3A_64] : memref<327680x16xf32, #tpu.memory_space<hbm>> -> memref<128x16xf32, #tpu.memory_space<hbm>>
    %dma_start3A_66 = arith.constant 0 : i32
    %dma_start3A_67 = tpu.memref_slice %arg5[%multiple_of3A_55, %dma_start3A_66] : memref<327680x16xf32, #tpu.memory_space<hbm>> -> memref<128x16xf32, #tpu.memory_space<hbm>>
    tpu.enqueue_dma source(%dma_start3A_67 : memref<128x16xf32, #tpu.memory_space<hbm>>) target(%arg13 : memref<128x16xf32, #tpu.memory_space<vmem>>) target_semaphore(%arg25 : memref<!tpu.dma_semaphore, #tpu.memory_space<semaphore_mem>>)
    %scan3A_68 = arith.constant 0 : i32
    %scan3A_69 = arith.constant 0 : i32
    %scan3A_70 = arith.constant 80 : i32
    %scan3A_71 = arith.addi %scan3A_69, %scan3A_70 : i32
    %scan3A_72 = arith.constant 1 : i32
    %scan3A_73 = scf.for %scan3A_80 = %scan3A_69 to %scan3A_71 step %scan3A_72 iter_args(%scan3A_81 = %scan3A_68) -> (i32)  : i32 {
      %mul3A_82 = arith.constant 2 : i32
      %mul3A_83 = arith.muli %mul3A_82, %scan3A_80 : i32
      %add3A_84 = arith.constant 1 : i32
      %add3A_85 = arith.addi %mul3A_83, %add3A_84 : i32
      %mul3A_86 = arith.constant 128 : i32
      %mul3A_87 = arith.muli %add3A_85, %mul3A_86 : i32
      %add3A_88 = arith.addi %mul3A_0, %mul3A_87 : i32
      %multiple_of3A_89 = tpu.assume_multiple %add3A_88, 128 : i32
      %dma_wait3A_90 = tpu.memref_slice %arg3[%multiple_of3A_89] : memref<327680xi32, #tpu.memory_space<hbm>> -> memref<128xi32, #tpu.memory_space<hbm>>
      %dma_wait3A_91 = tpu.memref_slice %arg3[%multiple_of3A_89] : memref<327680xi32, #tpu.memory_space<hbm>> -> memref<128xi32, #tpu.memory_space<hbm>>
      tpu.wait_dma2 semaphore(%arg23 : memref<!tpu.dma_semaphore, #tpu.memory_space<semaphore_mem>>) src(%dma_wait3A_91 : memref<128xi32, #tpu.memory_space<hbm>>) dst(%arg9 : memref<128xi32, #tpu.memory_space<vmem>>)
      %dma_start3A_92 = arith.constant 0 : i32
      %dma_start3A_93 = arith.constant 0 : i32
      %dma_start3A_94 = tpu.memref_slice %arg2[%dma_start3A_92, %dma_start3A_93] : memref<5000x128xf32, #tpu.memory_space<hbm>> -> memref<5000x128xf32, #tpu.memory_space<hbm>>
      tpu.enqueue_indirect_dma source(%dma_start3A_94 : memref<5000x128xf32, #tpu.memory_space<hbm>>) target(%arg15 : memref<128x128xf32, #tpu.memory_space<vmem>>) offsets(%arg9 : memref<128xi32, #tpu.memory_space<vmem>>) semaphore(%arg21 : memref<!tpu.dma_semaphore, #tpu.memory_space<semaphore_mem>>)
      %mul3A_95 = arith.constant 128 : i32
      %mul3A_96 = arith.muli %mul3A_83, %mul3A_95 : i32
      %add3A_97 = arith.addi %mul3A_0, %mul3A_96 : i32
      %multiple_of3A_98 = tpu.assume_multiple %add3A_97, 128 : i32
      %add3A_99 = arith.addi %mul3A_2, %mul3A_0 : i32
      %mul3A_100 = arith.constant 128 : i32
      %mul3A_101 = arith.muli %mul3A_83, %mul3A_100 : i32
      %add3A_102 = arith.addi %add3A_99, %mul3A_101 : i32
      %multiple_of3A_103 = tpu.assume_multiple %add3A_102, 8 : i32
      %dma_wait3A_104 = arith.constant 0 : i32
      %dma_wait3A_105 = arith.constant 0 : i32
      %dma_wait3A_106 = tpu.memref_slice %arg2[%dma_wait3A_104, %dma_wait3A_105] : memref<5000x128xf32, #tpu.memory_space<hbm>> -> memref<5000x128xf32, #tpu.memory_space<hbm>>
      tpu.wait_indirect_dma semaphore(%arg20 : memref<!tpu.dma_semaphore, #tpu.memory_space<semaphore_mem>>) src(%dma_wait3A_106 : memref<5000x128xf32, #tpu.memory_space<hbm>>) dst(%arg14 : memref<128x128xf32, #tpu.memory_space<vmem>>)
      %dma_wait3A_107 = tpu.memref_slice %arg4[%multiple_of3A_103] : memref<655360xi32, #tpu.memory_space<hbm>> -> memref<128xi32, #tpu.memory_space<hbm>>
      %dma_wait3A_108 = tpu.memref_slice %arg4[%multiple_of3A_103] : memref<655360xi32, #tpu.memory_space<hbm>> -> memref<128xi32, #tpu.memory_space<hbm>>
      tpu.wait_dma2 semaphore(%arg24 : memref<!tpu.dma_semaphore, #tpu.memory_space<semaphore_mem>>) src(%dma_wait3A_108 : memref<128xi32, #tpu.memory_space<hbm>>) dst(%arg10 : memref<128xi32, #tpu.memory_space<vmem>>)
      %dma_wait3A_109 = arith.constant 0 : i32
      %dma_wait3A_110 = tpu.memref_slice %arg5[%multiple_of3A_98, %dma_wait3A_109] : memref<327680x16xf32, #tpu.memory_space<hbm>> -> memref<128x16xf32, #tpu.memory_space<hbm>>
      %dma_wait3A_111 = arith.constant 0 : i32
      %dma_wait3A_112 = tpu.memref_slice %arg5[%multiple_of3A_98, %dma_wait3A_111] : memref<327680x16xf32, #tpu.memory_space<hbm>> -> memref<128x16xf32, #tpu.memory_space<hbm>>
      tpu.wait_dma2 semaphore(%arg24 : memref<!tpu.dma_semaphore, #tpu.memory_space<semaphore_mem>>) src(%dma_wait3A_112 : memref<128x16xf32, #tpu.memory_space<hbm>>) dst(%arg12 : memref<128x16xf32, #tpu.memory_space<vmem>>)
      %scan3A_113 = arith.constant 0 : i32
      %scan3A_114 = arith.constant 0 : i32
      %scan3A_115 = arith.constant 128 : i32
      %scan3A_116 = arith.addi %scan3A_114, %scan3A_115 : i32
      %scan3A_117 = arith.constant 1 : i32
      %scan3A_118 = scf.for %scan3A_155 = %scan3A_114 to %scan3A_116 step %scan3A_117 iter_args(%scan3A_156 = %scan3A_113) -> (i32)  : i32 {
        %get3A = arith.index_cast %scan3A_155 : i32 to index
        %get3A_157 = arith.constant 0 : index
        %get3A_158 = tpu.vector_load %arg12[%get3A, %get3A_157] {strides = array<i32>} : memref<128x16xf32, #tpu.memory_space<vmem>>, vector<1x16xf32>,
        %get3A_159 = vector.shape_cast %get3A_158 : vector<1x16xf32> to vector<16xf32>
        %get3A_160 = arith.index_cast %scan3A_155 : i32 to index
        %get3A_161 = arith.constant 0 : index
        %get3A_162 = tpu.vector_load %arg14[%get3A_160, %get3A_161] {strides = array<i32>} : memref<128x128xf32, #tpu.memory_space<vmem>>, vector<1x16xf32>,
        %get3A_163 = vector.shape_cast %get3A_162 : vector<1x16xf32> to vector<16xf32>
        %mul3A_164 = arith.mulf %get3A_163, %get3A_159 : vector<16xf32>
        %swap3A = arith.index_cast %scan3A_155 : i32 to index
        %swap3A_165 = arith.constant 0 : index
        %swap3A_166 = tpu.vector_load %arg14[%swap3A, %swap3A_165] {strides = array<i32>} : memref<128x128xf32, #tpu.memory_space<vmem>>, vector<1x16xf32>,
        %swap3A_167 = vector.shape_cast %swap3A_166 : vector<1x16xf32> to vector<16xf32>
        %swap3A_168 = vector.shape_cast %mul3A_164 : vector<16xf32> to vector<1x16xf32>
        tpu.vector_store %arg14[%swap3A, %swap3A_165], %swap3A_168 {strides = array<i32>} : memref<128x128xf32, #tpu.memory_space<vmem>>, vector<1x16xf32>,
        %get3A_169 = arith.index_cast %scan3A_155 : i32 to index
        %get3A_170 = arith.constant 16 : index
        %get3A_171 = tpu.vector_load %arg14[%get3A_169, %get3A_170] {strides = array<i32>} : memref<128x128xf32, #tpu.memory_space<vmem>>, vector<1x16xf32>,
        %get3A_172 = vector.shape_cast %get3A_171 : vector<1x16xf32> to vector<16xf32>
        %mul3A_173 = arith.mulf %get3A_172, %get3A_159 : vector<16xf32>
        %swap3A_174 = arith.index_cast %scan3A_155 : i32 to index
        %swap3A_175 = arith.constant 16 : index
        %swap3A_176 = tpu.vector_load %arg14[%swap3A_174, %swap3A_175] {strides = array<i32>} : memref<128x128xf32, #tpu.memory_space<vmem>>, vector<1x16xf32>,
        %swap3A_177 = vector.shape_cast %swap3A_176 : vector<1x16xf32> to vector<16xf32>
        %swap3A_178 = vector.shape_cast %mul3A_173 : vector<16xf32> to vector<1x16xf32>
        tpu.vector_store %arg14[%swap3A_174, %swap3A_175], %swap3A_178 {strides = array<i32>} : memref<128x128xf32, #tpu.memory_space<vmem>>, vector<1x16xf32>,
        %get3A_179 = arith.index_cast %scan3A_155 : i32 to index
        %get3A_180 = arith.constant 32 : index
        %get3A_181 = tpu.vector_load %arg14[%get3A_179, %get3A_180] {strides = array<i32>} : memref<128x128xf32, #tpu.memory_space<vmem>>, vector<1x16xf32>,
        %get3A_182 = vector.shape_cast %get3A_181 : vector<1x16xf32> to vector<16xf32>
        %mul3A_183 = arith.mulf %get3A_182, %get3A_159 : vector<16xf32>
        %swap3A_184 = arith.index_cast %scan3A_155 : i32 to index
        %swap3A_185 = arith.constant 32 : index
        %swap3A_186 = tpu.vector_load %arg14[%swap3A_184, %swap3A_185] {strides = array<i32>} : memref<128x128xf32, #tpu.memory_space<vmem>>, vector<1x16xf32>,
        %swap3A_187 = vector.shape_cast %swap3A_186 : vector<1x16xf32> to vector<16xf32>
        %swap3A_188 = vector.shape_cast %mul3A_183 : vector<16xf32> to vector<1x16xf32>
        tpu.vector_store %arg14[%swap3A_184, %swap3A_185], %swap3A_188 {strides = array<i32>} : memref<128x128xf32, #tpu.memory_space<vmem>>, vector<1x16xf32>,
        %get3A_189 = arith.index_cast %scan3A_155 : i32 to index
        %get3A_190 = arith.constant 48 : index
        %get3A_191 = tpu.vector_load %arg14[%get3A_189, %get3A_190] {strides = array<i32>} : memref<128x128xf32, #tpu.memory_space<vmem>>, vector<1x16xf32>,
        %get3A_192 = vector.shape_cast %get3A_191 : vector<1x16xf32> to vector<16xf32>
        %mul3A_193 = arith.mulf %get3A_192, %get3A_159 : vector<16xf32>
        %swap3A_194 = arith.index_cast %scan3A_155 : i32 to index
        %swap3A_195 = arith.constant 48 : index
        %swap3A_196 = tpu.vector_load %arg14[%swap3A_194, %swap3A_195] {strides = array<i32>} : memref<128x128xf32, #tpu.memory_space<vmem>>, vector<1x16xf32>,
        %swap3A_197 = vector.shape_cast %swap3A_196 : vector<1x16xf32> to vector<16xf32>
        %swap3A_198 = vector.shape_cast %mul3A_193 : vector<16xf32> to vector<1x16xf32>
        tpu.vector_store %arg14[%swap3A_194, %swap3A_195], %swap3A_198 {strides = array<i32>} : memref<128x128xf32, #tpu.memory_space<vmem>>, vector<1x16xf32>,
        %get3A_199 = arith.index_cast %scan3A_155 : i32 to index
        %get3A_200 = arith.constant 64 : index
        %get3A_201 = tpu.vector_load %arg14[%get3A_199, %get3A_200] {strides = array<i32>} : memref<128x128xf32, #tpu.memory_space<vmem>>, vector<1x16xf32>,
        %get3A_202 = vector.shape_cast %get3A_201 : vector<1x16xf32> to vector<16xf32>
        %mul3A_203 = arith.mulf %get3A_202, %get3A_159 : vector<16xf32>
        %swap3A_204 = arith.index_cast %scan3A_155 : i32 to index
        %swap3A_205 = arith.constant 64 : index
        %swap3A_206 = tpu.vector_load %arg14[%swap3A_204, %swap3A_205] {strides = array<i32>} : memref<128x128xf32, #tpu.memory_space<vmem>>, vector<1x16xf32>,
        %swap3A_207 = vector.shape_cast %swap3A_206 : vector<1x16xf32> to vector<16xf32>
        %swap3A_208 = vector.shape_cast %mul3A_203 : vector<16xf32> to vector<1x16xf32>
        tpu.vector_store %arg14[%swap3A_204, %swap3A_205], %swap3A_208 {strides = array<i32>} : memref<128x128xf32, #tpu.memory_space<vmem>>, vector<1x16xf32>,
        %get3A_209 = arith.index_cast %scan3A_155 : i32 to index
        %get3A_210 = arith.constant 80 : index
        %get3A_211 = tpu.vector_load %arg14[%get3A_209, %get3A_210] {strides = array<i32>} : memref<128x128xf32, #tpu.memory_space<vmem>>, vector<1x16xf32>,
        %get3A_212 = vector.shape_cast %get3A_211 : vector<1x16xf32> to vector<16xf32>
        %mul3A_213 = arith.mulf %get3A_212, %get3A_159 : vector<16xf32>
        %swap3A_214 = arith.index_cast %scan3A_155 : i32 to index
        %swap3A_215 = arith.constant 80 : index
        %swap3A_216 = tpu.vector_load %arg14[%swap3A_214, %swap3A_215] {strides = array<i32>} : memref<128x128xf32, #tpu.memory_space<vmem>>, vector<1x16xf32>,
        %swap3A_217 = vector.shape_cast %swap3A_216 : vector<1x16xf32> to vector<16xf32>
        %swap3A_218 = vector.shape_cast %mul3A_213 : vector<16xf32> to vector<1x16xf32>
        tpu.vector_store %arg14[%swap3A_214, %swap3A_215], %swap3A_218 {strides = array<i32>} : memref<128x128xf32, #tpu.memory_space<vmem>>, vector<1x16xf32>,
        %get3A_219 = arith.index_cast %scan3A_155 : i32 to index
        %get3A_220 = arith.constant 96 : index
        %get3A_221 = tpu.vector_load %arg14[%get3A_219, %get3A_220] {strides = array<i32>} : memref<128x128xf32, #tpu.memory_space<vmem>>, vector<1x16xf32>,
        %get3A_222 = vector.shape_cast %get3A_221 : vector<1x16xf32> to vector<16xf32>
        %mul3A_223 = arith.mulf %get3A_222, %get3A_159 : vector<16xf32>
        %swap3A_224 = arith.index_cast %scan3A_155 : i32 to index
        %swap3A_225 = arith.constant 96 : index
        %swap3A_226 = tpu.vector_load %arg14[%swap3A_224, %swap3A_225] {strides = array<i32>} : memref<128x128xf32, #tpu.memory_space<vmem>>, vector<1x16xf32>,
        %swap3A_227 = vector.shape_cast %swap3A_226 : vector<1x16xf32> to vector<16xf32>
        %swap3A_228 = vector.shape_cast %mul3A_223 : vector<16xf32> to vector<1x16xf32>
        tpu.vector_store %arg14[%swap3A_224, %swap3A_225], %swap3A_228 {strides = array<i32>} : memref<128x128xf32, #tpu.memory_space<vmem>>, vector<1x16xf32>,
        %get3A_229 = arith.index_cast %scan3A_155 : i32 to index
        %get3A_230 = arith.constant 112 : index
        %get3A_231 = tpu.vector_load %arg14[%get3A_229, %get3A_230] {strides = array<i32>} : memref<128x128xf32, #tpu.memory_space<vmem>>, vector<1x16xf32>,
        %get3A_232 = vector.shape_cast %get3A_231 : vector<1x16xf32> to vector<16xf32>
        %mul3A_233 = arith.mulf %get3A_232, %get3A_159 : vector<16xf32>
        %swap3A_234 = arith.index_cast %scan3A_155 : i32 to index
        %swap3A_235 = arith.constant 112 : index
        %swap3A_236 = tpu.vector_load %arg14[%swap3A_234, %swap3A_235] {strides = array<i32>} : memref<128x128xf32, #tpu.memory_space<vmem>>, vector<1x16xf32>,
        %swap3A_237 = vector.shape_cast %swap3A_236 : vector<1x16xf32> to vector<16xf32>
        %swap3A_238 = vector.shape_cast %mul3A_233 : vector<16xf32> to vector<1x16xf32>
        tpu.vector_store %arg14[%swap3A_234, %swap3A_235], %swap3A_238 {strides = array<i32>} : memref<128x128xf32, #tpu.memory_space<vmem>>, vector<1x16xf32>,
        %scan3A_239 = arith.constant 0 : i32
        scf.yield %scan3A_239 : i32
      }
      %scan3A_119 = arith.constant 128 : i32
      "tpu.region"() ({
        %run_scoped3A = tpu.sem_alloc : memref<!tpu.dma_semaphore, #tpu.memory_space<semaphore_mem>>
        %dma_start3A_155 = arith.constant 0 : i32
        %dma_start3A_156 = arith.constant 0 : i32
        %dma_start3A_157 = tpu.memref_slice %arg18[%dma_start3A_155, %dma_start3A_156] : memref<5120x128xf32, #tpu.memory_space<vmem_shared>> -> memref<5120x128xf32, #tpu.memory_space<vmem_shared>>
        tpu.enqueue_indirect_dma source(%arg14 : memref<128x128xf32, #tpu.memory_space<vmem>>) target(%dma_start3A_157 : memref<5120x128xf32, #tpu.memory_space<vmem_shared>>) offsets(%arg10 : memref<128xi32, #tpu.memory_space<vmem>>) semaphore(%run_scoped3A : memref<!tpu.dma_semaphore, #tpu.memory_space<semaphore_mem>>) {add = true}
        %dma_wait3A_158 = arith.constant 0 : i32
        %dma_wait3A_159 = arith.constant 0 : i32
        %dma_wait3A_160 = tpu.memref_slice %arg18[%dma_wait3A_158, %dma_wait3A_159] : memref<5120x128xf32, #tpu.memory_space<vmem_shared>> -> memref<5120x128xf32, #tpu.memory_space<vmem_shared>>
        tpu.wait_indirect_dma semaphore(%run_scoped3A : memref<!tpu.dma_semaphore, #tpu.memory_space<semaphore_mem>>) src(%arg14 : memref<128x128xf32, #tpu.memory_space<vmem>>) dst(%dma_wait3A_160 : memref<5120x128xf32, #tpu.memory_space<vmem_shared>>)
        tpu.yield
      }) : () -> ()
      "tpu.region"() ({
        %run_scoped3A = tpu.sem_alloc : memref<!tpu.dma_semaphore, #tpu.memory_space<semaphore_mem>>
        %dma_start3A_155 = arith.constant 0 : i32
        %dma_start3A_156 = tpu.memref_slice %arg19[%dma_start3A_155] : memref<5120xf32, #tpu.memory_space<vmem_shared>> -> memref<5120xf32, #tpu.memory_space<vmem_shared>>
        tpu.enqueue_indirect_dma source(%arg16 : memref<128xf32, #tpu.memory_space<vmem>>) target(%dma_start3A_156 : memref<5120xf32, #tpu.memory_space<vmem_shared>>) offsets(%arg10 : memref<128xi32, #tpu.memory_space<vmem>>) semaphore(%run_scoped3A : memref<!tpu.dma_semaphore, #tpu.memory_space<semaphore_mem>>) {add = true}
        %dma_wait3A_157 = arith.constant 0 : i32
        %dma_wait3A_158 = tpu.memref_slice %arg19[%dma_wait3A_157] : memref<5120xf32, #tpu.memory_space<vmem_shared>> -> memref<5120xf32, #tpu.memory_space<vmem_shared>>
        tpu.wait_indirect_dma semaphore(%run_scoped3A : memref<!tpu.dma_semaphore, #tpu.memory_space<semaphore_mem>>) src(%arg16 : memref<128xf32, #tpu.memory_space<vmem>>) dst(%dma_wait3A_158 : memref<5120xf32, #tpu.memory_space<vmem_shared>>)
        tpu.yield
      }) : () -> ()
      %lt3A = arith.constant 79 : i32
      %lt3A_120 = arith.cmpi slt, %scan3A_80, %lt3A : i32
      %convert_element_type3A = arith.extui %lt3A_120 : i1 to i32
      %cond3A = arith.constant 0 : i32
      %cond3A_121 = arith.cmpi ne, %convert_element_type3A, %cond3A : i32
      scf.if %cond3A_121 {
        %add3A_155 = arith.constant 2 : i32
        %add3A_156 = arith.addi %mul3A_83, %add3A_155 : i32
        %mul3A_157 = arith.constant 128 : i32
        %mul3A_158 = arith.muli %add3A_156, %mul3A_157 : i32
        %add3A_159 = arith.addi %mul3A_0, %mul3A_158 : i32
        %multiple_of3A_160 = tpu.assume_multiple %add3A_159, 128 : i32
        %add3A_161 = arith.addi %mul3A_2, %mul3A_0 : i32
        %mul3A_162 = arith.constant 128 : i32
        %mul3A_163 = arith.muli %add3A_156, %mul3A_162 : i32
        %add3A_164 = arith.addi %add3A_161, %mul3A_163 : i32
        %multiple_of3A_165 = tpu.assume_multiple %add3A_164, 8 : i32
        %dma_start3A_166 = tpu.memref_slice %arg3[%multiple_of3A_160] : memref<327680xi32, #tpu.memory_space<hbm>> -> memref<128xi32, #tpu.memory_space<hbm>>
        %dma_start3A_167 = tpu.memref_slice %arg3[%multiple_of3A_160] : memref<327680xi32, #tpu.memory_space<hbm>> -> memref<128xi32, #tpu.memory_space<hbm>>
        tpu.enqueue_dma source(%dma_start3A_167 : memref<128xi32, #tpu.memory_space<hbm>>) target(%arg8 : memref<128xi32, #tpu.memory_space<vmem>>) target_semaphore(%arg22 : memref<!tpu.dma_semaphore, #tpu.memory_space<semaphore_mem>>)
        %dma_start3A_168 = tpu.memref_slice %arg4[%multiple_of3A_165] : memref<655360xi32, #tpu.memory_space<hbm>> -> memref<128xi32, #tpu.memory_space<hbm>>
        %dma_start3A_169 = tpu.memref_slice %arg4[%multiple_of3A_165] : memref<655360xi32, #tpu.memory_space<hbm>> -> memref<128xi32, #tpu.memory_space<hbm>>
        tpu.enqueue_dma source(%dma_start3A_169 : memref<128xi32, #tpu.memory_space<hbm>>) target(%arg10 : memref<128xi32, #tpu.memory_space<vmem>>) target_semaphore(%arg24 : memref<!tpu.dma_semaphore, #tpu.memory_space<semaphore_mem>>)
        %dma_start3A_170 = arith.constant 0 : i32
        %dma_start3A_171 = tpu.memref_slice %arg5[%multiple_of3A_160, %dma_start3A_170] : memref<327680x16xf32, #tpu.memory_space<hbm>> -> memref<128x16xf32, #tpu.memory_space<hbm>>
        %dma_start3A_172 = arith.constant 0 : i32
        %dma_start3A_173 = tpu.memref_slice %arg5[%multiple_of3A_160, %dma_start3A_172] : memref<327680x16xf32, #tpu.memory_space<hbm>> -> memref<128x16xf32, #tpu.memory_space<hbm>>
        tpu.enqueue_dma source(%dma_start3A_173 : memref<128x16xf32, #tpu.memory_space<hbm>>) target(%arg12 : memref<128x16xf32, #tpu.memory_space<vmem>>) target_semaphore(%arg24 : memref<!tpu.dma_semaphore, #tpu.memory_space<semaphore_mem>>)
        %add3A_174 = arith.constant 2 : i32
        %add3A_175 = arith.addi %mul3A_83, %add3A_174 : i32
        %mul3A_176 = arith.constant 128 : i32
        %mul3A_177 = arith.muli %add3A_175, %mul3A_176 : i32
        %add3A_178 = arith.addi %mul3A_0, %mul3A_177 : i32
        %multiple_of3A_179 = tpu.assume_multiple %add3A_178, 128 : i32
        %dma_wait3A_180 = tpu.memref_slice %arg3[%multiple_of3A_179] : memref<327680xi32, #tpu.memory_space<hbm>> -> memref<128xi32, #tpu.memory_space<hbm>>
        %dma_wait3A_181 = tpu.memref_slice %arg3[%multiple_of3A_179] : memref<327680xi32, #tpu.memory_space<hbm>> -> memref<128xi32, #tpu.memory_space<hbm>>
        tpu.wait_dma2 semaphore(%arg22 : memref<!tpu.dma_semaphore, #tpu.memory_space<semaphore_mem>>) src(%dma_wait3A_181 : memref<128xi32, #tpu.memory_space<hbm>>) dst(%arg8 : memref<128xi32, #tpu.memory_space<vmem>>)
        %dma_start3A_182 = arith.constant 0 : i32
        %dma_start3A_183 = arith.constant 0 : i32
        %dma_start3A_184 = tpu.memref_slice %arg2[%dma_start3A_182, %dma_start3A_183] : memref<5000x128xf32, #tpu.memory_space<hbm>> -> memref<5000x128xf32, #tpu.memory_space<hbm>>
        tpu.enqueue_indirect_dma source(%dma_start3A_184 : memref<5000x128xf32, #tpu.memory_space<hbm>>) target(%arg14 : memref<128x128xf32, #tpu.memory_space<vmem>>) offsets(%arg8 : memref<128xi32, #tpu.memory_space<vmem>>) semaphore(%arg20 : memref<!tpu.dma_semaphore, #tpu.memory_space<semaphore_mem>>)
      } else {
      }
      %add3A_122 = arith.constant 1 : i32
      %add3A_123 = arith.addi %mul3A_83, %add3A_122 : i32
      %mul3A_124 = arith.constant 128 : i32
      %mul3A_125 = arith.muli %add3A_123, %mul3A_124 : i32
      %add3A_126 = arith.addi %mul3A_0, %mul3A_125 : i32
      %multiple_of3A_127 = tpu.assume_multiple %add3A_126, 128 : i32
      %add3A_128 = arith.addi %mul3A_2, %mul3A_0 : i32
      %mul3A_129 = arith.constant 128 : i32
      %mul3A_130 = arith.muli %add3A_123, %mul3A_129 : i32
      %add3A_131 = arith.addi %add3A_128, %mul3A_130 : i32
      %multiple_of3A_132 = tpu.assume_multiple %add3A_131, 8 : i32
      %dma_wait3A_133 = arith.constant 0 : i32
      %dma_wait3A_134 = arith.constant 0 : i32
      %dma_wait3A_135 = tpu.memref_slice %arg2[%dma_wait3A_133, %dma_wait3A_134] : memref<5000x128xf32, #tpu.memory_space<hbm>> -> memref<5000x128xf32, #tpu.memory_space<hbm>>
      tpu.wait_indirect_dma semaphore(%arg21 : memref<!tpu.dma_semaphore, #tpu.memory_space<semaphore_mem>>) src(%dma_wait3A_135 : memref<5000x128xf32, #tpu.memory_space<hbm>>) dst(%arg15 : memref<128x128xf32, #tpu.memory_space<vmem>>)
      %dma_wait3A_136 = tpu.memref_slice %arg4[%multiple_of3A_132] : memref<655360xi32, #tpu.memory_space<hbm>> -> memref<128xi32, #tpu.memory_space<hbm>>
      %dma_wait3A_137 = tpu.memref_slice %arg4[%multiple_of3A_132] : memref<655360xi32, #tpu.memory_space<hbm>> -> memref<128xi32, #tpu.memory_space<hbm>>
      tpu.wait_dma2 semaphore(%arg25 : memref<!tpu.dma_semaphore, #tpu.memory_space<semaphore_mem>>) src(%dma_wait3A_137 : memref<128xi32, #tpu.memory_space<hbm>>) dst(%arg11 : memref<128xi32, #tpu.memory_space<vmem>>)
      %dma_wait3A_138 = arith.constant 0 : i32
      %dma_wait3A_139 = tpu.memref_slice %arg5[%multiple_of3A_127, %dma_wait3A_138] : memref<327680x16xf32, #tpu.memory_space<hbm>> -> memref<128x16xf32, #tpu.memory_space<hbm>>
      %dma_wait3A_140 = arith.constant 0 : i32
      %dma_wait3A_141 = tpu.memref_slice %arg5[%multiple_of3A_127, %dma_wait3A_140] : memref<327680x16xf32, #tpu.memory_space<hbm>> -> memref<128x16xf32, #tpu.memory_space<hbm>>
      tpu.wait_dma2 semaphore(%arg25 : memref<!tpu.dma_semaphore, #tpu.memory_space<semaphore_mem>>) src(%dma_wait3A_141 : memref<128x16xf32, #tpu.memory_space<hbm>>) dst(%arg13 : memref<128x16xf32, #tpu.memory_space<vmem>>)
      %scan3A_142 = arith.constant 0 : i32
      %scan3A_143 = arith.constant 0 : i32
      %scan3A_144 = arith.constant 128 : i32
      %scan3A_145 = arith.addi %scan3A_143, %scan3A_144 : i32
      %scan3A_146 = arith.constant 1 : i32
      %scan3A_147 = scf.for %scan3A_155 = %scan3A_143 to %scan3A_145 step %scan3A_146 iter_args(%scan3A_156 = %scan3A_142) -> (i32)  : i32 {
        %get3A = arith.index_cast %scan3A_155 : i32 to index
        %get3A_157 = arith.constant 0 : index
        %get3A_158 = tpu.vector_load %arg13[%get3A, %get3A_157] {strides = array<i32>} : memref<128x16xf32, #tpu.memory_space<vmem>>, vector<1x16xf32>,
        %get3A_159 = vector.shape_cast %get3A_158 : vector<1x16xf32> to vector<16xf32>
        %get3A_160 = arith.index_cast %scan3A_155 : i32 to index
        %get3A_161 = arith.constant 0 : index
        %get3A_162 = tpu.vector_load %arg15[%get3A_160, %get3A_161] {strides = array<i32>} : memref<128x128xf32, #tpu.memory_space<vmem>>, vector<1x16xf32>,
        %get3A_163 = vector.shape_cast %get3A_162 : vector<1x16xf32> to vector<16xf32>
        %mul3A_164 = arith.mulf %get3A_163, %get3A_159 : vector<16xf32>
        %swap3A = arith.index_cast %scan3A_155 : i32 to index
        %swap3A_165 = arith.constant 0 : index
        %swap3A_166 = tpu.vector_load %arg15[%swap3A, %swap3A_165] {strides = array<i32>} : memref<128x128xf32, #tpu.memory_space<vmem>>, vector<1x16xf32>,
        %swap3A_167 = vector.shape_cast %swap3A_166 : vector<1x16xf32> to vector<16xf32>
        %swap3A_168 = vector.shape_cast %mul3A_164 : vector<16xf32> to vector<1x16xf32>
        tpu.vector_store %arg15[%swap3A, %swap3A_165], %swap3A_168 {strides = array<i32>} : memref<128x128xf32, #tpu.memory_space<vmem>>, vector<1x16xf32>,
        %get3A_169 = arith.index_cast %scan3A_155 : i32 to index
        %get3A_170 = arith.constant 16 : index
        %get3A_171 = tpu.vector_load %arg15[%get3A_169, %get3A_170] {strides = array<i32>} : memref<128x128xf32, #tpu.memory_space<vmem>>, vector<1x16xf32>,
        %get3A_172 = vector.shape_cast %get3A_171 : vector<1x16xf32> to vector<16xf32>
        %mul3A_173 = arith.mulf %get3A_172, %get3A_159 : vector<16xf32>
        %swap3A_174 = arith.index_cast %scan3A_155 : i32 to index
        %swap3A_175 = arith.constant 16 : index
        %swap3A_176 = tpu.vector_load %arg15[%swap3A_174, %swap3A_175] {strides = array<i32>} : memref<128x128xf32, #tpu.memory_space<vmem>>, vector<1x16xf32>,
        %swap3A_177 = vector.shape_cast %swap3A_176 : vector<1x16xf32> to vector<16xf32>
        %swap3A_178 = vector.shape_cast %mul3A_173 : vector<16xf32> to vector<1x16xf32>
        tpu.vector_store %arg15[%swap3A_174, %swap3A_175], %swap3A_178 {strides = array<i32>} : memref<128x128xf32, #tpu.memory_space<vmem>>, vector<1x16xf32>,
        %get3A_179 = arith.index_cast %scan3A_155 : i32 to index
        %get3A_180 = arith.constant 32 : index
        %get3A_181 = tpu.vector_load %arg15[%get3A_179, %get3A_180] {strides = array<i32>} : memref<128x128xf32, #tpu.memory_space<vmem>>, vector<1x16xf32>,
        %get3A_182 = vector.shape_cast %get3A_181 : vector<1x16xf32> to vector<16xf32>
        %mul3A_183 = arith.mulf %get3A_182, %get3A_159 : vector<16xf32>
        %swap3A_184 = arith.index_cast %scan3A_155 : i32 to index
        %swap3A_185 = arith.constant 32 : index
        %swap3A_186 = tpu.vector_load %arg15[%swap3A_184, %swap3A_185] {strides = array<i32>} : memref<128x128xf32, #tpu.memory_space<vmem>>, vector<1x16xf32>,
        %swap3A_187 = vector.shape_cast %swap3A_186 : vector<1x16xf32> to vector<16xf32>
        %swap3A_188 = vector.shape_cast %mul3A_183 : vector<16xf32> to vector<1x16xf32>
        tpu.vector_store %arg15[%swap3A_184, %swap3A_185], %swap3A_188 {strides = array<i32>} : memref<128x128xf32, #tpu.memory_space<vmem>>, vector<1x16xf32>,
        %get3A_189 = arith.index_cast %scan3A_155 : i32 to index
        %get3A_190 = arith.constant 48 : index
        %get3A_191 = tpu.vector_load %arg15[%get3A_189, %get3A_190] {strides = array<i32>} : memref<128x128xf32, #tpu.memory_space<vmem>>, vector<1x16xf32>,
        %get3A_192 = vector.shape_cast %get3A_191 : vector<1x16xf32> to vector<16xf32>
        %mul3A_193 = arith.mulf %get3A_192, %get3A_159 : vector<16xf32>
        %swap3A_194 = arith.index_cast %scan3A_155 : i32 to index
        %swap3A_195 = arith.constant 48 : index
        %swap3A_196 = tpu.vector_load %arg15[%swap3A_194, %swap3A_195] {strides = array<i32>} : memref<128x128xf32, #tpu.memory_space<vmem>>, vector<1x16xf32>,
        %swap3A_197 = vector.shape_cast %swap3A_196 : vector<1x16xf32> to vector<16xf32>
        %swap3A_198 = vector.shape_cast %mul3A_193 : vector<16xf32> to vector<1x16xf32>
        tpu.vector_store %arg15[%swap3A_194, %swap3A_195], %swap3A_198 {strides = array<i32>} : memref<128x128xf32, #tpu.memory_space<vmem>>, vector<1x16xf32>,
        %get3A_199 = arith.index_cast %scan3A_155 : i32 to index
        %get3A_200 = arith.constant 64 : index
        %get3A_201 = tpu.vector_load %arg15[%get3A_199, %get3A_200] {strides = array<i32>} : memref<128x128xf32, #tpu.memory_space<vmem>>, vector<1x16xf32>,
        %get3A_202 = vector.shape_cast %get3A_201 : vector<1x16xf32> to vector<16xf32>
        %mul3A_203 = arith.mulf %get3A_202, %get3A_159 : vector<16xf32>
        %swap3A_204 = arith.index_cast %scan3A_155 : i32 to index
        %swap3A_205 = arith.constant 64 : index
        %swap3A_206 = tpu.vector_load %arg15[%swap3A_204, %swap3A_205] {strides = array<i32>} : memref<128x128xf32, #tpu.memory_space<vmem>>, vector<1x16xf32>,
        %swap3A_207 = vector.shape_cast %swap3A_206 : vector<1x16xf32> to vector<16xf32>
        %swap3A_208 = vector.shape_cast %mul3A_203 : vector<16xf32> to vector<1x16xf32>
        tpu.vector_store %arg15[%swap3A_204, %swap3A_205], %swap3A_208 {strides = array<i32>} : memref<128x128xf32, #tpu.memory_space<vmem>>, vector<1x16xf32>,
        %get3A_209 = arith.index_cast %scan3A_155 : i32 to index
        %get3A_210 = arith.constant 80 : index
        %get3A_211 = tpu.vector_load %arg15[%get3A_209, %get3A_210] {strides = array<i32>} : memref<128x128xf32, #tpu.memory_space<vmem>>, vector<1x16xf32>,
        %get3A_212 = vector.shape_cast %get3A_211 : vector<1x16xf32> to vector<16xf32>
        %mul3A_213 = arith.mulf %get3A_212, %get3A_159 : vector<16xf32>
        %swap3A_214 = arith.index_cast %scan3A_155 : i32 to index
        %swap3A_215 = arith.constant 80 : index
        %swap3A_216 = tpu.vector_load %arg15[%swap3A_214, %swap3A_215] {strides = array<i32>} : memref<128x128xf32, #tpu.memory_space<vmem>>, vector<1x16xf32>,
        %swap3A_217 = vector.shape_cast %swap3A_216 : vector<1x16xf32> to vector<16xf32>
        %swap3A_218 = vector.shape_cast %mul3A_213 : vector<16xf32> to vector<1x16xf32>
        tpu.vector_store %arg15[%swap3A_214, %swap3A_215], %swap3A_218 {strides = array<i32>} : memref<128x128xf32, #tpu.memory_space<vmem>>, vector<1x16xf32>,
        %get3A_219 = arith.index_cast %scan3A_155 : i32 to index
        %get3A_220 = arith.constant 96 : index
        %get3A_221 = tpu.vector_load %arg15[%get3A_219, %get3A_220] {strides = array<i32>} : memref<128x128xf32, #tpu.memory_space<vmem>>, vector<1x16xf32>,
        %get3A_222 = vector.shape_cast %get3A_221 : vector<1x16xf32> to vector<16xf32>
        %mul3A_223 = arith.mulf %get3A_222, %get3A_159 : vector<16xf32>
        %swap3A_224 = arith.index_cast %scan3A_155 : i32 to index
        %swap3A_225 = arith.constant 96 : index
        %swap3A_226 = tpu.vector_load %arg15[%swap3A_224, %swap3A_225] {strides = array<i32>} : memref<128x128xf32, #tpu.memory_space<vmem>>, vector<1x16xf32>,
        %swap3A_227 = vector.shape_cast %swap3A_226 : vector<1x16xf32> to vector<16xf32>
        %swap3A_228 = vector.shape_cast %mul3A_223 : vector<16xf32> to vector<1x16xf32>
        tpu.vector_store %arg15[%swap3A_224, %swap3A_225], %swap3A_228 {strides = array<i32>} : memref<128x128xf32, #tpu.memory_space<vmem>>, vector<1x16xf32>,
        %get3A_229 = arith.index_cast %scan3A_155 : i32 to index
        %get3A_230 = arith.constant 112 : index
        %get3A_231 = tpu.vector_load %arg15[%get3A_229, %get3A_230] {strides = array<i32>} : memref<128x128xf32, #tpu.memory_space<vmem>>, vector<1x16xf32>,
        %get3A_232 = vector.shape_cast %get3A_231 : vector<1x16xf32> to vector<16xf32>
        %mul3A_233 = arith.mulf %get3A_232, %get3A_159 : vector<16xf32>
        %swap3A_234 = arith.index_cast %scan3A_155 : i32 to index
        %swap3A_235 = arith.constant 112 : index
        %swap3A_236 = tpu.vector_load %arg15[%swap3A_234, %swap3A_235] {strides = array<i32>} : memref<128x128xf32, #tpu.memory_space<vmem>>, vector<1x16xf32>,
        %swap3A_237 = vector.shape_cast %swap3A_236 : vector<1x16xf32> to vector<16xf32>
        %swap3A_238 = vector.shape_cast %mul3A_233 : vector<16xf32> to vector<1x16xf32>
        tpu.vector_store %arg15[%swap3A_234, %swap3A_235], %swap3A_238 {strides = array<i32>} : memref<128x128xf32, #tpu.memory_space<vmem>>, vector<1x16xf32>,
        %scan3A_239 = arith.constant 0 : i32
        scf.yield %scan3A_239 : i32
      }
      %scan3A_148 = arith.constant 128 : i32
      "tpu.region"() ({
        %run_scoped3A = tpu.sem_alloc : memref<!tpu.dma_semaphore, #tpu.memory_space<semaphore_mem>>
        %dma_start3A_155 = arith.constant 0 : i32
        %dma_start3A_156 = arith.constant 0 : i32
        %dma_start3A_157 = tpu.memref_slice %arg18[%dma_start3A_155, %dma_start3A_156] : memref<5120x128xf32, #tpu.memory_space<vmem_shared>> -> memref<5120x128xf32, #tpu.memory_space<vmem_shared>>
        tpu.enqueue_indirect_dma source(%arg15 : memref<128x128xf32, #tpu.memory_space<vmem>>) target(%dma_start3A_157 : memref<5120x128xf32, #tpu.memory_space<vmem_shared>>) offsets(%arg11 : memref<128xi32, #tpu.memory_space<vmem>>) semaphore(%run_scoped3A : memref<!tpu.dma_semaphore, #tpu.memory_space<semaphore_mem>>) {add = true}
        %dma_wait3A_158 = arith.constant 0 : i32
        %dma_wait3A_159 = arith.constant 0 : i32
        %dma_wait3A_160 = tpu.memref_slice %arg18[%dma_wait3A_158, %dma_wait3A_159] : memref<5120x128xf32, #tpu.memory_space<vmem_shared>> -> memref<5120x128xf32, #tpu.memory_space<vmem_shared>>
        tpu.wait_indirect_dma semaphore(%run_scoped3A : memref<!tpu.dma_semaphore, #tpu.memory_space<semaphore_mem>>) src(%arg15 : memref<128x128xf32, #tpu.memory_space<vmem>>) dst(%dma_wait3A_160 : memref<5120x128xf32, #tpu.memory_space<vmem_shared>>)
        tpu.yield
      }) : () -> ()
      "tpu.region"() ({
        %run_scoped3A = tpu.sem_alloc : memref<!tpu.dma_semaphore, #tpu.memory_space<semaphore_mem>>
        %dma_start3A_155 = arith.constant 0 : i32
        %dma_start3A_156 = tpu.memref_slice %arg19[%dma_start3A_155] : memref<5120xf32, #tpu.memory_space<vmem_shared>> -> memref<5120xf32, #tpu.memory_space<vmem_shared>>
        tpu.enqueue_indirect_dma source(%arg16 : memref<128xf32, #tpu.memory_space<vmem>>) target(%dma_start3A_156 : memref<5120xf32, #tpu.memory_space<vmem_shared>>) offsets(%arg11 : memref<128xi32, #tpu.memory_space<vmem>>) semaphore(%run_scoped3A : memref<!tpu.dma_semaphore, #tpu.memory_space<semaphore_mem>>) {add = true}
        %dma_wait3A_157 = arith.constant 0 : i32
        %dma_wait3A_158 = tpu.memref_slice %arg19[%dma_wait3A_157] : memref<5120xf32, #tpu.memory_space<vmem_shared>> -> memref<5120xf32, #tpu.memory_space<vmem_shared>>
        tpu.wait_indirect_dma semaphore(%run_scoped3A : memref<!tpu.dma_semaphore, #tpu.memory_space<semaphore_mem>>) src(%arg16 : memref<128xf32, #tpu.memory_space<vmem>>) dst(%dma_wait3A_158 : memref<5120xf32, #tpu.memory_space<vmem_shared>>)
        tpu.yield
      }) : () -> ()
      %lt3A_149 = arith.constant 79 : i32
      %lt3A_150 = arith.cmpi slt, %scan3A_80, %lt3A_149 : i32
      %convert_element_type3A_151 = arith.extui %lt3A_150 : i1 to i32
      %cond3A_152 = arith.constant 0 : i32
      %cond3A_153 = arith.cmpi ne, %convert_element_type3A_151, %cond3A_152 : i32
      scf.if %cond3A_153 {
        %add3A_155 = arith.constant 3 : i32
        %add3A_156 = arith.addi %mul3A_83, %add3A_155 : i32
        %mul3A_157 = arith.constant 128 : i32
        %mul3A_158 = arith.muli %add3A_156, %mul3A_157 : i32
        %add3A_159 = arith.addi %mul3A_0, %mul3A_158 : i32
        %multiple_of3A_160 = tpu.assume_multiple %add3A_159, 128 : i32
        %add3A_161 = arith.addi %mul3A_2, %mul3A_0 : i32
        %mul3A_162 = arith.constant 128 : i32
        %mul3A_163 = arith.muli %add3A_156, %mul3A_162 : i32
        %add3A_164 = arith.addi %add3A_161, %mul3A_163 : i32
        %multiple_of3A_165 = tpu.assume_multiple %add3A_164, 8 : i32
        %dma_start3A_166 = tpu.memref_slice %arg3[%multiple_of3A_160] : memref<327680xi32, #tpu.memory_space<hbm>> -> memref<128xi32, #tpu.memory_space<hbm>>
        %dma_start3A_167 = tpu.memref_slice %arg3[%multiple_of3A_160] : memref<327680xi32, #tpu.memory_space<hbm>> -> memref<128xi32, #tpu.memory_space<hbm>>
        tpu.enqueue_dma source(%dma_start3A_167 : memref<128xi32, #tpu.memory_space<hbm>>) target(%arg9 : memref<128xi32, #tpu.memory_space<vmem>>) target_semaphore(%arg23 : memref<!tpu.dma_semaphore, #tpu.memory_space<semaphore_mem>>)
        %dma_start3A_168 = tpu.memref_slice %arg4[%multiple_of3A_165] : memref<655360xi32, #tpu.memory_space<hbm>> -> memref<128xi32, #tpu.memory_space<hbm>>
        %dma_start3A_169 = tpu.memref_slice %arg4[%multiple_of3A_165] : memref<655360xi32, #tpu.memory_space<hbm>> -> memref<128xi32, #tpu.memory_space<hbm>>
        tpu.enqueue_dma source(%dma_start3A_169 : memref<128xi32, #tpu.memory_space<hbm>>) target(%arg11 : memref<128xi32, #tpu.memory_space<vmem>>) target_semaphore(%arg25 : memref<!tpu.dma_semaphore, #tpu.memory_space<semaphore_mem>>)
        %dma_start3A_170 = arith.constant 0 : i32
        %dma_start3A_171 = tpu.memref_slice %arg5[%multiple_of3A_160, %dma_start3A_170] : memref<327680x16xf32, #tpu.memory_space<hbm>> -> memref<128x16xf32, #tpu.memory_space<hbm>>
        %dma_start3A_172 = arith.constant 0 : i32
        %dma_start3A_173 = tpu.memref_slice %arg5[%multiple_of3A_160, %dma_start3A_172] : memref<327680x16xf32, #tpu.memory_space<hbm>> -> memref<128x16xf32, #tpu.memory_space<hbm>>
        tpu.enqueue_dma source(%dma_start3A_173 : memref<128x16xf32, #tpu.memory_space<hbm>>) target(%arg13 : memref<128x16xf32, #tpu.memory_space<vmem>>) target_semaphore(%arg25 : memref<!tpu.dma_semaphore, #tpu.memory_space<semaphore_mem>>)
      } else {
      }
      %scan3A_154 = arith.constant 0 : i32
      scf.yield %scan3A_154 : i32
    }
    %scan3A_74 = arith.constant 80 : i32
    %barrier3A_75 = arith.constant 0 : index
    tpu.barrier barrier_id(%barrier3A_75)
    "tpu.region"() ({
      %run_scoped3A = tpu.sem_alloc : memref<!tpu.dma_semaphore, #tpu.memory_space<semaphore_mem>>
      %dma_start3A_80 = arith.constant 0 : i32
      %dma_start3A_81 = tpu.memref_slice %arg6[%arg0, %mul3A_27, %dma_start3A_80] : memref<2x5120x128xf32, #tpu.memory_space<hbm>> -> memref<1x320x128xf32, #tpu.memory_space<hbm>>
      %dma_start3A_82 = tpu.memref_squeeze %dma_start3A_81 : memref<1x320x128xf32, #tpu.memory_space<hbm>> -> memref<320x128xf32, #tpu.memory_space<hbm>>
      %dma_start3A_83 = arith.constant 0 : i32
      %dma_start3A_84 = tpu.memref_slice %arg18[%mul3A_27, %dma_start3A_83] : memref<5120x128xf32, #tpu.memory_space<vmem_shared>> -> memref<320x128xf32, #tpu.memory_space<vmem_shared>>
      tpu.enqueue_dma source(%dma_start3A_84 : memref<320x128xf32, #tpu.memory_space<vmem_shared>>) target(%dma_start3A_82 : memref<320x128xf32, #tpu.memory_space<hbm>>) target_semaphore(%run_scoped3A : memref<!tpu.dma_semaphore, #tpu.memory_space<semaphore_mem>>)
      %dma_wait3A_85 = arith.constant 0 : i32
      %dma_wait3A_86 = tpu.memref_slice %arg6[%arg0, %mul3A_27, %dma_wait3A_85] : memref<2x5120x128xf32, #tpu.memory_space<hbm>> -> memref<1x320x128xf32, #tpu.memory_space<hbm>>
      %dma_wait3A_87 = tpu.memref_squeeze %dma_wait3A_86 : memref<1x320x128xf32, #tpu.memory_space<hbm>> -> memref<320x128xf32, #tpu.memory_space<hbm>>
      %dma_wait3A_88 = arith.constant 0 : i32
      %dma_wait3A_89 = tpu.memref_slice %arg18[%mul3A_27, %dma_wait3A_88] : memref<5120x128xf32, #tpu.memory_space<vmem_shared>> -> memref<320x128xf32, #tpu.memory_space<vmem_shared>>
      tpu.wait_dma2 semaphore(%run_scoped3A : memref<!tpu.dma_semaphore, #tpu.memory_space<semaphore_mem>>) src(%dma_wait3A_89 : memref<320x128xf32, #tpu.memory_space<vmem_shared>>) dst(%dma_wait3A_87 : memref<320x128xf32, #tpu.memory_space<hbm>>)
      tpu.yield
    }) : () -> ()
    %mul3A_76 = arith.constant 5120 : i32
    %mul3A_77 = arith.muli %arg0, %mul3A_76 : i32
    %add3A_78 = arith.addi %mul3A_77, %mul3A_27 : i32
    %multiple_of3A_79 = tpu.assume_multiple %add3A_78, 8 : i32
    "tpu.region"() ({
      %run_scoped3A = tpu.sem_alloc : memref<!tpu.dma_semaphore, #tpu.memory_space<semaphore_mem>>
      %dma_start3A_80 = tpu.memref_slice %arg19[%mul3A_27] : memref<5120xf32, #tpu.memory_space<vmem_shared>> -> memref<320xf32, #tpu.memory_space<vmem_shared>>
      %dma_start3A_81 = tpu.memref_slice %arg19[%mul3A_27] : memref<5120xf32, #tpu.memory_space<vmem_shared>> -> memref<320xf32, #tpu.memory_space<vmem_shared>>
      tpu.enqueue_dma source(%dma_start3A_81 : memref<320xf32, #tpu.memory_space<vmem_shared>>) target(%arg17 : memref<320xf32, #tpu.memory_space<vmem>>) target_semaphore(%run_scoped3A : memref<!tpu.dma_semaphore, #tpu.memory_space<semaphore_mem>>)
      %dma_wait3A_82 = tpu.memref_slice %arg19[%mul3A_27] : memref<5120xf32, #tpu.memory_space<vmem_shared>> -> memref<320xf32, #tpu.memory_space<vmem_shared>>
      %dma_wait3A_83 = tpu.memref_slice %arg19[%mul3A_27] : memref<5120xf32, #tpu.memory_space<vmem_shared>> -> memref<320xf32, #tpu.memory_space<vmem_shared>>
      tpu.wait_dma2 semaphore(%run_scoped3A : memref<!tpu.dma_semaphore, #tpu.memory_space<semaphore_mem>>) src(%dma_wait3A_83 : memref<320xf32, #tpu.memory_space<vmem_shared>>) dst(%arg17 : memref<320xf32, #tpu.memory_space<vmem>>)
      tpu.yield
    }) : () -> ()
    "tpu.region"() ({
      %run_scoped3A = tpu.sem_alloc : memref<!tpu.dma_semaphore, #tpu.memory_space<semaphore_mem>>
      %dma_start3A_80 = tpu.memref_slice %arg7[%multiple_of3A_79] : memref<10240xf32, #tpu.memory_space<hbm>> -> memref<320xf32, #tpu.memory_space<hbm>>
      %dma_start3A_81 = tpu.memref_slice %arg7[%multiple_of3A_79] : memref<10240xf32, #tpu.memory_space<hbm>> -> memref<320xf32, #tpu.memory_space<hbm>>
      tpu.enqueue_dma source(%arg17 : memref<320xf32, #tpu.memory_space<vmem>>) target(%dma_start3A_81 : memref<320xf32, #tpu.memory_space<hbm>>) target_semaphore(%run_scoped3A : memref<!tpu.dma_semaphore, #tpu.memory_space<semaphore_mem>>)
      %dma_wait3A_82 = tpu.memref_slice %arg7[%multiple_of3A_79] : memref<10240xf32, #tpu.memory_space<hbm>> -> memref<320xf32, #tpu.memory_space<hbm>>
      %dma_wait3A_83 = tpu.memref_slice %arg7[%multiple_of3A_79] : memref<10240xf32, #tpu.memory_space<hbm>> -> memref<320xf32, #tpu.memory_space<hbm>>
      tpu.wait_dma2 semaphore(%run_scoped3A : memref<!tpu.dma_semaphore, #tpu.memory_space<semaphore_mem>>) src(%arg17 : memref<320xf32, #tpu.memory_space<vmem>>) dst(%dma_wait3A_83 : memref<320xf32, #tpu.memory_space<hbm>>)
      tpu.yield
    }) : () -> ()
    return
  }
}

#map = affine_map<(d0, d1) -> (0, 0)>
#map1 = affine_map<(d0, d1) -> (0)>
#map2 = affine_map<(d0, d1) -> (0, 0, 0)>
module attributes {stable_mosaic.version = 14 : i64} {
  func.func @sck(%arg0: i32, %arg1: i32, %arg2: memref<10000x128xf32, #tpu.memory_space<hbm>>, %arg3: memref<327680xi32, #tpu.memory_space<hbm>>, %arg4: memref<655360xi32, #tpu.memory_space<hbm>>, %arg5: memref<327680x16xf32, #tpu.memory_space<hbm>>, %arg6: memref<2x5120x128xf32, #tpu.memory_space<hbm>>, %arg7: memref<10240xf32, #tpu.memory_space<hbm>>, %arg8: memref<128xi32, #tpu.memory_space<vmem>>, %arg9: memref<128xi32, #tpu.memory_space<vmem>>, %arg10: memref<128xi32, #tpu.memory_space<vmem>>, %arg11: memref<128xi32, #tpu.memory_space<vmem>>, %arg12: memref<128x16xf32, #tpu.memory_space<vmem>>, %arg13: memref<128x16xf32, #tpu.memory_space<vmem>>, %arg14: memref<128x128xf32, #tpu.memory_space<vmem>>, %arg15: memref<128x128xf32, #tpu.memory_space<vmem>>, %arg16: memref<128xf32, #tpu.memory_space<vmem>>, %arg17: memref<320xf32, #tpu.memory_space<vmem>>, %arg18: memref<5120x128xf32, #tpu.memory_space<vmem_shared>>, %arg19: memref<5120xf32, #tpu.memory_space<vmem_shared>>, %arg20: memref<!tpu.dma_semaphore, #tpu.memory_space<semaphore_mem>>, %arg21: memref<!tpu.dma_semaphore, #tpu.memory_space<semaphore_mem>>, %arg22: memref<!tpu.dma_semaphore, #tpu.memory_space<semaphore_mem>>, %arg23: memref<!tpu.dma_semaphore, #tpu.memory_space<semaphore_mem>>, %arg24: memref<!tpu.dma_semaphore, #tpu.memory_space<semaphore_mem>>, %arg25: memref<!tpu.dma_semaphore, #tpu.memory_space<semaphore_mem>>) attributes {dimension_semantics = [#tpu.dimension_semantics<core_parallel>, #tpu.dimension_semantics<subcore_parallel>], iteration_bounds = array<i64: 2, 16>, scalar_prefetch = 0 : i64, scratch_operands = 18 : i64, tpu.core_type = #tpu.core_type<sc_vector_subcore>, window_params = [{transform_indices = #map}, {transform_indices = #map1}, {transform_indices = #map1}, {transform_indices = #map}, {transform_indices = #map2}, {transform_indices = #map1}]} {
    %mul3A = arith.constant 2 : i32
    %mul3A_0 = arith.muli %arg1, %mul3A : i32
    %add3A = arith.addi %mul3A_0, %arg0 : i32
    %mul3A_1 = arith.constant 10240 : i32
    %mul3A_2 = arith.muli %add3A, %mul3A_1 : i32
    %mul3A_3 = arith.constant 327680 : i32
    %mul3A_4 = arith.muli %arg0, %mul3A_3 : i32
    %broadcast_in_dim3A = arith.constant 0.000000e+00 : f32
    %broadcast_in_dim3A_5 = vector.broadcast %broadcast_in_dim3A : f32 to vector<16xf32>
    %broadcast_in_dim3A_6 = arith.constant 1.000000e+00 : f32
    %broadcast_in_dim3A_7 = vector.broadcast %broadcast_in_dim3A_6 : f32 to vector<16xf32>
    %scan3A = arith.constant 0 : i32
    %scan3A_8 = arith.constant 0 : i32
    %scan3A_9 = arith.constant 128 : i32
    %scan3A_10 = arith.addi %scan3A_8, %scan3A_9 : i32
    %scan3A_11 = arith.constant 1 : i32
    %scan3A_12 = scf.for %scan3A_83 = %scan3A_8 to %scan3A_10 step %scan3A_11 iter_args(%scan3A_84 = %scan3A) -> (i32)  : i32 {
      %swap3A = arith.index_cast %scan3A_83 : i32 to index
      %swap3A_85 = arith.constant 0 : index
      %swap3A_86 = tpu.vector_load %arg14[%swap3A, %swap3A_85] {strides = array<i32>} : memref<128x128xf32, #tpu.memory_space<vmem>>, vector<1x16xf32>,
      %swap3A_87 = vector.shape_cast %swap3A_86 : vector<1x16xf32> to vector<16xf32>
      %swap3A_88 = vector.shape_cast %broadcast_in_dim3A_5 : vector<16xf32> to vector<1x16xf32>
      tpu.vector_store %arg14[%swap3A, %swap3A_85], %swap3A_88 {strides = array<i32>} : memref<128x128xf32, #tpu.memory_space<vmem>>, vector<1x16xf32>,
      %swap3A_89 = arith.index_cast %scan3A_83 : i32 to index
      %swap3A_90 = arith.constant 16 : index
      %swap3A_91 = tpu.vector_load %arg14[%swap3A_89, %swap3A_90] {strides = array<i32>} : memref<128x128xf32, #tpu.memory_space<vmem>>, vector<1x16xf32>,
      %swap3A_92 = vector.shape_cast %swap3A_91 : vector<1x16xf32> to vector<16xf32>
      %swap3A_93 = vector.shape_cast %broadcast_in_dim3A_5 : vector<16xf32> to vector<1x16xf32>
      tpu.vector_store %arg14[%swap3A_89, %swap3A_90], %swap3A_93 {strides = array<i32>} : memref<128x128xf32, #tpu.memory_space<vmem>>, vector<1x16xf32>,
      %swap3A_94 = arith.index_cast %scan3A_83 : i32 to index
      %swap3A_95 = arith.constant 32 : index
      %swap3A_96 = tpu.vector_load %arg14[%swap3A_94, %swap3A_95] {strides = array<i32>} : memref<128x128xf32, #tpu.memory_space<vmem>>, vector<1x16xf32>,
      %swap3A_97 = vector.shape_cast %swap3A_96 : vector<1x16xf32> to vector<16xf32>
      %swap3A_98 = vector.shape_cast %broadcast_in_dim3A_5 : vector<16xf32> to vector<1x16xf32>
      tpu.vector_store %arg14[%swap3A_94, %swap3A_95], %swap3A_98 {strides = array<i32>} : memref<128x128xf32, #tpu.memory_space<vmem>>, vector<1x16xf32>,
      %swap3A_99 = arith.index_cast %scan3A_83 : i32 to index
      %swap3A_100 = arith.constant 48 : index
      %swap3A_101 = tpu.vector_load %arg14[%swap3A_99, %swap3A_100] {strides = array<i32>} : memref<128x128xf32, #tpu.memory_space<vmem>>, vector<1x16xf32>,
      %swap3A_102 = vector.shape_cast %swap3A_101 : vector<1x16xf32> to vector<16xf32>
      %swap3A_103 = vector.shape_cast %broadcast_in_dim3A_5 : vector<16xf32> to vector<1x16xf32>
      tpu.vector_store %arg14[%swap3A_99, %swap3A_100], %swap3A_103 {strides = array<i32>} : memref<128x128xf32, #tpu.memory_space<vmem>>, vector<1x16xf32>,
      %swap3A_104 = arith.index_cast %scan3A_83 : i32 to index
      %swap3A_105 = arith.constant 64 : index
      %swap3A_106 = tpu.vector_load %arg14[%swap3A_104, %swap3A_105] {strides = array<i32>} : memref<128x128xf32, #tpu.memory_space<vmem>>, vector<1x16xf32>,
      %swap3A_107 = vector.shape_cast %swap3A_106 : vector<1x16xf32> to vector<16xf32>
      %swap3A_108 = vector.shape_cast %broadcast_in_dim3A_5 : vector<16xf32> to vector<1x16xf32>
      tpu.vector_store %arg14[%swap3A_104, %swap3A_105], %swap3A_108 {strides = array<i32>} : memref<128x128xf32, #tpu.memory_space<vmem>>, vector<1x16xf32>,
      %swap3A_109 = arith.index_cast %scan3A_83 : i32 to index
      %swap3A_110 = arith.constant 80 : index
      %swap3A_111 = tpu.vector_load %arg14[%swap3A_109, %swap3A_110] {strides = array<i32>} : memref<128x128xf32, #tpu.memory_space<vmem>>, vector<1x16xf32>,
      %swap3A_112 = vector.shape_cast %swap3A_111 : vector<1x16xf32> to vector<16xf32>
      %swap3A_113 = vector.shape_cast %broadcast_in_dim3A_5 : vector<16xf32> to vector<1x16xf32>
      tpu.vector_store %arg14[%swap3A_109, %swap3A_110], %swap3A_113 {strides = array<i32>} : memref<128x128xf32, #tpu.memory_space<vmem>>, vector<1x16xf32>,
      %swap3A_114 = arith.index_cast %scan3A_83 : i32 to index
      %swap3A_115 = arith.constant 96 : index
      %swap3A_116 = tpu.vector_load %arg14[%swap3A_114, %swap3A_115] {strides = array<i32>} : memref<128x128xf32, #tpu.memory_space<vmem>>, vector<1x16xf32>,
      %swap3A_117 = vector.shape_cast %swap3A_116 : vector<1x16xf32> to vector<16xf32>
      %swap3A_118 = vector.shape_cast %broadcast_in_dim3A_5 : vector<16xf32> to vector<1x16xf32>
      tpu.vector_store %arg14[%swap3A_114, %swap3A_115], %swap3A_118 {strides = array<i32>} : memref<128x128xf32, #tpu.memory_space<vmem>>, vector<1x16xf32>,
      %swap3A_119 = arith.index_cast %scan3A_83 : i32 to index
      %swap3A_120 = arith.constant 112 : index
      %swap3A_121 = tpu.vector_load %arg14[%swap3A_119, %swap3A_120] {strides = array<i32>} : memref<128x128xf32, #tpu.memory_space<vmem>>, vector<1x16xf32>,
      %swap3A_122 = vector.shape_cast %swap3A_121 : vector<1x16xf32> to vector<16xf32>
      %swap3A_123 = vector.shape_cast %broadcast_in_dim3A_5 : vector<16xf32> to vector<1x16xf32>
      tpu.vector_store %arg14[%swap3A_119, %swap3A_120], %swap3A_123 {strides = array<i32>} : memref<128x128xf32, #tpu.memory_space<vmem>>, vector<1x16xf32>,
      %scan3A_124 = arith.constant 0 : i32
      scf.yield %scan3A_124 : i32
    }
    %scan3A_13 = arith.constant 128 : i32
    %scan3A_14 = arith.constant 0 : i32
    %scan3A_15 = arith.constant 0 : i32
    %scan3A_16 = arith.constant 20 : i32
    %scan3A_17 = arith.addi %scan3A_15, %scan3A_16 : i32
    %scan3A_18 = arith.constant 1 : i32
    %scan3A_19 = scf.for %scan3A_83 = %scan3A_15 to %scan3A_17 step %scan3A_18 iter_args(%scan3A_84 = %scan3A_14) -> (i32)  : i32 {
      %mul3A_85 = arith.constant 16 : i32
      %mul3A_86 = arith.muli %scan3A_83, %mul3A_85 : i32
      %swap3A = arith.index_cast %mul3A_86 : i32 to index
      %swap3A_87 = tpu.vector_load %arg17[%swap3A] {strides = array<i32>} : memref<320xf32, #tpu.memory_space<vmem>>, vector<16xf32>,
      %swap3A_88 = vector.shape_cast %swap3A_87 : vector<16xf32> to vector<16xf32>
      %swap3A_89 = vector.shape_cast %broadcast_in_dim3A_5 : vector<16xf32> to vector<16xf32>
      tpu.vector_store %arg17[%swap3A], %swap3A_89 {strides = array<i32>} : memref<320xf32, #tpu.memory_space<vmem>>, vector<16xf32>,
      %scan3A_90 = arith.constant 0 : i32
      scf.yield %scan3A_90 : i32
    }
    %scan3A_20 = arith.constant 20 : i32
    %scan3A_21 = arith.constant 0 : i32
    %scan3A_22 = arith.constant 0 : i32
    %scan3A_23 = arith.constant 8 : i32
    %scan3A_24 = arith.addi %scan3A_22, %scan3A_23 : i32
    %scan3A_25 = arith.constant 1 : i32
    %scan3A_26 = scf.for %scan3A_83 = %scan3A_22 to %scan3A_24 step %scan3A_25 iter_args(%scan3A_84 = %scan3A_21) -> (i32)  : i32 {
      %mul3A_85 = arith.constant 16 : i32
      %mul3A_86 = arith.muli %scan3A_83, %mul3A_85 : i32
      %swap3A = arith.index_cast %mul3A_86 : i32 to index
      %swap3A_87 = tpu.vector_load %arg16[%swap3A] {strides = array<i32>} : memref<128xf32, #tpu.memory_space<vmem>>, vector<16xf32>,
      %swap3A_88 = vector.shape_cast %swap3A_87 : vector<16xf32> to vector<16xf32>
      %swap3A_89 = vector.shape_cast %broadcast_in_dim3A_7 : vector<16xf32> to vector<16xf32>
      tpu.vector_store %arg16[%swap3A], %swap3A_89 {strides = array<i32>} : memref<128xf32, #tpu.memory_space<vmem>>, vector<16xf32>,
      %scan3A_90 = arith.constant 0 : i32
      scf.yield %scan3A_90 : i32
    }
    %scan3A_27 = arith.constant 8 : i32
    %mul3A_28 = arith.constant 320 : i32
    %mul3A_29 = arith.muli %arg1, %mul3A_28 : i32
    %add3A_30 = arith.constant 0 : i32
    %add3A_31 = arith.addi %mul3A_29, %add3A_30 : i32
    "tpu.region"() ({
      %run_scoped3A = tpu.sem_alloc : memref<!tpu.dma_semaphore, #tpu.memory_space<semaphore_mem>>
      %dma_start3A_83 = arith.constant 0 : i32
      %dma_start3A_84 = arith.constant 0 : i32
      %dma_start3A_85 = tpu.memref_slice %arg14[%dma_start3A_83, %dma_start3A_84] : memref<128x128xf32, #tpu.memory_space<vmem>> -> memref<128x128xf32, #tpu.memory_space<vmem>>
      %dma_start3A_86 = arith.constant 0 : i32
      %dma_start3A_87 = tpu.memref_slice %arg18[%add3A_31, %dma_start3A_86] : memref<5120x128xf32, #tpu.memory_space<vmem_shared>> -> memref<128x128xf32, #tpu.memory_space<vmem_shared>>
      %dma_start3A_88 = arith.constant 0 : i32
      %dma_start3A_89 = tpu.memref_slice %arg18[%add3A_31, %dma_start3A_88] : memref<5120x128xf32, #tpu.memory_space<vmem_shared>> -> memref<128x128xf32, #tpu.memory_space<vmem_shared>>
      %dma_start3A_90 = arith.constant 0 : i32
      %dma_start3A_91 = arith.constant 0 : i32
      %dma_start3A_92 = tpu.memref_slice %arg14[%dma_start3A_90, %dma_start3A_91] : memref<128x128xf32, #tpu.memory_space<vmem>> -> memref<128x128xf32, #tpu.memory_space<vmem>>
      tpu.enqueue_dma source(%dma_start3A_92 : memref<128x128xf32, #tpu.memory_space<vmem>>) target(%dma_start3A_89 : memref<128x128xf32, #tpu.memory_space<vmem_shared>>) target_semaphore(%run_scoped3A : memref<!tpu.dma_semaphore, #tpu.memory_space<semaphore_mem>>)
      %dma_wait3A_93 = arith.constant 0 : i32
      %dma_wait3A_94 = arith.constant 0 : i32
      %dma_wait3A_95 = tpu.memref_slice %arg14[%dma_wait3A_93, %dma_wait3A_94] : memref<128x128xf32, #tpu.memory_space<vmem>> -> memref<128x128xf32, #tpu.memory_space<vmem>>
      %dma_wait3A_96 = arith.constant 0 : i32
      %dma_wait3A_97 = tpu.memref_slice %arg18[%add3A_31, %dma_wait3A_96] : memref<5120x128xf32, #tpu.memory_space<vmem_shared>> -> memref<128x128xf32, #tpu.memory_space<vmem_shared>>
      %dma_wait3A_98 = arith.constant 0 : i32
      %dma_wait3A_99 = tpu.memref_slice %arg18[%add3A_31, %dma_wait3A_98] : memref<5120x128xf32, #tpu.memory_space<vmem_shared>> -> memref<128x128xf32, #tpu.memory_space<vmem_shared>>
      %dma_wait3A_100 = arith.constant 0 : i32
      %dma_wait3A_101 = arith.constant 0 : i32
      %dma_wait3A_102 = tpu.memref_slice %arg14[%dma_wait3A_100, %dma_wait3A_101] : memref<128x128xf32, #tpu.memory_space<vmem>> -> memref<128x128xf32, #tpu.memory_space<vmem>>
      tpu.wait_dma2 semaphore(%run_scoped3A : memref<!tpu.dma_semaphore, #tpu.memory_space<semaphore_mem>>) src(%dma_wait3A_102 : memref<128x128xf32, #tpu.memory_space<vmem>>) dst(%dma_wait3A_99 : memref<128x128xf32, #tpu.memory_space<vmem_shared>>)
      tpu.yield
    }) : () -> ()
    %add3A_32 = arith.constant 128 : i32
    %add3A_33 = arith.addi %mul3A_29, %add3A_32 : i32
    "tpu.region"() ({
      %run_scoped3A = tpu.sem_alloc : memref<!tpu.dma_semaphore, #tpu.memory_space<semaphore_mem>>
      %dma_start3A_83 = arith.constant 0 : i32
      %dma_start3A_84 = arith.constant 0 : i32
      %dma_start3A_85 = tpu.memref_slice %arg14[%dma_start3A_83, %dma_start3A_84] : memref<128x128xf32, #tpu.memory_space<vmem>> -> memref<128x128xf32, #tpu.memory_space<vmem>>
      %dma_start3A_86 = arith.constant 0 : i32
      %dma_start3A_87 = tpu.memref_slice %arg18[%add3A_33, %dma_start3A_86] : memref<5120x128xf32, #tpu.memory_space<vmem_shared>> -> memref<128x128xf32, #tpu.memory_space<vmem_shared>>
      %dma_start3A_88 = arith.constant 0 : i32
      %dma_start3A_89 = tpu.memref_slice %arg18[%add3A_33, %dma_start3A_88] : memref<5120x128xf32, #tpu.memory_space<vmem_shared>> -> memref<128x128xf32, #tpu.memory_space<vmem_shared>>
      %dma_start3A_90 = arith.constant 0 : i32
      %dma_start3A_91 = arith.constant 0 : i32
      %dma_start3A_92 = tpu.memref_slice %arg14[%dma_start3A_90, %dma_start3A_91] : memref<128x128xf32, #tpu.memory_space<vmem>> -> memref<128x128xf32, #tpu.memory_space<vmem>>
      tpu.enqueue_dma source(%dma_start3A_92 : memref<128x128xf32, #tpu.memory_space<vmem>>) target(%dma_start3A_89 : memref<128x128xf32, #tpu.memory_space<vmem_shared>>) target_semaphore(%run_scoped3A : memref<!tpu.dma_semaphore, #tpu.memory_space<semaphore_mem>>)
      %dma_wait3A_93 = arith.constant 0 : i32
      %dma_wait3A_94 = arith.constant 0 : i32
      %dma_wait3A_95 = tpu.memref_slice %arg14[%dma_wait3A_93, %dma_wait3A_94] : memref<128x128xf32, #tpu.memory_space<vmem>> -> memref<128x128xf32, #tpu.memory_space<vmem>>
      %dma_wait3A_96 = arith.constant 0 : i32
      %dma_wait3A_97 = tpu.memref_slice %arg18[%add3A_33, %dma_wait3A_96] : memref<5120x128xf32, #tpu.memory_space<vmem_shared>> -> memref<128x128xf32, #tpu.memory_space<vmem_shared>>
      %dma_wait3A_98 = arith.constant 0 : i32
      %dma_wait3A_99 = tpu.memref_slice %arg18[%add3A_33, %dma_wait3A_98] : memref<5120x128xf32, #tpu.memory_space<vmem_shared>> -> memref<128x128xf32, #tpu.memory_space<vmem_shared>>
      %dma_wait3A_100 = arith.constant 0 : i32
      %dma_wait3A_101 = arith.constant 0 : i32
      %dma_wait3A_102 = tpu.memref_slice %arg14[%dma_wait3A_100, %dma_wait3A_101] : memref<128x128xf32, #tpu.memory_space<vmem>> -> memref<128x128xf32, #tpu.memory_space<vmem>>
      tpu.wait_dma2 semaphore(%run_scoped3A : memref<!tpu.dma_semaphore, #tpu.memory_space<semaphore_mem>>) src(%dma_wait3A_102 : memref<128x128xf32, #tpu.memory_space<vmem>>) dst(%dma_wait3A_99 : memref<128x128xf32, #tpu.memory_space<vmem_shared>>)
      tpu.yield
    }) : () -> ()
    %add3A_34 = arith.constant 256 : i32
    %add3A_35 = arith.addi %mul3A_29, %add3A_34 : i32
    "tpu.region"() ({
      %run_scoped3A = tpu.sem_alloc : memref<!tpu.dma_semaphore, #tpu.memory_space<semaphore_mem>>
      %dma_start3A_83 = arith.constant 0 : i32
      %dma_start3A_84 = arith.constant 0 : i32
      %dma_start3A_85 = tpu.memref_slice %arg14[%dma_start3A_83, %dma_start3A_84] : memref<128x128xf32, #tpu.memory_space<vmem>> -> memref<64x128xf32, #tpu.memory_space<vmem>>
      %dma_start3A_86 = arith.constant 0 : i32
      %dma_start3A_87 = tpu.memref_slice %arg18[%add3A_35, %dma_start3A_86] : memref<5120x128xf32, #tpu.memory_space<vmem_shared>> -> memref<64x128xf32, #tpu.memory_space<vmem_shared>>
      %dma_start3A_88 = arith.constant 0 : i32
      %dma_start3A_89 = tpu.memref_slice %arg18[%add3A_35, %dma_start3A_88] : memref<5120x128xf32, #tpu.memory_space<vmem_shared>> -> memref<64x128xf32, #tpu.memory_space<vmem_shared>>
      %dma_start3A_90 = arith.constant 0 : i32
      %dma_start3A_91 = arith.constant 0 : i32
      %dma_start3A_92 = tpu.memref_slice %arg14[%dma_start3A_90, %dma_start3A_91] : memref<128x128xf32, #tpu.memory_space<vmem>> -> memref<64x128xf32, #tpu.memory_space<vmem>>
      tpu.enqueue_dma source(%dma_start3A_92 : memref<64x128xf32, #tpu.memory_space<vmem>>) target(%dma_start3A_89 : memref<64x128xf32, #tpu.memory_space<vmem_shared>>) target_semaphore(%run_scoped3A : memref<!tpu.dma_semaphore, #tpu.memory_space<semaphore_mem>>)
      %dma_wait3A_93 = arith.constant 0 : i32
      %dma_wait3A_94 = arith.constant 0 : i32
      %dma_wait3A_95 = tpu.memref_slice %arg14[%dma_wait3A_93, %dma_wait3A_94] : memref<128x128xf32, #tpu.memory_space<vmem>> -> memref<64x128xf32, #tpu.memory_space<vmem>>
      %dma_wait3A_96 = arith.constant 0 : i32
      %dma_wait3A_97 = tpu.memref_slice %arg18[%add3A_35, %dma_wait3A_96] : memref<5120x128xf32, #tpu.memory_space<vmem_shared>> -> memref<64x128xf32, #tpu.memory_space<vmem_shared>>
      %dma_wait3A_98 = arith.constant 0 : i32
      %dma_wait3A_99 = tpu.memref_slice %arg18[%add3A_35, %dma_wait3A_98] : memref<5120x128xf32, #tpu.memory_space<vmem_shared>> -> memref<64x128xf32, #tpu.memory_space<vmem_shared>>
      %dma_wait3A_100 = arith.constant 0 : i32
      %dma_wait3A_101 = arith.constant 0 : i32
      %dma_wait3A_102 = tpu.memref_slice %arg14[%dma_wait3A_100, %dma_wait3A_101] : memref<128x128xf32, #tpu.memory_space<vmem>> -> memref<64x128xf32, #tpu.memory_space<vmem>>
      tpu.wait_dma2 semaphore(%run_scoped3A : memref<!tpu.dma_semaphore, #tpu.memory_space<semaphore_mem>>) src(%dma_wait3A_102 : memref<64x128xf32, #tpu.memory_space<vmem>>) dst(%dma_wait3A_99 : memref<64x128xf32, #tpu.memory_space<vmem_shared>>)
      tpu.yield
    }) : () -> ()
    "tpu.region"() ({
      %run_scoped3A = tpu.sem_alloc : memref<!tpu.dma_semaphore, #tpu.memory_space<semaphore_mem>>
      %dma_start3A_83 = tpu.memref_slice %arg19[%mul3A_29] : memref<5120xf32, #tpu.memory_space<vmem_shared>> -> memref<320xf32, #tpu.memory_space<vmem_shared>>
      %dma_start3A_84 = tpu.memref_slice %arg19[%mul3A_29] : memref<5120xf32, #tpu.memory_space<vmem_shared>> -> memref<320xf32, #tpu.memory_space<vmem_shared>>
      tpu.enqueue_dma source(%arg17 : memref<320xf32, #tpu.memory_space<vmem>>) target(%dma_start3A_84 : memref<320xf32, #tpu.memory_space<vmem_shared>>) target_semaphore(%run_scoped3A : memref<!tpu.dma_semaphore, #tpu.memory_space<semaphore_mem>>)
      %dma_wait3A_85 = tpu.memref_slice %arg19[%mul3A_29] : memref<5120xf32, #tpu.memory_space<vmem_shared>> -> memref<320xf32, #tpu.memory_space<vmem_shared>>
      %dma_wait3A_86 = tpu.memref_slice %arg19[%mul3A_29] : memref<5120xf32, #tpu.memory_space<vmem_shared>> -> memref<320xf32, #tpu.memory_space<vmem_shared>>
      tpu.wait_dma2 semaphore(%run_scoped3A : memref<!tpu.dma_semaphore, #tpu.memory_space<semaphore_mem>>) src(%arg17 : memref<320xf32, #tpu.memory_space<vmem>>) dst(%dma_wait3A_86 : memref<320xf32, #tpu.memory_space<vmem_shared>>)
      tpu.yield
    }) : () -> ()
    %barrier3A = arith.constant 0 : index
    tpu.barrier barrier_id(%barrier3A)
    %add3A_36 = arith.constant 0 : i32
    %add3A_37 = arith.addi %mul3A_2, %add3A_36 : i32
    %multiple_of3A = tpu.assume_multiple %add3A_37, 128 : i32
    %add3A_38 = arith.addi %mul3A_4, %mul3A_2 : i32
    %add3A_39 = arith.constant 0 : i32
    %add3A_40 = arith.addi %add3A_38, %add3A_39 : i32
    %multiple_of3A_41 = tpu.assume_multiple %add3A_40, 8 : i32
    %dma_start3A = tpu.memref_slice %arg3[%multiple_of3A] : memref<327680xi32, #tpu.memory_space<hbm>> -> memref<128xi32, #tpu.memory_space<hbm>>
    %dma_start3A_42 = tpu.memref_slice %arg3[%multiple_of3A] : memref<327680xi32, #tpu.memory_space<hbm>> -> memref<128xi32, #tpu.memory_space<hbm>>
    tpu.enqueue_dma source(%dma_start3A_42 : memref<128xi32, #tpu.memory_space<hbm>>) target(%arg8 : memref<128xi32, #tpu.memory_space<vmem>>) target_semaphore(%arg22 : memref<!tpu.dma_semaphore, #tpu.memory_space<semaphore_mem>>)
    %dma_start3A_43 = tpu.memref_slice %arg4[%multiple_of3A_41] : memref<655360xi32, #tpu.memory_space<hbm>> -> memref<128xi32, #tpu.memory_space<hbm>>
    %dma_start3A_44 = tpu.memref_slice %arg4[%multiple_of3A_41] : memref<655360xi32, #tpu.memory_space<hbm>> -> memref<128xi32, #tpu.memory_space<hbm>>
    tpu.enqueue_dma source(%dma_start3A_44 : memref<128xi32, #tpu.memory_space<hbm>>) target(%arg10 : memref<128xi32, #tpu.memory_space<vmem>>) target_semaphore(%arg24 : memref<!tpu.dma_semaphore, #tpu.memory_space<semaphore_mem>>)
    %dma_start3A_45 = arith.constant 0 : i32
    %dma_start3A_46 = tpu.memref_slice %arg5[%multiple_of3A, %dma_start3A_45] : memref<327680x16xf32, #tpu.memory_space<hbm>> -> memref<128x16xf32, #tpu.memory_space<hbm>>
    %dma_start3A_47 = arith.constant 0 : i32
    %dma_start3A_48 = tpu.memref_slice %arg5[%multiple_of3A, %dma_start3A_47] : memref<327680x16xf32, #tpu.memory_space<hbm>> -> memref<128x16xf32, #tpu.memory_space<hbm>>
    tpu.enqueue_dma source(%dma_start3A_48 : memref<128x16xf32, #tpu.memory_space<hbm>>) target(%arg12 : memref<128x16xf32, #tpu.memory_space<vmem>>) target_semaphore(%arg24 : memref<!tpu.dma_semaphore, #tpu.memory_space<semaphore_mem>>)
    %add3A_49 = arith.constant 0 : i32
    %add3A_50 = arith.addi %mul3A_2, %add3A_49 : i32
    %multiple_of3A_51 = tpu.assume_multiple %add3A_50, 128 : i32
    %dma_wait3A = tpu.memref_slice %arg3[%multiple_of3A_51] : memref<327680xi32, #tpu.memory_space<hbm>> -> memref<128xi32, #tpu.memory_space<hbm>>
    %dma_wait3A_52 = tpu.memref_slice %arg3[%multiple_of3A_51] : memref<327680xi32, #tpu.memory_space<hbm>> -> memref<128xi32, #tpu.memory_space<hbm>>
    tpu.wait_dma2 semaphore(%arg22 : memref<!tpu.dma_semaphore, #tpu.memory_space<semaphore_mem>>) src(%dma_wait3A_52 : memref<128xi32, #tpu.memory_space<hbm>>) dst(%arg8 : memref<128xi32, #tpu.memory_space<vmem>>)
    %dma_start3A_53 = arith.constant 0 : i32
    %dma_start3A_54 = arith.constant 0 : i32
    %dma_start3A_55 = tpu.memref_slice %arg2[%dma_start3A_53, %dma_start3A_54] : memref<10000x128xf32, #tpu.memory_space<hbm>> -> memref<10000x128xf32, #tpu.memory_space<hbm>>
    tpu.enqueue_indirect_dma source(%dma_start3A_55 : memref<10000x128xf32, #tpu.memory_space<hbm>>) target(%arg14 : memref<128x128xf32, #tpu.memory_space<vmem>>) offsets(%arg8 : memref<128xi32, #tpu.memory_space<vmem>>) semaphore(%arg20 : memref<!tpu.dma_semaphore, #tpu.memory_space<semaphore_mem>>)
    %add3A_56 = arith.constant 128 : i32
    %add3A_57 = arith.addi %mul3A_2, %add3A_56 : i32
    %multiple_of3A_58 = tpu.assume_multiple %add3A_57, 128 : i32
    %add3A_59 = arith.addi %mul3A_4, %mul3A_2 : i32
    %add3A_60 = arith.constant 128 : i32
    %add3A_61 = arith.addi %add3A_59, %add3A_60 : i32
    %multiple_of3A_62 = tpu.assume_multiple %add3A_61, 8 : i32
    %dma_start3A_63 = tpu.memref_slice %arg3[%multiple_of3A_58] : memref<327680xi32, #tpu.memory_space<hbm>> -> memref<128xi32, #tpu.memory_space<hbm>>
    %dma_start3A_64 = tpu.memref_slice %arg3[%multiple_of3A_58] : memref<327680xi32, #tpu.memory_space<hbm>> -> memref<128xi32, #tpu.memory_space<hbm>>
    tpu.enqueue_dma source(%dma_start3A_64 : memref<128xi32, #tpu.memory_space<hbm>>) target(%arg9 : memref<128xi32, #tpu.memory_space<vmem>>) target_semaphore(%arg23 : memref<!tpu.dma_semaphore, #tpu.memory_space<semaphore_mem>>)
    %dma_start3A_65 = tpu.memref_slice %arg4[%multiple_of3A_62] : memref<655360xi32, #tpu.memory_space<hbm>> -> memref<128xi32, #tpu.memory_space<hbm>>
    %dma_start3A_66 = tpu.memref_slice %arg4[%multiple_of3A_62] : memref<655360xi32, #tpu.memory_space<hbm>> -> memref<128xi32, #tpu.memory_space<hbm>>
    tpu.enqueue_dma source(%dma_start3A_66 : memref<128xi32, #tpu.memory_space<hbm>>) target(%arg11 : memref<128xi32, #tpu.memory_space<vmem>>) target_semaphore(%arg25 : memref<!tpu.dma_semaphore, #tpu.memory_space<semaphore_mem>>)
    %dma_start3A_67 = arith.constant 0 : i32
    %dma_start3A_68 = tpu.memref_slice %arg5[%multiple_of3A_58, %dma_start3A_67] : memref<327680x16xf32, #tpu.memory_space<hbm>> -> memref<128x16xf32, #tpu.memory_space<hbm>>
    %dma_start3A_69 = arith.constant 0 : i32
    %dma_start3A_70 = tpu.memref_slice %arg5[%multiple_of3A_58, %dma_start3A_69] : memref<327680x16xf32, #tpu.memory_space<hbm>> -> memref<128x16xf32, #tpu.memory_space<hbm>>
    tpu.enqueue_dma source(%dma_start3A_70 : memref<128x16xf32, #tpu.memory_space<hbm>>) target(%arg13 : memref<128x16xf32, #tpu.memory_space<vmem>>) target_semaphore(%arg25 : memref<!tpu.dma_semaphore, #tpu.memory_space<semaphore_mem>>)
    %scan3A_71 = arith.constant 0 : i32
    %scan3A_72 = arith.constant 0 : i32
    %scan3A_73 = arith.constant 40 : i32
    %scan3A_74 = arith.addi %scan3A_72, %scan3A_73 : i32
    %scan3A_75 = arith.constant 1 : i32
    %scan3A_76 = scf.for %scan3A_83 = %scan3A_72 to %scan3A_74 step %scan3A_75 iter_args(%scan3A_84 = %scan3A_71) -> (i32)  : i32 {
      %mul3A_85 = arith.constant 2 : i32
      %mul3A_86 = arith.muli %mul3A_85, %scan3A_83 : i32
      %add3A_87 = arith.constant 1 : i32
      %add3A_88 = arith.addi %mul3A_86, %add3A_87 : i32
      %mul3A_89 = arith.constant 128 : i32
      %mul3A_90 = arith.muli %add3A_88, %mul3A_89 : i32
      %add3A_91 = arith.addi %mul3A_2, %mul3A_90 : i32
      %multiple_of3A_92 = tpu.assume_multiple %add3A_91, 128 : i32
      %dma_wait3A_93 = tpu.memref_slice %arg3[%multiple_of3A_92] : memref<327680xi32, #tpu.memory_space<hbm>> -> memref<128xi32, #tpu.memory_space<hbm>>
      %dma_wait3A_94 = tpu.memref_slice %arg3[%multiple_of3A_92] : memref<327680xi32, #tpu.memory_space<hbm>> -> memref<128xi32, #tpu.memory_space<hbm>>
      tpu.wait_dma2 semaphore(%arg23 : memref<!tpu.dma_semaphore, #tpu.memory_space<semaphore_mem>>) src(%dma_wait3A_94 : memref<128xi32, #tpu.memory_space<hbm>>) dst(%arg9 : memref<128xi32, #tpu.memory_space<vmem>>)
      %dma_start3A_95 = arith.constant 0 : i32
      %dma_start3A_96 = arith.constant 0 : i32
      %dma_start3A_97 = tpu.memref_slice %arg2[%dma_start3A_95, %dma_start3A_96] : memref<10000x128xf32, #tpu.memory_space<hbm>> -> memref<10000x128xf32, #tpu.memory_space<hbm>>
      tpu.enqueue_indirect_dma source(%dma_start3A_97 : memref<10000x128xf32, #tpu.memory_space<hbm>>) target(%arg15 : memref<128x128xf32, #tpu.memory_space<vmem>>) offsets(%arg9 : memref<128xi32, #tpu.memory_space<vmem>>) semaphore(%arg21 : memref<!tpu.dma_semaphore, #tpu.memory_space<semaphore_mem>>)
      %mul3A_98 = arith.constant 128 : i32
      %mul3A_99 = arith.muli %mul3A_86, %mul3A_98 : i32
      %add3A_100 = arith.addi %mul3A_2, %mul3A_99 : i32
      %multiple_of3A_101 = tpu.assume_multiple %add3A_100, 128 : i32
      %add3A_102 = arith.addi %mul3A_4, %mul3A_2 : i32
      %mul3A_103 = arith.constant 128 : i32
      %mul3A_104 = arith.muli %mul3A_86, %mul3A_103 : i32
      %add3A_105 = arith.addi %add3A_102, %mul3A_104 : i32
      %multiple_of3A_106 = tpu.assume_multiple %add3A_105, 8 : i32
      %dma_wait3A_107 = arith.constant 0 : i32
      %dma_wait3A_108 = arith.constant 0 : i32
      %dma_wait3A_109 = tpu.memref_slice %arg2[%dma_wait3A_107, %dma_wait3A_108] : memref<10000x128xf32, #tpu.memory_space<hbm>> -> memref<10000x128xf32, #tpu.memory_space<hbm>>
      tpu.wait_indirect_dma semaphore(%arg20 : memref<!tpu.dma_semaphore, #tpu.memory_space<semaphore_mem>>) src(%dma_wait3A_109 : memref<10000x128xf32, #tpu.memory_space<hbm>>) dst(%arg14 : memref<128x128xf32, #tpu.memory_space<vmem>>)
      %dma_wait3A_110 = tpu.memref_slice %arg4[%multiple_of3A_106] : memref<655360xi32, #tpu.memory_space<hbm>> -> memref<128xi32, #tpu.memory_space<hbm>>
      %dma_wait3A_111 = tpu.memref_slice %arg4[%multiple_of3A_106] : memref<655360xi32, #tpu.memory_space<hbm>> -> memref<128xi32, #tpu.memory_space<hbm>>
      tpu.wait_dma2 semaphore(%arg24 : memref<!tpu.dma_semaphore, #tpu.memory_space<semaphore_mem>>) src(%dma_wait3A_111 : memref<128xi32, #tpu.memory_space<hbm>>) dst(%arg10 : memref<128xi32, #tpu.memory_space<vmem>>)
      %dma_wait3A_112 = arith.constant 0 : i32
      %dma_wait3A_113 = tpu.memref_slice %arg5[%multiple_of3A_101, %dma_wait3A_112] : memref<327680x16xf32, #tpu.memory_space<hbm>> -> memref<128x16xf32, #tpu.memory_space<hbm>>
      %dma_wait3A_114 = arith.constant 0 : i32
      %dma_wait3A_115 = tpu.memref_slice %arg5[%multiple_of3A_101, %dma_wait3A_114] : memref<327680x16xf32, #tpu.memory_space<hbm>> -> memref<128x16xf32, #tpu.memory_space<hbm>>
      tpu.wait_dma2 semaphore(%arg24 : memref<!tpu.dma_semaphore, #tpu.memory_space<semaphore_mem>>) src(%dma_wait3A_115 : memref<128x16xf32, #tpu.memory_space<hbm>>) dst(%arg12 : memref<128x16xf32, #tpu.memory_space<vmem>>)
      %scan3A_116 = arith.constant 0 : i32
      %scan3A_117 = arith.constant 0 : i32
      %scan3A_118 = arith.constant 128 : i32
      %scan3A_119 = arith.addi %scan3A_117, %scan3A_118 : i32
      %scan3A_120 = arith.constant 1 : i32
      %scan3A_121 = scf.for %scan3A_158 = %scan3A_117 to %scan3A_119 step %scan3A_120 iter_args(%scan3A_159 = %scan3A_116) -> (i32)  : i32 {
        %get3A = arith.index_cast %scan3A_158 : i32 to index
        %get3A_160 = arith.constant 0 : index
        %get3A_161 = tpu.vector_load %arg12[%get3A, %get3A_160] {strides = array<i32>} : memref<128x16xf32, #tpu.memory_space<vmem>>, vector<1x16xf32>,
        %get3A_162 = vector.shape_cast %get3A_161 : vector<1x16xf32> to vector<16xf32>
        %get3A_163 = arith.index_cast %scan3A_158 : i32 to index
        %get3A_164 = arith.constant 0 : index
        %get3A_165 = tpu.vector_load %arg14[%get3A_163, %get3A_164] {strides = array<i32>} : memref<128x128xf32, #tpu.memory_space<vmem>>, vector<1x16xf32>,
        %get3A_166 = vector.shape_cast %get3A_165 : vector<1x16xf32> to vector<16xf32>
        %mul3A_167 = arith.mulf %get3A_166, %get3A_162 : vector<16xf32>
        %swap3A = arith.index_cast %scan3A_158 : i32 to index
        %swap3A_168 = arith.constant 0 : index
        %swap3A_169 = tpu.vector_load %arg14[%swap3A, %swap3A_168] {strides = array<i32>} : memref<128x128xf32, #tpu.memory_space<vmem>>, vector<1x16xf32>,
        %swap3A_170 = vector.shape_cast %swap3A_169 : vector<1x16xf32> to vector<16xf32>
        %swap3A_171 = vector.shape_cast %mul3A_167 : vector<16xf32> to vector<1x16xf32>
        tpu.vector_store %arg14[%swap3A, %swap3A_168], %swap3A_171 {strides = array<i32>} : memref<128x128xf32, #tpu.memory_space<vmem>>, vector<1x16xf32>,
        %get3A_172 = arith.index_cast %scan3A_158 : i32 to index
        %get3A_173 = arith.constant 16 : index
        %get3A_174 = tpu.vector_load %arg14[%get3A_172, %get3A_173] {strides = array<i32>} : memref<128x128xf32, #tpu.memory_space<vmem>>, vector<1x16xf32>,
        %get3A_175 = vector.shape_cast %get3A_174 : vector<1x16xf32> to vector<16xf32>
        %mul3A_176 = arith.mulf %get3A_175, %get3A_162 : vector<16xf32>
        %swap3A_177 = arith.index_cast %scan3A_158 : i32 to index
        %swap3A_178 = arith.constant 16 : index
        %swap3A_179 = tpu.vector_load %arg14[%swap3A_177, %swap3A_178] {strides = array<i32>} : memref<128x128xf32, #tpu.memory_space<vmem>>, vector<1x16xf32>,
        %swap3A_180 = vector.shape_cast %swap3A_179 : vector<1x16xf32> to vector<16xf32>
        %swap3A_181 = vector.shape_cast %mul3A_176 : vector<16xf32> to vector<1x16xf32>
        tpu.vector_store %arg14[%swap3A_177, %swap3A_178], %swap3A_181 {strides = array<i32>} : memref<128x128xf32, #tpu.memory_space<vmem>>, vector<1x16xf32>,
        %get3A_182 = arith.index_cast %scan3A_158 : i32 to index
        %get3A_183 = arith.constant 32 : index
        %get3A_184 = tpu.vector_load %arg14[%get3A_182, %get3A_183] {strides = array<i32>} : memref<128x128xf32, #tpu.memory_space<vmem>>, vector<1x16xf32>,
        %get3A_185 = vector.shape_cast %get3A_184 : vector<1x16xf32> to vector<16xf32>
        %mul3A_186 = arith.mulf %get3A_185, %get3A_162 : vector<16xf32>
        %swap3A_187 = arith.index_cast %scan3A_158 : i32 to index
        %swap3A_188 = arith.constant 32 : index
        %swap3A_189 = tpu.vector_load %arg14[%swap3A_187, %swap3A_188] {strides = array<i32>} : memref<128x128xf32, #tpu.memory_space<vmem>>, vector<1x16xf32>,
        %swap3A_190 = vector.shape_cast %swap3A_189 : vector<1x16xf32> to vector<16xf32>
        %swap3A_191 = vector.shape_cast %mul3A_186 : vector<16xf32> to vector<1x16xf32>
        tpu.vector_store %arg14[%swap3A_187, %swap3A_188], %swap3A_191 {strides = array<i32>} : memref<128x128xf32, #tpu.memory_space<vmem>>, vector<1x16xf32>,
        %get3A_192 = arith.index_cast %scan3A_158 : i32 to index
        %get3A_193 = arith.constant 48 : index
        %get3A_194 = tpu.vector_load %arg14[%get3A_192, %get3A_193] {strides = array<i32>} : memref<128x128xf32, #tpu.memory_space<vmem>>, vector<1x16xf32>,
        %get3A_195 = vector.shape_cast %get3A_194 : vector<1x16xf32> to vector<16xf32>
        %mul3A_196 = arith.mulf %get3A_195, %get3A_162 : vector<16xf32>
        %swap3A_197 = arith.index_cast %scan3A_158 : i32 to index
        %swap3A_198 = arith.constant 48 : index
        %swap3A_199 = tpu.vector_load %arg14[%swap3A_197, %swap3A_198] {strides = array<i32>} : memref<128x128xf32, #tpu.memory_space<vmem>>, vector<1x16xf32>,
        %swap3A_200 = vector.shape_cast %swap3A_199 : vector<1x16xf32> to vector<16xf32>
        %swap3A_201 = vector.shape_cast %mul3A_196 : vector<16xf32> to vector<1x16xf32>
        tpu.vector_store %arg14[%swap3A_197, %swap3A_198], %swap3A_201 {strides = array<i32>} : memref<128x128xf32, #tpu.memory_space<vmem>>, vector<1x16xf32>,
        %get3A_202 = arith.index_cast %scan3A_158 : i32 to index
        %get3A_203 = arith.constant 64 : index
        %get3A_204 = tpu.vector_load %arg14[%get3A_202, %get3A_203] {strides = array<i32>} : memref<128x128xf32, #tpu.memory_space<vmem>>, vector<1x16xf32>,
        %get3A_205 = vector.shape_cast %get3A_204 : vector<1x16xf32> to vector<16xf32>
        %mul3A_206 = arith.mulf %get3A_205, %get3A_162 : vector<16xf32>
        %swap3A_207 = arith.index_cast %scan3A_158 : i32 to index
        %swap3A_208 = arith.constant 64 : index
        %swap3A_209 = tpu.vector_load %arg14[%swap3A_207, %swap3A_208] {strides = array<i32>} : memref<128x128xf32, #tpu.memory_space<vmem>>, vector<1x16xf32>,
        %swap3A_210 = vector.shape_cast %swap3A_209 : vector<1x16xf32> to vector<16xf32>
        %swap3A_211 = vector.shape_cast %mul3A_206 : vector<16xf32> to vector<1x16xf32>
        tpu.vector_store %arg14[%swap3A_207, %swap3A_208], %swap3A_211 {strides = array<i32>} : memref<128x128xf32, #tpu.memory_space<vmem>>, vector<1x16xf32>,
        %get3A_212 = arith.index_cast %scan3A_158 : i32 to index
        %get3A_213 = arith.constant 80 : index
        %get3A_214 = tpu.vector_load %arg14[%get3A_212, %get3A_213] {strides = array<i32>} : memref<128x128xf32, #tpu.memory_space<vmem>>, vector<1x16xf32>,
        %get3A_215 = vector.shape_cast %get3A_214 : vector<1x16xf32> to vector<16xf32>
        %mul3A_216 = arith.mulf %get3A_215, %get3A_162 : vector<16xf32>
        %swap3A_217 = arith.index_cast %scan3A_158 : i32 to index
        %swap3A_218 = arith.constant 80 : index
        %swap3A_219 = tpu.vector_load %arg14[%swap3A_217, %swap3A_218] {strides = array<i32>} : memref<128x128xf32, #tpu.memory_space<vmem>>, vector<1x16xf32>,
        %swap3A_220 = vector.shape_cast %swap3A_219 : vector<1x16xf32> to vector<16xf32>
        %swap3A_221 = vector.shape_cast %mul3A_216 : vector<16xf32> to vector<1x16xf32>
        tpu.vector_store %arg14[%swap3A_217, %swap3A_218], %swap3A_221 {strides = array<i32>} : memref<128x128xf32, #tpu.memory_space<vmem>>, vector<1x16xf32>,
        %get3A_222 = arith.index_cast %scan3A_158 : i32 to index
        %get3A_223 = arith.constant 96 : index
        %get3A_224 = tpu.vector_load %arg14[%get3A_222, %get3A_223] {strides = array<i32>} : memref<128x128xf32, #tpu.memory_space<vmem>>, vector<1x16xf32>,
        %get3A_225 = vector.shape_cast %get3A_224 : vector<1x16xf32> to vector<16xf32>
        %mul3A_226 = arith.mulf %get3A_225, %get3A_162 : vector<16xf32>
        %swap3A_227 = arith.index_cast %scan3A_158 : i32 to index
        %swap3A_228 = arith.constant 96 : index
        %swap3A_229 = tpu.vector_load %arg14[%swap3A_227, %swap3A_228] {strides = array<i32>} : memref<128x128xf32, #tpu.memory_space<vmem>>, vector<1x16xf32>,
        %swap3A_230 = vector.shape_cast %swap3A_229 : vector<1x16xf32> to vector<16xf32>
        %swap3A_231 = vector.shape_cast %mul3A_226 : vector<16xf32> to vector<1x16xf32>
        tpu.vector_store %arg14[%swap3A_227, %swap3A_228], %swap3A_231 {strides = array<i32>} : memref<128x128xf32, #tpu.memory_space<vmem>>, vector<1x16xf32>,
        %get3A_232 = arith.index_cast %scan3A_158 : i32 to index
        %get3A_233 = arith.constant 112 : index
        %get3A_234 = tpu.vector_load %arg14[%get3A_232, %get3A_233] {strides = array<i32>} : memref<128x128xf32, #tpu.memory_space<vmem>>, vector<1x16xf32>,
        %get3A_235 = vector.shape_cast %get3A_234 : vector<1x16xf32> to vector<16xf32>
        %mul3A_236 = arith.mulf %get3A_235, %get3A_162 : vector<16xf32>
        %swap3A_237 = arith.index_cast %scan3A_158 : i32 to index
        %swap3A_238 = arith.constant 112 : index
        %swap3A_239 = tpu.vector_load %arg14[%swap3A_237, %swap3A_238] {strides = array<i32>} : memref<128x128xf32, #tpu.memory_space<vmem>>, vector<1x16xf32>,
        %swap3A_240 = vector.shape_cast %swap3A_239 : vector<1x16xf32> to vector<16xf32>
        %swap3A_241 = vector.shape_cast %mul3A_236 : vector<16xf32> to vector<1x16xf32>
        tpu.vector_store %arg14[%swap3A_237, %swap3A_238], %swap3A_241 {strides = array<i32>} : memref<128x128xf32, #tpu.memory_space<vmem>>, vector<1x16xf32>,
        %scan3A_242 = arith.constant 0 : i32
        scf.yield %scan3A_242 : i32
      }
      %scan3A_122 = arith.constant 128 : i32
      "tpu.region"() ({
        %run_scoped3A = tpu.sem_alloc : memref<!tpu.dma_semaphore, #tpu.memory_space<semaphore_mem>>
        %dma_start3A_158 = arith.constant 0 : i32
        %dma_start3A_159 = arith.constant 0 : i32
        %dma_start3A_160 = tpu.memref_slice %arg18[%dma_start3A_158, %dma_start3A_159] : memref<5120x128xf32, #tpu.memory_space<vmem_shared>> -> memref<5120x128xf32, #tpu.memory_space<vmem_shared>>
        tpu.enqueue_indirect_dma source(%arg14 : memref<128x128xf32, #tpu.memory_space<vmem>>) target(%dma_start3A_160 : memref<5120x128xf32, #tpu.memory_space<vmem_shared>>) offsets(%arg10 : memref<128xi32, #tpu.memory_space<vmem>>) semaphore(%run_scoped3A : memref<!tpu.dma_semaphore, #tpu.memory_space<semaphore_mem>>) {add = true}
        %dma_wait3A_161 = arith.constant 0 : i32
        %dma_wait3A_162 = arith.constant 0 : i32
        %dma_wait3A_163 = tpu.memref_slice %arg18[%dma_wait3A_161, %dma_wait3A_162] : memref<5120x128xf32, #tpu.memory_space<vmem_shared>> -> memref<5120x128xf32, #tpu.memory_space<vmem_shared>>
        tpu.wait_indirect_dma semaphore(%run_scoped3A : memref<!tpu.dma_semaphore, #tpu.memory_space<semaphore_mem>>) src(%arg14 : memref<128x128xf32, #tpu.memory_space<vmem>>) dst(%dma_wait3A_163 : memref<5120x128xf32, #tpu.memory_space<vmem_shared>>)
        tpu.yield
      }) : () -> ()
      "tpu.region"() ({
        %run_scoped3A = tpu.sem_alloc : memref<!tpu.dma_semaphore, #tpu.memory_space<semaphore_mem>>
        %dma_start3A_158 = arith.constant 0 : i32
        %dma_start3A_159 = tpu.memref_slice %arg19[%dma_start3A_158] : memref<5120xf32, #tpu.memory_space<vmem_shared>> -> memref<5120xf32, #tpu.memory_space<vmem_shared>>
        tpu.enqueue_indirect_dma source(%arg16 : memref<128xf32, #tpu.memory_space<vmem>>) target(%dma_start3A_159 : memref<5120xf32, #tpu.memory_space<vmem_shared>>) offsets(%arg10 : memref<128xi32, #tpu.memory_space<vmem>>) semaphore(%run_scoped3A : memref<!tpu.dma_semaphore, #tpu.memory_space<semaphore_mem>>) {add = true}
        %dma_wait3A_160 = arith.constant 0 : i32
        %dma_wait3A_161 = tpu.memref_slice %arg19[%dma_wait3A_160] : memref<5120xf32, #tpu.memory_space<vmem_shared>> -> memref<5120xf32, #tpu.memory_space<vmem_shared>>
        tpu.wait_indirect_dma semaphore(%run_scoped3A : memref<!tpu.dma_semaphore, #tpu.memory_space<semaphore_mem>>) src(%arg16 : memref<128xf32, #tpu.memory_space<vmem>>) dst(%dma_wait3A_161 : memref<5120xf32, #tpu.memory_space<vmem_shared>>)
        tpu.yield
      }) : () -> ()
      %lt3A = arith.constant 39 : i32
      %lt3A_123 = arith.cmpi slt, %scan3A_83, %lt3A : i32
      %convert_element_type3A = arith.extui %lt3A_123 : i1 to i32
      %cond3A = arith.constant 0 : i32
      %cond3A_124 = arith.cmpi ne, %convert_element_type3A, %cond3A : i32
      scf.if %cond3A_124 {
        %add3A_158 = arith.constant 2 : i32
        %add3A_159 = arith.addi %mul3A_86, %add3A_158 : i32
        %mul3A_160 = arith.constant 128 : i32
        %mul3A_161 = arith.muli %add3A_159, %mul3A_160 : i32
        %add3A_162 = arith.addi %mul3A_2, %mul3A_161 : i32
        %multiple_of3A_163 = tpu.assume_multiple %add3A_162, 128 : i32
        %add3A_164 = arith.addi %mul3A_4, %mul3A_2 : i32
        %mul3A_165 = arith.constant 128 : i32
        %mul3A_166 = arith.muli %add3A_159, %mul3A_165 : i32
        %add3A_167 = arith.addi %add3A_164, %mul3A_166 : i32
        %multiple_of3A_168 = tpu.assume_multiple %add3A_167, 8 : i32
        %dma_start3A_169 = tpu.memref_slice %arg3[%multiple_of3A_163] : memref<327680xi32, #tpu.memory_space<hbm>> -> memref<128xi32, #tpu.memory_space<hbm>>
        %dma_start3A_170 = tpu.memref_slice %arg3[%multiple_of3A_163] : memref<327680xi32, #tpu.memory_space<hbm>> -> memref<128xi32, #tpu.memory_space<hbm>>
        tpu.enqueue_dma source(%dma_start3A_170 : memref<128xi32, #tpu.memory_space<hbm>>) target(%arg8 : memref<128xi32, #tpu.memory_space<vmem>>) target_semaphore(%arg22 : memref<!tpu.dma_semaphore, #tpu.memory_space<semaphore_mem>>)
        %dma_start3A_171 = tpu.memref_slice %arg4[%multiple_of3A_168] : memref<655360xi32, #tpu.memory_space<hbm>> -> memref<128xi32, #tpu.memory_space<hbm>>
        %dma_start3A_172 = tpu.memref_slice %arg4[%multiple_of3A_168] : memref<655360xi32, #tpu.memory_space<hbm>> -> memref<128xi32, #tpu.memory_space<hbm>>
        tpu.enqueue_dma source(%dma_start3A_172 : memref<128xi32, #tpu.memory_space<hbm>>) target(%arg10 : memref<128xi32, #tpu.memory_space<vmem>>) target_semaphore(%arg24 : memref<!tpu.dma_semaphore, #tpu.memory_space<semaphore_mem>>)
        %dma_start3A_173 = arith.constant 0 : i32
        %dma_start3A_174 = tpu.memref_slice %arg5[%multiple_of3A_163, %dma_start3A_173] : memref<327680x16xf32, #tpu.memory_space<hbm>> -> memref<128x16xf32, #tpu.memory_space<hbm>>
        %dma_start3A_175 = arith.constant 0 : i32
        %dma_start3A_176 = tpu.memref_slice %arg5[%multiple_of3A_163, %dma_start3A_175] : memref<327680x16xf32, #tpu.memory_space<hbm>> -> memref<128x16xf32, #tpu.memory_space<hbm>>
        tpu.enqueue_dma source(%dma_start3A_176 : memref<128x16xf32, #tpu.memory_space<hbm>>) target(%arg12 : memref<128x16xf32, #tpu.memory_space<vmem>>) target_semaphore(%arg24 : memref<!tpu.dma_semaphore, #tpu.memory_space<semaphore_mem>>)
        %add3A_177 = arith.constant 2 : i32
        %add3A_178 = arith.addi %mul3A_86, %add3A_177 : i32
        %mul3A_179 = arith.constant 128 : i32
        %mul3A_180 = arith.muli %add3A_178, %mul3A_179 : i32
        %add3A_181 = arith.addi %mul3A_2, %mul3A_180 : i32
        %multiple_of3A_182 = tpu.assume_multiple %add3A_181, 128 : i32
        %dma_wait3A_183 = tpu.memref_slice %arg3[%multiple_of3A_182] : memref<327680xi32, #tpu.memory_space<hbm>> -> memref<128xi32, #tpu.memory_space<hbm>>
        %dma_wait3A_184 = tpu.memref_slice %arg3[%multiple_of3A_182] : memref<327680xi32, #tpu.memory_space<hbm>> -> memref<128xi32, #tpu.memory_space<hbm>>
        tpu.wait_dma2 semaphore(%arg22 : memref<!tpu.dma_semaphore, #tpu.memory_space<semaphore_mem>>) src(%dma_wait3A_184 : memref<128xi32, #tpu.memory_space<hbm>>) dst(%arg8 : memref<128xi32, #tpu.memory_space<vmem>>)
        %dma_start3A_185 = arith.constant 0 : i32
        %dma_start3A_186 = arith.constant 0 : i32
        %dma_start3A_187 = tpu.memref_slice %arg2[%dma_start3A_185, %dma_start3A_186] : memref<10000x128xf32, #tpu.memory_space<hbm>> -> memref<10000x128xf32, #tpu.memory_space<hbm>>
        tpu.enqueue_indirect_dma source(%dma_start3A_187 : memref<10000x128xf32, #tpu.memory_space<hbm>>) target(%arg14 : memref<128x128xf32, #tpu.memory_space<vmem>>) offsets(%arg8 : memref<128xi32, #tpu.memory_space<vmem>>) semaphore(%arg20 : memref<!tpu.dma_semaphore, #tpu.memory_space<semaphore_mem>>)
      } else {
      }
      %add3A_125 = arith.constant 1 : i32
      %add3A_126 = arith.addi %mul3A_86, %add3A_125 : i32
      %mul3A_127 = arith.constant 128 : i32
      %mul3A_128 = arith.muli %add3A_126, %mul3A_127 : i32
      %add3A_129 = arith.addi %mul3A_2, %mul3A_128 : i32
      %multiple_of3A_130 = tpu.assume_multiple %add3A_129, 128 : i32
      %add3A_131 = arith.addi %mul3A_4, %mul3A_2 : i32
      %mul3A_132 = arith.constant 128 : i32
      %mul3A_133 = arith.muli %add3A_126, %mul3A_132 : i32
      %add3A_134 = arith.addi %add3A_131, %mul3A_133 : i32
      %multiple_of3A_135 = tpu.assume_multiple %add3A_134, 8 : i32
      %dma_wait3A_136 = arith.constant 0 : i32
      %dma_wait3A_137 = arith.constant 0 : i32
      %dma_wait3A_138 = tpu.memref_slice %arg2[%dma_wait3A_136, %dma_wait3A_137] : memref<10000x128xf32, #tpu.memory_space<hbm>> -> memref<10000x128xf32, #tpu.memory_space<hbm>>
      tpu.wait_indirect_dma semaphore(%arg21 : memref<!tpu.dma_semaphore, #tpu.memory_space<semaphore_mem>>) src(%dma_wait3A_138 : memref<10000x128xf32, #tpu.memory_space<hbm>>) dst(%arg15 : memref<128x128xf32, #tpu.memory_space<vmem>>)
      %dma_wait3A_139 = tpu.memref_slice %arg4[%multiple_of3A_135] : memref<655360xi32, #tpu.memory_space<hbm>> -> memref<128xi32, #tpu.memory_space<hbm>>
      %dma_wait3A_140 = tpu.memref_slice %arg4[%multiple_of3A_135] : memref<655360xi32, #tpu.memory_space<hbm>> -> memref<128xi32, #tpu.memory_space<hbm>>
      tpu.wait_dma2 semaphore(%arg25 : memref<!tpu.dma_semaphore, #tpu.memory_space<semaphore_mem>>) src(%dma_wait3A_140 : memref<128xi32, #tpu.memory_space<hbm>>) dst(%arg11 : memref<128xi32, #tpu.memory_space<vmem>>)
      %dma_wait3A_141 = arith.constant 0 : i32
      %dma_wait3A_142 = tpu.memref_slice %arg5[%multiple_of3A_130, %dma_wait3A_141] : memref<327680x16xf32, #tpu.memory_space<hbm>> -> memref<128x16xf32, #tpu.memory_space<hbm>>
      %dma_wait3A_143 = arith.constant 0 : i32
      %dma_wait3A_144 = tpu.memref_slice %arg5[%multiple_of3A_130, %dma_wait3A_143] : memref<327680x16xf32, #tpu.memory_space<hbm>> -> memref<128x16xf32, #tpu.memory_space<hbm>>
      tpu.wait_dma2 semaphore(%arg25 : memref<!tpu.dma_semaphore, #tpu.memory_space<semaphore_mem>>) src(%dma_wait3A_144 : memref<128x16xf32, #tpu.memory_space<hbm>>) dst(%arg13 : memref<128x16xf32, #tpu.memory_space<vmem>>)
      %scan3A_145 = arith.constant 0 : i32
      %scan3A_146 = arith.constant 0 : i32
      %scan3A_147 = arith.constant 128 : i32
      %scan3A_148 = arith.addi %scan3A_146, %scan3A_147 : i32
      %scan3A_149 = arith.constant 1 : i32
      %scan3A_150 = scf.for %scan3A_158 = %scan3A_146 to %scan3A_148 step %scan3A_149 iter_args(%scan3A_159 = %scan3A_145) -> (i32)  : i32 {
        %get3A = arith.index_cast %scan3A_158 : i32 to index
        %get3A_160 = arith.constant 0 : index
        %get3A_161 = tpu.vector_load %arg13[%get3A, %get3A_160] {strides = array<i32>} : memref<128x16xf32, #tpu.memory_space<vmem>>, vector<1x16xf32>,
        %get3A_162 = vector.shape_cast %get3A_161 : vector<1x16xf32> to vector<16xf32>
        %get3A_163 = arith.index_cast %scan3A_158 : i32 to index
        %get3A_164 = arith.constant 0 : index
        %get3A_165 = tpu.vector_load %arg15[%get3A_163, %get3A_164] {strides = array<i32>} : memref<128x128xf32, #tpu.memory_space<vmem>>, vector<1x16xf32>,
        %get3A_166 = vector.shape_cast %get3A_165 : vector<1x16xf32> to vector<16xf32>
        %mul3A_167 = arith.mulf %get3A_166, %get3A_162 : vector<16xf32>
        %swap3A = arith.index_cast %scan3A_158 : i32 to index
        %swap3A_168 = arith.constant 0 : index
        %swap3A_169 = tpu.vector_load %arg15[%swap3A, %swap3A_168] {strides = array<i32>} : memref<128x128xf32, #tpu.memory_space<vmem>>, vector<1x16xf32>,
        %swap3A_170 = vector.shape_cast %swap3A_169 : vector<1x16xf32> to vector<16xf32>
        %swap3A_171 = vector.shape_cast %mul3A_167 : vector<16xf32> to vector<1x16xf32>
        tpu.vector_store %arg15[%swap3A, %swap3A_168], %swap3A_171 {strides = array<i32>} : memref<128x128xf32, #tpu.memory_space<vmem>>, vector<1x16xf32>,
        %get3A_172 = arith.index_cast %scan3A_158 : i32 to index
        %get3A_173 = arith.constant 16 : index
        %get3A_174 = tpu.vector_load %arg15[%get3A_172, %get3A_173] {strides = array<i32>} : memref<128x128xf32, #tpu.memory_space<vmem>>, vector<1x16xf32>,
        %get3A_175 = vector.shape_cast %get3A_174 : vector<1x16xf32> to vector<16xf32>
        %mul3A_176 = arith.mulf %get3A_175, %get3A_162 : vector<16xf32>
        %swap3A_177 = arith.index_cast %scan3A_158 : i32 to index
        %swap3A_178 = arith.constant 16 : index
        %swap3A_179 = tpu.vector_load %arg15[%swap3A_177, %swap3A_178] {strides = array<i32>} : memref<128x128xf32, #tpu.memory_space<vmem>>, vector<1x16xf32>,
        %swap3A_180 = vector.shape_cast %swap3A_179 : vector<1x16xf32> to vector<16xf32>
        %swap3A_181 = vector.shape_cast %mul3A_176 : vector<16xf32> to vector<1x16xf32>
        tpu.vector_store %arg15[%swap3A_177, %swap3A_178], %swap3A_181 {strides = array<i32>} : memref<128x128xf32, #tpu.memory_space<vmem>>, vector<1x16xf32>,
        %get3A_182 = arith.index_cast %scan3A_158 : i32 to index
        %get3A_183 = arith.constant 32 : index
        %get3A_184 = tpu.vector_load %arg15[%get3A_182, %get3A_183] {strides = array<i32>} : memref<128x128xf32, #tpu.memory_space<vmem>>, vector<1x16xf32>,
        %get3A_185 = vector.shape_cast %get3A_184 : vector<1x16xf32> to vector<16xf32>
        %mul3A_186 = arith.mulf %get3A_185, %get3A_162 : vector<16xf32>
        %swap3A_187 = arith.index_cast %scan3A_158 : i32 to index
        %swap3A_188 = arith.constant 32 : index
        %swap3A_189 = tpu.vector_load %arg15[%swap3A_187, %swap3A_188] {strides = array<i32>} : memref<128x128xf32, #tpu.memory_space<vmem>>, vector<1x16xf32>,
        %swap3A_190 = vector.shape_cast %swap3A_189 : vector<1x16xf32> to vector<16xf32>
        %swap3A_191 = vector.shape_cast %mul3A_186 : vector<16xf32> to vector<1x16xf32>
        tpu.vector_store %arg15[%swap3A_187, %swap3A_188], %swap3A_191 {strides = array<i32>} : memref<128x128xf32, #tpu.memory_space<vmem>>, vector<1x16xf32>,
        %get3A_192 = arith.index_cast %scan3A_158 : i32 to index
        %get3A_193 = arith.constant 48 : index
        %get3A_194 = tpu.vector_load %arg15[%get3A_192, %get3A_193] {strides = array<i32>} : memref<128x128xf32, #tpu.memory_space<vmem>>, vector<1x16xf32>,
        %get3A_195 = vector.shape_cast %get3A_194 : vector<1x16xf32> to vector<16xf32>
        %mul3A_196 = arith.mulf %get3A_195, %get3A_162 : vector<16xf32>
        %swap3A_197 = arith.index_cast %scan3A_158 : i32 to index
        %swap3A_198 = arith.constant 48 : index
        %swap3A_199 = tpu.vector_load %arg15[%swap3A_197, %swap3A_198] {strides = array<i32>} : memref<128x128xf32, #tpu.memory_space<vmem>>, vector<1x16xf32>,
        %swap3A_200 = vector.shape_cast %swap3A_199 : vector<1x16xf32> to vector<16xf32>
        %swap3A_201 = vector.shape_cast %mul3A_196 : vector<16xf32> to vector<1x16xf32>
        tpu.vector_store %arg15[%swap3A_197, %swap3A_198], %swap3A_201 {strides = array<i32>} : memref<128x128xf32, #tpu.memory_space<vmem>>, vector<1x16xf32>,
        %get3A_202 = arith.index_cast %scan3A_158 : i32 to index
        %get3A_203 = arith.constant 64 : index
        %get3A_204 = tpu.vector_load %arg15[%get3A_202, %get3A_203] {strides = array<i32>} : memref<128x128xf32, #tpu.memory_space<vmem>>, vector<1x16xf32>,
        %get3A_205 = vector.shape_cast %get3A_204 : vector<1x16xf32> to vector<16xf32>
        %mul3A_206 = arith.mulf %get3A_205, %get3A_162 : vector<16xf32>
        %swap3A_207 = arith.index_cast %scan3A_158 : i32 to index
        %swap3A_208 = arith.constant 64 : index
        %swap3A_209 = tpu.vector_load %arg15[%swap3A_207, %swap3A_208] {strides = array<i32>} : memref<128x128xf32, #tpu.memory_space<vmem>>, vector<1x16xf32>,
        %swap3A_210 = vector.shape_cast %swap3A_209 : vector<1x16xf32> to vector<16xf32>
        %swap3A_211 = vector.shape_cast %mul3A_206 : vector<16xf32> to vector<1x16xf32>
        tpu.vector_store %arg15[%swap3A_207, %swap3A_208], %swap3A_211 {strides = array<i32>} : memref<128x128xf32, #tpu.memory_space<vmem>>, vector<1x16xf32>,
        %get3A_212 = arith.index_cast %scan3A_158 : i32 to index
        %get3A_213 = arith.constant 80 : index
        %get3A_214 = tpu.vector_load %arg15[%get3A_212, %get3A_213] {strides = array<i32>} : memref<128x128xf32, #tpu.memory_space<vmem>>, vector<1x16xf32>,
        %get3A_215 = vector.shape_cast %get3A_214 : vector<1x16xf32> to vector<16xf32>
        %mul3A_216 = arith.mulf %get3A_215, %get3A_162 : vector<16xf32>
        %swap3A_217 = arith.index_cast %scan3A_158 : i32 to index
        %swap3A_218 = arith.constant 80 : index
        %swap3A_219 = tpu.vector_load %arg15[%swap3A_217, %swap3A_218] {strides = array<i32>} : memref<128x128xf32, #tpu.memory_space<vmem>>, vector<1x16xf32>,
        %swap3A_220 = vector.shape_cast %swap3A_219 : vector<1x16xf32> to vector<16xf32>
        %swap3A_221 = vector.shape_cast %mul3A_216 : vector<16xf32> to vector<1x16xf32>
        tpu.vector_store %arg15[%swap3A_217, %swap3A_218], %swap3A_221 {strides = array<i32>} : memref<128x128xf32, #tpu.memory_space<vmem>>, vector<1x16xf32>,
        %get3A_222 = arith.index_cast %scan3A_158 : i32 to index
        %get3A_223 = arith.constant 96 : index
        %get3A_224 = tpu.vector_load %arg15[%get3A_222, %get3A_223] {strides = array<i32>} : memref<128x128xf32, #tpu.memory_space<vmem>>, vector<1x16xf32>,
        %get3A_225 = vector.shape_cast %get3A_224 : vector<1x16xf32> to vector<16xf32>
        %mul3A_226 = arith.mulf %get3A_225, %get3A_162 : vector<16xf32>
        %swap3A_227 = arith.index_cast %scan3A_158 : i32 to index
        %swap3A_228 = arith.constant 96 : index
        %swap3A_229 = tpu.vector_load %arg15[%swap3A_227, %swap3A_228] {strides = array<i32>} : memref<128x128xf32, #tpu.memory_space<vmem>>, vector<1x16xf32>,
        %swap3A_230 = vector.shape_cast %swap3A_229 : vector<1x16xf32> to vector<16xf32>
        %swap3A_231 = vector.shape_cast %mul3A_226 : vector<16xf32> to vector<1x16xf32>
        tpu.vector_store %arg15[%swap3A_227, %swap3A_228], %swap3A_231 {strides = array<i32>} : memref<128x128xf32, #tpu.memory_space<vmem>>, vector<1x16xf32>,
        %get3A_232 = arith.index_cast %scan3A_158 : i32 to index
        %get3A_233 = arith.constant 112 : index
        %get3A_234 = tpu.vector_load %arg15[%get3A_232, %get3A_233] {strides = array<i32>} : memref<128x128xf32, #tpu.memory_space<vmem>>, vector<1x16xf32>,
        %get3A_235 = vector.shape_cast %get3A_234 : vector<1x16xf32> to vector<16xf32>
        %mul3A_236 = arith.mulf %get3A_235, %get3A_162 : vector<16xf32>
        %swap3A_237 = arith.index_cast %scan3A_158 : i32 to index
        %swap3A_238 = arith.constant 112 : index
        %swap3A_239 = tpu.vector_load %arg15[%swap3A_237, %swap3A_238] {strides = array<i32>} : memref<128x128xf32, #tpu.memory_space<vmem>>, vector<1x16xf32>,
        %swap3A_240 = vector.shape_cast %swap3A_239 : vector<1x16xf32> to vector<16xf32>
        %swap3A_241 = vector.shape_cast %mul3A_236 : vector<16xf32> to vector<1x16xf32>
        tpu.vector_store %arg15[%swap3A_237, %swap3A_238], %swap3A_241 {strides = array<i32>} : memref<128x128xf32, #tpu.memory_space<vmem>>, vector<1x16xf32>,
        %scan3A_242 = arith.constant 0 : i32
        scf.yield %scan3A_242 : i32
      }
      %scan3A_151 = arith.constant 128 : i32
      "tpu.region"() ({
        %run_scoped3A = tpu.sem_alloc : memref<!tpu.dma_semaphore, #tpu.memory_space<semaphore_mem>>
        %dma_start3A_158 = arith.constant 0 : i32
        %dma_start3A_159 = arith.constant 0 : i32
        %dma_start3A_160 = tpu.memref_slice %arg18[%dma_start3A_158, %dma_start3A_159] : memref<5120x128xf32, #tpu.memory_space<vmem_shared>> -> memref<5120x128xf32, #tpu.memory_space<vmem_shared>>
        tpu.enqueue_indirect_dma source(%arg15 : memref<128x128xf32, #tpu.memory_space<vmem>>) target(%dma_start3A_160 : memref<5120x128xf32, #tpu.memory_space<vmem_shared>>) offsets(%arg11 : memref<128xi32, #tpu.memory_space<vmem>>) semaphore(%run_scoped3A : memref<!tpu.dma_semaphore, #tpu.memory_space<semaphore_mem>>) {add = true}
        %dma_wait3A_161 = arith.constant 0 : i32
        %dma_wait3A_162 = arith.constant 0 : i32
        %dma_wait3A_163 = tpu.memref_slice %arg18[%dma_wait3A_161, %dma_wait3A_162] : memref<5120x128xf32, #tpu.memory_space<vmem_shared>> -> memref<5120x128xf32, #tpu.memory_space<vmem_shared>>
        tpu.wait_indirect_dma semaphore(%run_scoped3A : memref<!tpu.dma_semaphore, #tpu.memory_space<semaphore_mem>>) src(%arg15 : memref<128x128xf32, #tpu.memory_space<vmem>>) dst(%dma_wait3A_163 : memref<5120x128xf32, #tpu.memory_space<vmem_shared>>)
        tpu.yield
      }) : () -> ()
      "tpu.region"() ({
        %run_scoped3A = tpu.sem_alloc : memref<!tpu.dma_semaphore, #tpu.memory_space<semaphore_mem>>
        %dma_start3A_158 = arith.constant 0 : i32
        %dma_start3A_159 = tpu.memref_slice %arg19[%dma_start3A_158] : memref<5120xf32, #tpu.memory_space<vmem_shared>> -> memref<5120xf32, #tpu.memory_space<vmem_shared>>
        tpu.enqueue_indirect_dma source(%arg16 : memref<128xf32, #tpu.memory_space<vmem>>) target(%dma_start3A_159 : memref<5120xf32, #tpu.memory_space<vmem_shared>>) offsets(%arg11 : memref<128xi32, #tpu.memory_space<vmem>>) semaphore(%run_scoped3A : memref<!tpu.dma_semaphore, #tpu.memory_space<semaphore_mem>>) {add = true}
        %dma_wait3A_160 = arith.constant 0 : i32
        %dma_wait3A_161 = tpu.memref_slice %arg19[%dma_wait3A_160] : memref<5120xf32, #tpu.memory_space<vmem_shared>> -> memref<5120xf32, #tpu.memory_space<vmem_shared>>
        tpu.wait_indirect_dma semaphore(%run_scoped3A : memref<!tpu.dma_semaphore, #tpu.memory_space<semaphore_mem>>) src(%arg16 : memref<128xf32, #tpu.memory_space<vmem>>) dst(%dma_wait3A_161 : memref<5120xf32, #tpu.memory_space<vmem_shared>>)
        tpu.yield
      }) : () -> ()
      %lt3A_152 = arith.constant 39 : i32
      %lt3A_153 = arith.cmpi slt, %scan3A_83, %lt3A_152 : i32
      %convert_element_type3A_154 = arith.extui %lt3A_153 : i1 to i32
      %cond3A_155 = arith.constant 0 : i32
      %cond3A_156 = arith.cmpi ne, %convert_element_type3A_154, %cond3A_155 : i32
      scf.if %cond3A_156 {
        %add3A_158 = arith.constant 3 : i32
        %add3A_159 = arith.addi %mul3A_86, %add3A_158 : i32
        %mul3A_160 = arith.constant 128 : i32
        %mul3A_161 = arith.muli %add3A_159, %mul3A_160 : i32
        %add3A_162 = arith.addi %mul3A_2, %mul3A_161 : i32
        %multiple_of3A_163 = tpu.assume_multiple %add3A_162, 128 : i32
        %add3A_164 = arith.addi %mul3A_4, %mul3A_2 : i32
        %mul3A_165 = arith.constant 128 : i32
        %mul3A_166 = arith.muli %add3A_159, %mul3A_165 : i32
        %add3A_167 = arith.addi %add3A_164, %mul3A_166 : i32
        %multiple_of3A_168 = tpu.assume_multiple %add3A_167, 8 : i32
        %dma_start3A_169 = tpu.memref_slice %arg3[%multiple_of3A_163] : memref<327680xi32, #tpu.memory_space<hbm>> -> memref<128xi32, #tpu.memory_space<hbm>>
        %dma_start3A_170 = tpu.memref_slice %arg3[%multiple_of3A_163] : memref<327680xi32, #tpu.memory_space<hbm>> -> memref<128xi32, #tpu.memory_space<hbm>>
        tpu.enqueue_dma source(%dma_start3A_170 : memref<128xi32, #tpu.memory_space<hbm>>) target(%arg9 : memref<128xi32, #tpu.memory_space<vmem>>) target_semaphore(%arg23 : memref<!tpu.dma_semaphore, #tpu.memory_space<semaphore_mem>>)
        %dma_start3A_171 = tpu.memref_slice %arg4[%multiple_of3A_168] : memref<655360xi32, #tpu.memory_space<hbm>> -> memref<128xi32, #tpu.memory_space<hbm>>
        %dma_start3A_172 = tpu.memref_slice %arg4[%multiple_of3A_168] : memref<655360xi32, #tpu.memory_space<hbm>> -> memref<128xi32, #tpu.memory_space<hbm>>
        tpu.enqueue_dma source(%dma_start3A_172 : memref<128xi32, #tpu.memory_space<hbm>>) target(%arg11 : memref<128xi32, #tpu.memory_space<vmem>>) target_semaphore(%arg25 : memref<!tpu.dma_semaphore, #tpu.memory_space<semaphore_mem>>)
        %dma_start3A_173 = arith.constant 0 : i32
        %dma_start3A_174 = tpu.memref_slice %arg5[%multiple_of3A_163, %dma_start3A_173] : memref<327680x16xf32, #tpu.memory_space<hbm>> -> memref<128x16xf32, #tpu.memory_space<hbm>>
        %dma_start3A_175 = arith.constant 0 : i32
        %dma_start3A_176 = tpu.memref_slice %arg5[%multiple_of3A_163, %dma_start3A_175] : memref<327680x16xf32, #tpu.memory_space<hbm>> -> memref<128x16xf32, #tpu.memory_space<hbm>>
        tpu.enqueue_dma source(%dma_start3A_176 : memref<128x16xf32, #tpu.memory_space<hbm>>) target(%arg13 : memref<128x16xf32, #tpu.memory_space<vmem>>) target_semaphore(%arg25 : memref<!tpu.dma_semaphore, #tpu.memory_space<semaphore_mem>>)
      } else {
      }
      %scan3A_157 = arith.constant 0 : i32
      scf.yield %scan3A_157 : i32
    }
    %scan3A_77 = arith.constant 40 : i32
    %barrier3A_78 = arith.constant 0 : index
    tpu.barrier barrier_id(%barrier3A_78)
    "tpu.region"() ({
      %run_scoped3A = tpu.sem_alloc : memref<!tpu.dma_semaphore, #tpu.memory_space<semaphore_mem>>
      %dma_start3A_83 = arith.constant 0 : i32
      %dma_start3A_84 = tpu.memref_slice %arg6[%arg0, %mul3A_29, %dma_start3A_83] : memref<2x5120x128xf32, #tpu.memory_space<hbm>> -> memref<1x320x128xf32, #tpu.memory_space<hbm>>
      %dma_start3A_85 = tpu.memref_squeeze %dma_start3A_84 : memref<1x320x128xf32, #tpu.memory_space<hbm>> -> memref<320x128xf32, #tpu.memory_space<hbm>>
      %dma_start3A_86 = arith.constant 0 : i32
      %dma_start3A_87 = tpu.memref_slice %arg18[%mul3A_29, %dma_start3A_86] : memref<5120x128xf32, #tpu.memory_space<vmem_shared>> -> memref<320x128xf32, #tpu.memory_space<vmem_shared>>
      tpu.enqueue_dma source(%dma_start3A_87 : memref<320x128xf32, #tpu.memory_space<vmem_shared>>) target(%dma_start3A_85 : memref<320x128xf32, #tpu.memory_space<hbm>>) target_semaphore(%run_scoped3A : memref<!tpu.dma_semaphore, #tpu.memory_space<semaphore_mem>>)
      %dma_wait3A_88 = arith.constant 0 : i32
      %dma_wait3A_89 = tpu.memref_slice %arg6[%arg0, %mul3A_29, %dma_wait3A_88] : memref<2x5120x128xf32, #tpu.memory_space<hbm>> -> memref<1x320x128xf32, #tpu.memory_space<hbm>>
      %dma_wait3A_90 = tpu.memref_squeeze %dma_wait3A_89 : memref<1x320x128xf32, #tpu.memory_space<hbm>> -> memref<320x128xf32, #tpu.memory_space<hbm>>
      %dma_wait3A_91 = arith.constant 0 : i32
      %dma_wait3A_92 = tpu.memref_slice %arg18[%mul3A_29, %dma_wait3A_91] : memref<5120x128xf32, #tpu.memory_space<vmem_shared>> -> memref<320x128xf32, #tpu.memory_space<vmem_shared>>
      tpu.wait_dma2 semaphore(%run_scoped3A : memref<!tpu.dma_semaphore, #tpu.memory_space<semaphore_mem>>) src(%dma_wait3A_92 : memref<320x128xf32, #tpu.memory_space<vmem_shared>>) dst(%dma_wait3A_90 : memref<320x128xf32, #tpu.memory_space<hbm>>)
      tpu.yield
    }) : () -> ()
    %mul3A_79 = arith.constant 5120 : i32
    %mul3A_80 = arith.muli %arg0, %mul3A_79 : i32
    %add3A_81 = arith.addi %mul3A_80, %mul3A_29 : i32
    %multiple_of3A_82 = tpu.assume_multiple %add3A_81, 8 : i32
    "tpu.region"() ({
      %run_scoped3A = tpu.sem_alloc : memref<!tpu.dma_semaphore, #tpu.memory_space<semaphore_mem>>
      %dma_start3A_83 = tpu.memref_slice %arg19[%mul3A_29] : memref<5120xf32, #tpu.memory_space<vmem_shared>> -> memref<320xf32, #tpu.memory_space<vmem_shared>>
      %dma_start3A_84 = tpu.memref_slice %arg19[%mul3A_29] : memref<5120xf32, #tpu.memory_space<vmem_shared>> -> memref<320xf32, #tpu.memory_space<vmem_shared>>
      tpu.enqueue_dma source(%dma_start3A_84 : memref<320xf32, #tpu.memory_space<vmem_shared>>) target(%arg17 : memref<320xf32, #tpu.memory_space<vmem>>) target_semaphore(%run_scoped3A : memref<!tpu.dma_semaphore, #tpu.memory_space<semaphore_mem>>)
      %dma_wait3A_85 = tpu.memref_slice %arg19[%mul3A_29] : memref<5120xf32, #tpu.memory_space<vmem_shared>> -> memref<320xf32, #tpu.memory_space<vmem_shared>>
      %dma_wait3A_86 = tpu.memref_slice %arg19[%mul3A_29] : memref<5120xf32, #tpu.memory_space<vmem_shared>> -> memref<320xf32, #tpu.memory_space<vmem_shared>>
      tpu.wait_dma2 semaphore(%run_scoped3A : memref<!tpu.dma_semaphore, #tpu.memory_space<semaphore_mem>>) src(%dma_wait3A_86 : memref<320xf32, #tpu.memory_space<vmem_shared>>) dst(%arg17 : memref<320xf32, #tpu.memory_space<vmem>>)
      tpu.yield
    }) : () -> ()
    "tpu.region"() ({
      %run_scoped3A = tpu.sem_alloc : memref<!tpu.dma_semaphore, #tpu.memory_space<semaphore_mem>>
      %dma_start3A_83 = tpu.memref_slice %arg7[%multiple_of3A_82] : memref<10240xf32, #tpu.memory_space<hbm>> -> memref<320xf32, #tpu.memory_space<hbm>>
      %dma_start3A_84 = tpu.memref_slice %arg7[%multiple_of3A_82] : memref<10240xf32, #tpu.memory_space<hbm>> -> memref<320xf32, #tpu.memory_space<hbm>>
      tpu.enqueue_dma source(%arg17 : memref<320xf32, #tpu.memory_space<vmem>>) target(%dma_start3A_84 : memref<320xf32, #tpu.memory_space<hbm>>) target_semaphore(%run_scoped3A : memref<!tpu.dma_semaphore, #tpu.memory_space<semaphore_mem>>)
      %dma_wait3A_85 = tpu.memref_slice %arg7[%multiple_of3A_82] : memref<10240xf32, #tpu.memory_space<hbm>> -> memref<320xf32, #tpu.memory_space<hbm>>
      %dma_wait3A_86 = tpu.memref_slice %arg7[%multiple_of3A_82] : memref<10240xf32, #tpu.memory_space<hbm>> -> memref<320xf32, #tpu.memory_space<hbm>>
      tpu.wait_dma2 semaphore(%run_scoped3A : memref<!tpu.dma_semaphore, #tpu.memory_space<semaphore_mem>>) src(%arg17 : memref<320xf32, #tpu.memory_space<vmem>>) dst(%dma_wait3A_86 : memref<320xf32, #tpu.memory_space<hbm>>)
      tpu.yield
    }) : () -> ()
    return
  }
}

module attributes {stable_mosaic.version = 14 : i64} {
  func.func @body(%arg0: i32, %arg1: memref<1000x128xf32, #tpu.memory_space<vmem>>, %arg2: memref<1x128xf32, #tpu.memory_space<vmem>>, %arg3: memref<1x128xf32, #tpu.memory_space<vmem>>, %arg4: memref<128x128xf32, #tpu.memory_space<vmem>>, %arg5: memref<1x128xf32, #tpu.memory_space<vmem>>, %arg6: memref<1x128xf32, #tpu.memory_space<vmem>>, %arg7: memref<1x128xf32, #tpu.memory_space<vmem>>, %arg8: memref<128x128xf32, #tpu.memory_space<vmem>>, %arg9: memref<1x128xf32, #tpu.memory_space<vmem>>, %arg10: memref<1000x128xf32, #tpu.memory_space<vmem>>) attributes {dimension_semantics = [#tpu.dimension_semantics<arbitrary>], iteration_bounds = array<i64: 10>, scalar_prefetch = 0 : i64, scratch_operands = 0 : i64, tpu.core_type = #tpu.core_type<tc>, window_params = [{transform_indices = @transform_0, window_bounds = array<i64: 1000, 128>}, {pipeline_mode = #tpu.pipeline_mode<synchronous>, transform_indices = @transform_1, window_bounds = array<i64: 1, 128>}, {pipeline_mode = #tpu.pipeline_mode<synchronous>, transform_indices = @transform_2, window_bounds = array<i64: 1, 128>}, {pipeline_mode = #tpu.pipeline_mode<synchronous>, transform_indices = @transform_3, window_bounds = array<i64: 128, 128>}, {pipeline_mode = #tpu.pipeline_mode<synchronous>, transform_indices = @transform_4, window_bounds = array<i64: 1, 128>}, {pipeline_mode = #tpu.pipeline_mode<synchronous>, transform_indices = @transform_5, window_bounds = array<i64: 1, 128>}, {pipeline_mode = #tpu.pipeline_mode<synchronous>, transform_indices = @transform_6, window_bounds = array<i64: 1, 128>}, {pipeline_mode = #tpu.pipeline_mode<synchronous>, transform_indices = @transform_7, window_bounds = array<i64: 128, 128>}, {pipeline_mode = #tpu.pipeline_mode<synchronous>, transform_indices = @transform_8, window_bounds = array<i64: 1, 128>}, {transform_indices = @transform_9, window_bounds = array<i64: 1000, 128>}]} {
    %get3A = arith.constant 0 : index
    %get3A_0 = arith.constant 0 : index
    %get3A_1 = vector.load %arg1[%get3A, %get3A_0] : memref<1000x128xf32, #tpu.memory_space<vmem>>, vector<1000x128xf32>
    %get3A_2 = arith.constant 0 : index
    %get3A_3 = arith.constant 0 : index
    %get3A_4 = vector.load %arg2[%get3A_2, %get3A_3] : memref<1x128xf32, #tpu.memory_space<vmem>>, vector<1x128xf32>
    %get3A_5 = arith.constant 0 : index
    %get3A_6 = arith.constant 0 : index
    %get3A_7 = vector.load %arg3[%get3A_5, %get3A_6] : memref<1x128xf32, #tpu.memory_space<vmem>>, vector<1x128xf32>
    %get3A_8 = arith.constant 0 : index
    %get3A_9 = arith.constant 0 : index
    %get3A_10 = vector.load %arg4[%get3A_8, %get3A_9] : memref<128x128xf32, #tpu.memory_space<vmem>>, vector<128x128xf32>
    %get3A_11 = arith.constant 0 : index
    %get3A_12 = arith.constant 0 : index
    %get3A_13 = vector.load %arg5[%get3A_11, %get3A_12] : memref<1x128xf32, #tpu.memory_space<vmem>>, vector<1x128xf32>
    %get3A_14 = arith.constant 0 : index
    %get3A_15 = arith.constant 0 : index
    %get3A_16 = vector.load %arg6[%get3A_14, %get3A_15] : memref<1x128xf32, #tpu.memory_space<vmem>>, vector<1x128xf32>
    %get3A_17 = arith.constant 0 : index
    %get3A_18 = arith.constant 0 : index
    %get3A_19 = vector.load %arg7[%get3A_17, %get3A_18] : memref<1x128xf32, #tpu.memory_space<vmem>>, vector<1x128xf32>
    %get3A_20 = arith.constant 0 : index
    %get3A_21 = arith.constant 0 : index
    %get3A_22 = vector.load %arg8[%get3A_20, %get3A_21] : memref<128x128xf32, #tpu.memory_space<vmem>>, vector<128x128xf32>
    %get3A_23 = arith.constant 0 : index
    %get3A_24 = arith.constant 0 : index
    %get3A_25 = vector.load %arg9[%get3A_23, %get3A_24] : memref<1x128xf32, #tpu.memory_space<vmem>>, vector<1x128xf32>
    %reduce_sum3A = arith.constant dense<0.000000e+00> : vector<1000xf32>
    %reduce_sum3A_26 = vector.multi_reduction <add>, %get3A_1, %reduce_sum3A [1] : vector<1000x128xf32> to vector<1000xf32>
    %broadcast_in_dim3A = vector.shape_cast %reduce_sum3A_26 : vector<1000xf32> to vector<1000x1xf32>
    %div3A = arith.constant 1.280000e+02 : f32
    %div3A_27 = vector.broadcast %div3A : f32 to vector<1000x1xf32>
    %div3A_28 = arith.divf %broadcast_in_dim3A, %div3A_27 : vector<1000x1xf32>
    %sub3A = vector.broadcast %div3A_28 : vector<1000x1xf32> to vector<1000x128xf32>
    %sub3A_29 = arith.subf %get3A_1, %sub3A : vector<1000x128xf32>
    %square3A = arith.mulf %sub3A_29, %sub3A_29 : vector<1000x128xf32>
    %reduce_sum3A_30 = arith.constant dense<0.000000e+00> : vector<1000xf32>
    %reduce_sum3A_31 = vector.multi_reduction <add>, %square3A, %reduce_sum3A_30 [1] : vector<1000x128xf32> to vector<1000xf32>
    %broadcast_in_dim3A_32 = vector.shape_cast %reduce_sum3A_31 : vector<1000xf32> to vector<1000x1xf32>
    %div3A_33 = arith.constant 1.280000e+02 : f32
    %div3A_34 = vector.broadcast %div3A_33 : f32 to vector<1000x1xf32>
    %div3A_35 = arith.divf %broadcast_in_dim3A_32, %div3A_34 : vector<1000x1xf32>
    %sub3A_36 = vector.broadcast %div3A_28 : vector<1000x1xf32> to vector<1000x128xf32>
    %sub3A_37 = arith.subf %get3A_1, %sub3A_36 : vector<1000x128xf32>
    %add3A = arith.constant 9.99999974E-6 : f32
    %add3A_38 = vector.broadcast %add3A : f32 to vector<1000x1xf32>
    %add3A_39 = arith.addf %div3A_35, %add3A_38 : vector<1000x1xf32>
    %sqrt3A = math.sqrt %add3A_39 : vector<1000x1xf32>
    %div3A_40 = vector.broadcast %sqrt3A : vector<1000x1xf32> to vector<1000x128xf32>
    %div3A_41 = arith.divf %sub3A_37, %div3A_40 : vector<1000x128xf32>
    %mul3A = vector.broadcast %get3A_4 : vector<1x128xf32> to vector<1000x128xf32>
    %mul3A_42 = arith.mulf %div3A_41, %mul3A : vector<1000x128xf32>
    %add3A_43 = vector.broadcast %get3A_7 : vector<1x128xf32> to vector<1000x128xf32>
    %add3A_44 = arith.addf %mul3A_42, %add3A_43 : vector<1000x128xf32>
    %dot_general3A = arith.constant dense<0.000000e+00> : vector<1000x128xf32>
    %dot_general3A_45 = tpu.matmul %add3A_44, %get3A_10, %dot_general3A {dimension_numbers = #tpu.dot_dimension_numbers<[1], [0], [0], [1], [0, 0, 1, 1], [], []>, transpose_lhs_hint = false} : vector<1000x128xf32>, vector<128x128xf32>, vector<1000x128xf32> -> vector<1000x128xf32>
    %add3A_46 = vector.broadcast %get3A_13 : vector<1x128xf32> to vector<1000x128xf32>
    %add3A_47 = arith.addf %dot_general3A_45, %add3A_46 : vector<1000x128xf32>
    %max3A = arith.constant 0.000000e+00 : f32
    %max3A_48 = vector.broadcast %max3A : f32 to vector<1000x128xf32>
    %max3A_49 = arith.maximumf %add3A_47, %max3A_48 : vector<1000x128xf32>
    %reduce_sum3A_50 = arith.constant dense<0.000000e+00> : vector<1000xf32>
    %reduce_sum3A_51 = vector.multi_reduction <add>, %max3A_49, %reduce_sum3A_50 [1] : vector<1000x128xf32> to vector<1000xf32>
    %broadcast_in_dim3A_52 = vector.shape_cast %reduce_sum3A_51 : vector<1000xf32> to vector<1000x1xf32>
    %div3A_53 = arith.constant 1.280000e+02 : f32
    %div3A_54 = vector.broadcast %div3A_53 : f32 to vector<1000x1xf32>
    %div3A_55 = arith.divf %broadcast_in_dim3A_52, %div3A_54 : vector<1000x1xf32>
    %sub3A_56 = vector.broadcast %div3A_55 : vector<1000x1xf32> to vector<1000x128xf32>
    %sub3A_57 = arith.subf %max3A_49, %sub3A_56 : vector<1000x128xf32>
    %square3A_58 = arith.mulf %sub3A_57, %sub3A_57 : vector<1000x128xf32>
    %reduce_sum3A_59 = arith.constant dense<0.000000e+00> : vector<1000xf32>
    %reduce_sum3A_60 = vector.multi_reduction <add>, %square3A_58, %reduce_sum3A_59 [1] : vector<1000x128xf32> to vector<1000xf32>
    %broadcast_in_dim3A_61 = vector.shape_cast %reduce_sum3A_60 : vector<1000xf32> to vector<1000x1xf32>
    %div3A_62 = arith.constant 1.280000e+02 : f32
    %div3A_63 = vector.broadcast %div3A_62 : f32 to vector<1000x1xf32>
    %div3A_64 = arith.divf %broadcast_in_dim3A_61, %div3A_63 : vector<1000x1xf32>
    %sub3A_65 = vector.broadcast %div3A_55 : vector<1000x1xf32> to vector<1000x128xf32>
    %sub3A_66 = arith.subf %max3A_49, %sub3A_65 : vector<1000x128xf32>
    %add3A_67 = arith.constant 9.99999974E-6 : f32
    %add3A_68 = vector.broadcast %add3A_67 : f32 to vector<1000x1xf32>
    %add3A_69 = arith.addf %div3A_64, %add3A_68 : vector<1000x1xf32>
    %sqrt3A_70 = math.sqrt %add3A_69 : vector<1000x1xf32>
    %div3A_71 = vector.broadcast %sqrt3A_70 : vector<1000x1xf32> to vector<1000x128xf32>
    %div3A_72 = arith.divf %sub3A_66, %div3A_71 : vector<1000x128xf32>
    %mul3A_73 = vector.broadcast %get3A_16 : vector<1x128xf32> to vector<1000x128xf32>
    %mul3A_74 = arith.mulf %div3A_72, %mul3A_73 : vector<1000x128xf32>
    %add3A_75 = vector.broadcast %get3A_19 : vector<1x128xf32> to vector<1000x128xf32>
    %add3A_76 = arith.addf %mul3A_74, %add3A_75 : vector<1000x128xf32>
    %dot_general3A_77 = arith.constant dense<0.000000e+00> : vector<1000x128xf32>
    %dot_general3A_78 = tpu.matmul %add3A_76, %get3A_22, %dot_general3A_77 {dimension_numbers = #tpu.dot_dimension_numbers<[1], [0], [0], [1], [0, 0, 1, 1], [], []>, transpose_lhs_hint = false} : vector<1000x128xf32>, vector<128x128xf32>, vector<1000x128xf32> -> vector<1000x128xf32>
    %add3A_79 = vector.broadcast %get3A_25 : vector<1x128xf32> to vector<1000x128xf32>
    %add3A_80 = arith.addf %dot_general3A_78, %add3A_79 : vector<1000x128xf32>
    %max3A_81 = arith.constant 0.000000e+00 : f32
    %max3A_82 = vector.broadcast %max3A_81 : f32 to vector<1000x128xf32>
    %max3A_83 = arith.maximumf %add3A_80, %max3A_82 : vector<1000x128xf32>
    %swap3A = arith.constant 0 : index
    %swap3A_84 = arith.constant 0 : index
    %swap3A_85 = vector.load %arg10[%swap3A, %swap3A_84] : memref<1000x128xf32, #tpu.memory_space<vmem>>, vector<1000x128xf32>
    tpu.vector_store %arg10[%swap3A, %swap3A_84], %max3A_83 {strides = array<i32>} : memref<1000x128xf32, #tpu.memory_space<vmem>>, vector<1000x128xf32>,
    return
  }
  func.func @transform_0(%arg0: i32) -> (i32, i32) {
    %c0_i32 = arith.constant 0 : i32
    %c0_i32_0 = arith.constant 0 : i32
    return %arg0, %c0_i32 : i32, i32
  }
  func.func @transform_1(%arg0: i32) -> (i32, i32) {
    %c0_i32 = arith.constant 0 : i32
    %c0_i32_0 = arith.constant 0 : i32
    %c0_i32_1 = arith.constant 0 : i32
    return %c0_i32, %c0_i32_0 : i32, i32
  }
  func.func @transform_2(%arg0: i32) -> (i32, i32) {
    %c0_i32 = arith.constant 0 : i32
    %c0_i32_0 = arith.constant 0 : i32
    %c0_i32_1 = arith.constant 0 : i32
    return %c0_i32, %c0_i32_0 : i32, i32
  }
  func.func @transform_3(%arg0: i32) -> (i32, i32) {
    %c0_i32 = arith.constant 0 : i32
    %c0_i32_0 = arith.constant 0 : i32
    %c0_i32_1 = arith.constant 0 : i32
    return %c0_i32, %c0_i32_0 : i32, i32
  }
  func.func @transform_4(%arg0: i32) -> (i32, i32) {
    %c0_i32 = arith.constant 0 : i32
    %c0_i32_0 = arith.constant 0 : i32
    %c0_i32_1 = arith.constant 0 : i32
    return %c0_i32, %c0_i32_0 : i32, i32
  }
  func.func @transform_5(%arg0: i32) -> (i32, i32) {
    %c0_i32 = arith.constant 0 : i32
    %c0_i32_0 = arith.constant 0 : i32
    %c0_i32_1 = arith.constant 0 : i32
    return %c0_i32, %c0_i32_0 : i32, i32
  }
  func.func @transform_6(%arg0: i32) -> (i32, i32) {
    %c0_i32 = arith.constant 0 : i32
    %c0_i32_0 = arith.constant 0 : i32
    %c0_i32_1 = arith.constant 0 : i32
    return %c0_i32, %c0_i32_0 : i32, i32
  }
  func.func @transform_7(%arg0: i32) -> (i32, i32) {
    %c0_i32 = arith.constant 0 : i32
    %c0_i32_0 = arith.constant 0 : i32
    %c0_i32_1 = arith.constant 0 : i32
    return %c0_i32, %c0_i32_0 : i32, i32
  }
  func.func @transform_8(%arg0: i32) -> (i32, i32) {
    %c0_i32 = arith.constant 0 : i32
    %c0_i32_0 = arith.constant 0 : i32
    %c0_i32_1 = arith.constant 0 : i32
    return %c0_i32, %c0_i32_0 : i32, i32
  }
  func.func @transform_9(%arg0: i32) -> (i32, i32) {
    %c0_i32 = arith.constant 0 : i32
    %c0_i32_0 = arith.constant 0 : i32
    return %arg0, %c0_i32 : i32, i32
  }
}

module attributes {stable_mosaic.version = 14 : i64} {
  func.func @body(%arg0: i32, %arg1: memref<1000x128xf32, #tpu.memory_space<vmem>>, %arg2: memref<1000x128xf32, #tpu.memory_space<vmem>>, %arg3: memref<1000x1xf32, #tpu.memory_space<vmem>>, %arg4: memref<1000x1xf32, #tpu.memory_space<vmem>>, %arg5: memref<1000x128xf32, #tpu.memory_space<vmem>>, %arg6: memref<1x128xf32, #tpu.memory_space<vmem>>, %arg7: memref<1x128xf32, #tpu.memory_space<vmem>>, %arg8: memref<128x128xf32, #tpu.memory_space<vmem>>, %arg9: memref<1x128xf32, #tpu.memory_space<vmem>>, %arg10: memref<1x128xf32, #tpu.memory_space<vmem>>, %arg11: memref<1x128xf32, #tpu.memory_space<vmem>>, %arg12: memref<128x128xf32, #tpu.memory_space<vmem>>, %arg13: memref<1x128xf32, #tpu.memory_space<vmem>>, %arg14: memref<1x128xf32, #tpu.memory_space<vmem>>, %arg15: memref<1x128xf32, #tpu.memory_space<vmem>>, %arg16: memref<128x128xf32, #tpu.memory_space<vmem>>, %arg17: memref<1x128xf32, #tpu.memory_space<vmem>>, %arg18: memref<1x128xf32, #tpu.memory_space<vmem>>, %arg19: memref<1x128xf32, #tpu.memory_space<vmem>>, %arg20: memref<128x128xf32, #tpu.memory_space<vmem>>, %arg21: memref<1x128xf32, #tpu.memory_space<vmem>>, %arg22: memref<128x128xf32, #tpu.memory_space<vmem>>, %arg23: memref<1x128xf32, #tpu.memory_space<vmem>>, %arg24: memref<128x128xf32, #tpu.memory_space<vmem>>, %arg25: memref<1x128xf32, #tpu.memory_space<vmem>>, %arg26: memref<128x128xf32, #tpu.memory_space<vmem>>, %arg27: memref<1x128xf32, #tpu.memory_space<vmem>>, %arg28: memref<128x128xf32, #tpu.memory_space<vmem>>, %arg29: memref<1x128xf32, #tpu.memory_space<vmem>>, %arg30: memref<1000x128xf32, #tpu.memory_space<vmem>>, %arg31: memref<1000x128xf32, #tpu.memory_space<vmem>>, %arg32: memref<1000x128xf32, #tpu.memory_space<vmem>>, %arg33: memref<1000x128xf32, #tpu.memory_space<vmem>>) attributes {dimension_semantics = [#tpu.dimension_semantics<arbitrary>], iteration_bounds = array<i64: 5>, scalar_prefetch = 0 : i64, scratch_operands = 0 : i64, tpu.core_type = #tpu.core_type<tc>, window_params = [{transform_indices = @transform_0, window_bounds = array<i64: 1000, 128>}, {transform_indices = @transform_1, window_bounds = array<i64: 1000, 128>}, {transform_indices = @transform_2, window_bounds = array<i64: 1000, 1>}, {transform_indices = @transform_3, window_bounds = array<i64: 1000, 1>}, {transform_indices = @transform_4, window_bounds = array<i64: 1000, 128>}, {pipeline_mode = #tpu.pipeline_mode<synchronous>, transform_indices = @transform_5, window_bounds = array<i64: 1, 128>}, {pipeline_mode = #tpu.pipeline_mode<synchronous>, transform_indices = @transform_6, window_bounds = array<i64: 1, 128>}, {pipeline_mode = #tpu.pipeline_mode<synchronous>, transform_indices = @transform_7, window_bounds = array<i64: 128, 128>}, {pipeline_mode = #tpu.pipeline_mode<synchronous>, transform_indices = @transform_8, window_bounds = array<i64: 1, 128>}, {pipeline_mode = #tpu.pipeline_mode<synchronous>, transform_indices = @transform_9, window_bounds = array<i64: 1, 128>}, {pipeline_mode = #tpu.pipeline_mode<synchronous>, transform_indices = @transform_10, window_bounds = array<i64: 1, 128>}, {pipeline_mode = #tpu.pipeline_mode<synchronous>, transform_indices = @transform_11, window_bounds = array<i64: 128, 128>}, {pipeline_mode = #tpu.pipeline_mode<synchronous>, transform_indices = @transform_12, window_bounds = array<i64: 1, 128>}, {pipeline_mode = #tpu.pipeline_mode<synchronous>, transform_indices = @transform_13, window_bounds = array<i64: 1, 128>}, {pipeline_mode = #tpu.pipeline_mode<synchronous>, transform_indices = @transform_14, window_bounds = array<i64: 1, 128>}, {pipeline_mode = #tpu.pipeline_mode<synchronous>, transform_indices = @transform_15, window_bounds = array<i64: 128, 128>}, {pipeline_mode = #tpu.pipeline_mode<synchronous>, transform_indices = @transform_16, window_bounds = array<i64: 1, 128>}, {pipeline_mode = #tpu.pipeline_mode<synchronous>, transform_indices = @transform_17, window_bounds = array<i64: 1, 128>}, {pipeline_mode = #tpu.pipeline_mode<synchronous>, transform_indices = @transform_18, window_bounds = array<i64: 1, 128>}, {pipeline_mode = #tpu.pipeline_mode<synchronous>, transform_indices = @transform_19, window_bounds = array<i64: 128, 128>}, {pipeline_mode = #tpu.pipeline_mode<synchronous>, transform_indices = @transform_20, window_bounds = array<i64: 1, 128>}, {pipeline_mode = #tpu.pipeline_mode<synchronous>, transform_indices = @transform_21, window_bounds = array<i64: 128, 128>}, {pipeline_mode = #tpu.pipeline_mode<synchronous>, transform_indices = @transform_22, window_bounds = array<i64: 1, 128>}, {pipeline_mode = #tpu.pipeline_mode<synchronous>, transform_indices = @transform_23, window_bounds = array<i64: 128, 128>}, {pipeline_mode = #tpu.pipeline_mode<synchronous>, transform_indices = @transform_24, window_bounds = array<i64: 1, 128>}, {pipeline_mode = #tpu.pipeline_mode<synchronous>, transform_indices = @transform_25, window_bounds = array<i64: 128, 128>}, {pipeline_mode = #tpu.pipeline_mode<synchronous>, transform_indices = @transform_26, window_bounds = array<i64: 1, 128>}, {pipeline_mode = #tpu.pipeline_mode<synchronous>, transform_indices = @transform_27, window_bounds = array<i64: 128, 128>}, {pipeline_mode = #tpu.pipeline_mode<synchronous>, transform_indices = @transform_28, window_bounds = array<i64: 1, 128>}, {transform_indices = @transform_29, window_bounds = array<i64: 1000, 128>}, {transform_indices = @transform_30, window_bounds = array<i64: 1000, 128>}, {transform_indices = @transform_31, window_bounds = array<i64: 1000, 128>}, {transform_indices = @transform_32, window_bounds = array<i64: 1000, 128>}]} {
    %get3A = arith.constant 0 : index
    %get3A_0 = arith.constant 0 : index
    %get3A_1 = vector.load %arg1[%get3A, %get3A_0] : memref<1000x128xf32, #tpu.memory_space<vmem>>, vector<1000x128xf32>
    %get3A_2 = arith.constant 0 : index
    %get3A_3 = arith.constant 0 : index
    %get3A_4 = vector.load %arg2[%get3A_2, %get3A_3] : memref<1000x128xf32, #tpu.memory_space<vmem>>, vector<1000x128xf32>
    %add3A = arith.addf %get3A_1, %get3A_4 : vector<1000x128xf32>
    %get3A_5 = arith.constant 0 : index
    %get3A_6 = arith.constant 0 : index
    %get3A_7 = vector.load %arg3[%get3A_5, %get3A_6] : memref<1000x1xf32, #tpu.memory_space<vmem>>, vector<1000x1xf32>
    %get3A_8 = arith.constant 0 : index
    %get3A_9 = arith.constant 0 : index
    %get3A_10 = vector.load %arg4[%get3A_8, %get3A_9] : memref<1000x1xf32, #tpu.memory_space<vmem>>, vector<1000x1xf32>
    %add3A_11 = arith.addf %get3A_7, %get3A_10 : vector<1000x1xf32>
    %max3A = arith.constant 1.000000e+00 : f32
    %max3A_12 = vector.broadcast %max3A : f32 to vector<1000x1xf32>
    %max3A_13 = arith.maximumf %add3A_11, %max3A_12 : vector<1000x1xf32>
    %div3A = vector.broadcast %max3A_13 : vector<1000x1xf32> to vector<1000x128xf32>
    %div3A_14 = arith.divf %add3A, %div3A : vector<1000x128xf32>
    %get3A_15 = arith.constant 0 : index
    %get3A_16 = arith.constant 0 : index
    %get3A_17 = vector.load %arg6[%get3A_15, %get3A_16] : memref<1x128xf32, #tpu.memory_space<vmem>>, vector<1x128xf32>
    %get3A_18 = arith.constant 0 : index
    %get3A_19 = arith.constant 0 : index
    %get3A_20 = vector.load %arg7[%get3A_18, %get3A_19] : memref<1x128xf32, #tpu.memory_space<vmem>>, vector<1x128xf32>
    %get3A_21 = arith.constant 0 : index
    %get3A_22 = arith.constant 0 : index
    %get3A_23 = vector.load %arg8[%get3A_21, %get3A_22] : memref<128x128xf32, #tpu.memory_space<vmem>>, vector<128x128xf32>
    %get3A_24 = arith.constant 0 : index
    %get3A_25 = arith.constant 0 : index
    %get3A_26 = vector.load %arg9[%get3A_24, %get3A_25] : memref<1x128xf32, #tpu.memory_space<vmem>>, vector<1x128xf32>
    %get3A_27 = arith.constant 0 : index
    %get3A_28 = arith.constant 0 : index
    %get3A_29 = vector.load %arg10[%get3A_27, %get3A_28] : memref<1x128xf32, #tpu.memory_space<vmem>>, vector<1x128xf32>
    %get3A_30 = arith.constant 0 : index
    %get3A_31 = arith.constant 0 : index
    %get3A_32 = vector.load %arg11[%get3A_30, %get3A_31] : memref<1x128xf32, #tpu.memory_space<vmem>>, vector<1x128xf32>
    %get3A_33 = arith.constant 0 : index
    %get3A_34 = arith.constant 0 : index
    %get3A_35 = vector.load %arg12[%get3A_33, %get3A_34] : memref<128x128xf32, #tpu.memory_space<vmem>>, vector<128x128xf32>
    %get3A_36 = arith.constant 0 : index
    %get3A_37 = arith.constant 0 : index
    %get3A_38 = vector.load %arg13[%get3A_36, %get3A_37] : memref<1x128xf32, #tpu.memory_space<vmem>>, vector<1x128xf32>
    %reduce_sum3A = arith.constant dense<0.000000e+00> : vector<1000xf32>
    %reduce_sum3A_39 = vector.multi_reduction <add>, %div3A_14, %reduce_sum3A [1] : vector<1000x128xf32> to vector<1000xf32>
    %broadcast_in_dim3A = vector.shape_cast %reduce_sum3A_39 : vector<1000xf32> to vector<1000x1xf32>
    %div3A_40 = arith.constant 1.280000e+02 : f32
    %div3A_41 = vector.broadcast %div3A_40 : f32 to vector<1000x1xf32>
    %div3A_42 = arith.divf %broadcast_in_dim3A, %div3A_41 : vector<1000x1xf32>
    %sub3A = vector.broadcast %div3A_42 : vector<1000x1xf32> to vector<1000x128xf32>
    %sub3A_43 = arith.subf %div3A_14, %sub3A : vector<1000x128xf32>
    %square3A = arith.mulf %sub3A_43, %sub3A_43 : vector<1000x128xf32>
    %reduce_sum3A_44 = arith.constant dense<0.000000e+00> : vector<1000xf32>
    %reduce_sum3A_45 = vector.multi_reduction <add>, %square3A, %reduce_sum3A_44 [1] : vector<1000x128xf32> to vector<1000xf32>
    %broadcast_in_dim3A_46 = vector.shape_cast %reduce_sum3A_45 : vector<1000xf32> to vector<1000x1xf32>
    %div3A_47 = arith.constant 1.280000e+02 : f32
    %div3A_48 = vector.broadcast %div3A_47 : f32 to vector<1000x1xf32>
    %div3A_49 = arith.divf %broadcast_in_dim3A_46, %div3A_48 : vector<1000x1xf32>
    %sub3A_50 = vector.broadcast %div3A_42 : vector<1000x1xf32> to vector<1000x128xf32>
    %sub3A_51 = arith.subf %div3A_14, %sub3A_50 : vector<1000x128xf32>
    %add3A_52 = arith.constant 9.99999974E-6 : f32
    %add3A_53 = vector.broadcast %add3A_52 : f32 to vector<1000x1xf32>
    %add3A_54 = arith.addf %div3A_49, %add3A_53 : vector<1000x1xf32>
    %sqrt3A = math.sqrt %add3A_54 : vector<1000x1xf32>
    %div3A_55 = vector.broadcast %sqrt3A : vector<1000x1xf32> to vector<1000x128xf32>
    %div3A_56 = arith.divf %sub3A_51, %div3A_55 : vector<1000x128xf32>
    %mul3A = vector.broadcast %get3A_17 : vector<1x128xf32> to vector<1000x128xf32>
    %mul3A_57 = arith.mulf %div3A_56, %mul3A : vector<1000x128xf32>
    %add3A_58 = vector.broadcast %get3A_20 : vector<1x128xf32> to vector<1000x128xf32>
    %add3A_59 = arith.addf %mul3A_57, %add3A_58 : vector<1000x128xf32>
    %dot_general3A = arith.constant dense<0.000000e+00> : vector<1000x128xf32>
    %dot_general3A_60 = tpu.matmul %add3A_59, %get3A_23, %dot_general3A {dimension_numbers = #tpu.dot_dimension_numbers<[1], [0], [0], [1], [0, 0, 1, 1], [], []>, transpose_lhs_hint = false} : vector<1000x128xf32>, vector<128x128xf32>, vector<1000x128xf32> -> vector<1000x128xf32>
    %add3A_61 = vector.broadcast %get3A_26 : vector<1x128xf32> to vector<1000x128xf32>
    %add3A_62 = arith.addf %dot_general3A_60, %add3A_61 : vector<1000x128xf32>
    %max3A_63 = arith.constant 0.000000e+00 : f32
    %max3A_64 = vector.broadcast %max3A_63 : f32 to vector<1000x128xf32>
    %max3A_65 = arith.maximumf %add3A_62, %max3A_64 : vector<1000x128xf32>
    %reduce_sum3A_66 = arith.constant dense<0.000000e+00> : vector<1000xf32>
    %reduce_sum3A_67 = vector.multi_reduction <add>, %max3A_65, %reduce_sum3A_66 [1] : vector<1000x128xf32> to vector<1000xf32>
    %broadcast_in_dim3A_68 = vector.shape_cast %reduce_sum3A_67 : vector<1000xf32> to vector<1000x1xf32>
    %div3A_69 = arith.constant 1.280000e+02 : f32
    %div3A_70 = vector.broadcast %div3A_69 : f32 to vector<1000x1xf32>
    %div3A_71 = arith.divf %broadcast_in_dim3A_68, %div3A_70 : vector<1000x1xf32>
    %sub3A_72 = vector.broadcast %div3A_71 : vector<1000x1xf32> to vector<1000x128xf32>
    %sub3A_73 = arith.subf %max3A_65, %sub3A_72 : vector<1000x128xf32>
    %square3A_74 = arith.mulf %sub3A_73, %sub3A_73 : vector<1000x128xf32>
    %reduce_sum3A_75 = arith.constant dense<0.000000e+00> : vector<1000xf32>
    %reduce_sum3A_76 = vector.multi_reduction <add>, %square3A_74, %reduce_sum3A_75 [1] : vector<1000x128xf32> to vector<1000xf32>
    %broadcast_in_dim3A_77 = vector.shape_cast %reduce_sum3A_76 : vector<1000xf32> to vector<1000x1xf32>
    %div3A_78 = arith.constant 1.280000e+02 : f32
    %div3A_79 = vector.broadcast %div3A_78 : f32 to vector<1000x1xf32>
    %div3A_80 = arith.divf %broadcast_in_dim3A_77, %div3A_79 : vector<1000x1xf32>
    %sub3A_81 = vector.broadcast %div3A_71 : vector<1000x1xf32> to vector<1000x128xf32>
    %sub3A_82 = arith.subf %max3A_65, %sub3A_81 : vector<1000x128xf32>
    %add3A_83 = arith.constant 9.99999974E-6 : f32
    %add3A_84 = vector.broadcast %add3A_83 : f32 to vector<1000x1xf32>
    %add3A_85 = arith.addf %div3A_80, %add3A_84 : vector<1000x1xf32>
    %sqrt3A_86 = math.sqrt %add3A_85 : vector<1000x1xf32>
    %div3A_87 = vector.broadcast %sqrt3A_86 : vector<1000x1xf32> to vector<1000x128xf32>
    %div3A_88 = arith.divf %sub3A_82, %div3A_87 : vector<1000x128xf32>
    %mul3A_89 = vector.broadcast %get3A_29 : vector<1x128xf32> to vector<1000x128xf32>
    %mul3A_90 = arith.mulf %div3A_88, %mul3A_89 : vector<1000x128xf32>
    %add3A_91 = vector.broadcast %get3A_32 : vector<1x128xf32> to vector<1000x128xf32>
    %add3A_92 = arith.addf %mul3A_90, %add3A_91 : vector<1000x128xf32>
    %dot_general3A_93 = arith.constant dense<0.000000e+00> : vector<1000x128xf32>
    %dot_general3A_94 = tpu.matmul %add3A_92, %get3A_35, %dot_general3A_93 {dimension_numbers = #tpu.dot_dimension_numbers<[1], [0], [0], [1], [0, 0, 1, 1], [], []>, transpose_lhs_hint = false} : vector<1000x128xf32>, vector<128x128xf32>, vector<1000x128xf32> -> vector<1000x128xf32>
    %add3A_95 = vector.broadcast %get3A_38 : vector<1x128xf32> to vector<1000x128xf32>
    %add3A_96 = arith.addf %dot_general3A_94, %add3A_95 : vector<1000x128xf32>
    %max3A_97 = arith.constant 0.000000e+00 : f32
    %max3A_98 = vector.broadcast %max3A_97 : f32 to vector<1000x128xf32>
    %max3A_99 = arith.maximumf %add3A_96, %max3A_98 : vector<1000x128xf32>
    %get3A_100 = arith.constant 0 : index
    %get3A_101 = arith.constant 0 : index
    %get3A_102 = vector.load %arg14[%get3A_100, %get3A_101] : memref<1x128xf32, #tpu.memory_space<vmem>>, vector<1x128xf32>
    %get3A_103 = arith.constant 0 : index
    %get3A_104 = arith.constant 0 : index
    %get3A_105 = vector.load %arg15[%get3A_103, %get3A_104] : memref<1x128xf32, #tpu.memory_space<vmem>>, vector<1x128xf32>
    %get3A_106 = arith.constant 0 : index
    %get3A_107 = arith.constant 0 : index
    %get3A_108 = vector.load %arg16[%get3A_106, %get3A_107] : memref<128x128xf32, #tpu.memory_space<vmem>>, vector<128x128xf32>
    %get3A_109 = arith.constant 0 : index
    %get3A_110 = arith.constant 0 : index
    %get3A_111 = vector.load %arg17[%get3A_109, %get3A_110] : memref<1x128xf32, #tpu.memory_space<vmem>>, vector<1x128xf32>
    %get3A_112 = arith.constant 0 : index
    %get3A_113 = arith.constant 0 : index
    %get3A_114 = vector.load %arg18[%get3A_112, %get3A_113] : memref<1x128xf32, #tpu.memory_space<vmem>>, vector<1x128xf32>
    %get3A_115 = arith.constant 0 : index
    %get3A_116 = arith.constant 0 : index
    %get3A_117 = vector.load %arg19[%get3A_115, %get3A_116] : memref<1x128xf32, #tpu.memory_space<vmem>>, vector<1x128xf32>
    %get3A_118 = arith.constant 0 : index
    %get3A_119 = arith.constant 0 : index
    %get3A_120 = vector.load %arg20[%get3A_118, %get3A_119] : memref<128x128xf32, #tpu.memory_space<vmem>>, vector<128x128xf32>
    %get3A_121 = arith.constant 0 : index
    %get3A_122 = arith.constant 0 : index
    %get3A_123 = vector.load %arg21[%get3A_121, %get3A_122] : memref<1x128xf32, #tpu.memory_space<vmem>>, vector<1x128xf32>
    %reduce_sum3A_124 = arith.constant dense<0.000000e+00> : vector<1000xf32>
    %reduce_sum3A_125 = vector.multi_reduction <add>, %max3A_99, %reduce_sum3A_124 [1] : vector<1000x128xf32> to vector<1000xf32>
    %broadcast_in_dim3A_126 = vector.shape_cast %reduce_sum3A_125 : vector<1000xf32> to vector<1000x1xf32>
    %div3A_127 = arith.constant 1.280000e+02 : f32
    %div3A_128 = vector.broadcast %div3A_127 : f32 to vector<1000x1xf32>
    %div3A_129 = arith.divf %broadcast_in_dim3A_126, %div3A_128 : vector<1000x1xf32>
    %sub3A_130 = vector.broadcast %div3A_129 : vector<1000x1xf32> to vector<1000x128xf32>
    %sub3A_131 = arith.subf %max3A_99, %sub3A_130 : vector<1000x128xf32>
    %square3A_132 = arith.mulf %sub3A_131, %sub3A_131 : vector<1000x128xf32>
    %reduce_sum3A_133 = arith.constant dense<0.000000e+00> : vector<1000xf32>
    %reduce_sum3A_134 = vector.multi_reduction <add>, %square3A_132, %reduce_sum3A_133 [1] : vector<1000x128xf32> to vector<1000xf32>
    %broadcast_in_dim3A_135 = vector.shape_cast %reduce_sum3A_134 : vector<1000xf32> to vector<1000x1xf32>
    %div3A_136 = arith.constant 1.280000e+02 : f32
    %div3A_137 = vector.broadcast %div3A_136 : f32 to vector<1000x1xf32>
    %div3A_138 = arith.divf %broadcast_in_dim3A_135, %div3A_137 : vector<1000x1xf32>
    %sub3A_139 = vector.broadcast %div3A_129 : vector<1000x1xf32> to vector<1000x128xf32>
    %sub3A_140 = arith.subf %max3A_99, %sub3A_139 : vector<1000x128xf32>
    %add3A_141 = arith.constant 9.99999974E-6 : f32
    %add3A_142 = vector.broadcast %add3A_141 : f32 to vector<1000x1xf32>
    %add3A_143 = arith.addf %div3A_138, %add3A_142 : vector<1000x1xf32>
    %sqrt3A_144 = math.sqrt %add3A_143 : vector<1000x1xf32>
    %div3A_145 = vector.broadcast %sqrt3A_144 : vector<1000x1xf32> to vector<1000x128xf32>
    %div3A_146 = arith.divf %sub3A_140, %div3A_145 : vector<1000x128xf32>
    %mul3A_147 = vector.broadcast %get3A_102 : vector<1x128xf32> to vector<1000x128xf32>
    %mul3A_148 = arith.mulf %div3A_146, %mul3A_147 : vector<1000x128xf32>
    %add3A_149 = vector.broadcast %get3A_105 : vector<1x128xf32> to vector<1000x128xf32>
    %add3A_150 = arith.addf %mul3A_148, %add3A_149 : vector<1000x128xf32>
    %dot_general3A_151 = arith.constant dense<0.000000e+00> : vector<1000x128xf32>
    %dot_general3A_152 = tpu.matmul %add3A_150, %get3A_108, %dot_general3A_151 {dimension_numbers = #tpu.dot_dimension_numbers<[1], [0], [0], [1], [0, 0, 1, 1], [], []>, transpose_lhs_hint = false} : vector<1000x128xf32>, vector<128x128xf32>, vector<1000x128xf32> -> vector<1000x128xf32>
    %add3A_153 = vector.broadcast %get3A_111 : vector<1x128xf32> to vector<1000x128xf32>
    %add3A_154 = arith.addf %dot_general3A_152, %add3A_153 : vector<1000x128xf32>
    %max3A_155 = arith.constant 0.000000e+00 : f32
    %max3A_156 = vector.broadcast %max3A_155 : f32 to vector<1000x128xf32>
    %max3A_157 = arith.maximumf %add3A_154, %max3A_156 : vector<1000x128xf32>
    %reduce_sum3A_158 = arith.constant dense<0.000000e+00> : vector<1000xf32>
    %reduce_sum3A_159 = vector.multi_reduction <add>, %max3A_157, %reduce_sum3A_158 [1] : vector<1000x128xf32> to vector<1000xf32>
    %broadcast_in_dim3A_160 = vector.shape_cast %reduce_sum3A_159 : vector<1000xf32> to vector<1000x1xf32>
    %div3A_161 = arith.constant 1.280000e+02 : f32
    %div3A_162 = vector.broadcast %div3A_161 : f32 to vector<1000x1xf32>
    %div3A_163 = arith.divf %broadcast_in_dim3A_160, %div3A_162 : vector<1000x1xf32>
    %sub3A_164 = vector.broadcast %div3A_163 : vector<1000x1xf32> to vector<1000x128xf32>
    %sub3A_165 = arith.subf %max3A_157, %sub3A_164 : vector<1000x128xf32>
    %square3A_166 = arith.mulf %sub3A_165, %sub3A_165 : vector<1000x128xf32>
    %reduce_sum3A_167 = arith.constant dense<0.000000e+00> : vector<1000xf32>
    %reduce_sum3A_168 = vector.multi_reduction <add>, %square3A_166, %reduce_sum3A_167 [1] : vector<1000x128xf32> to vector<1000xf32>
    %broadcast_in_dim3A_169 = vector.shape_cast %reduce_sum3A_168 : vector<1000xf32> to vector<1000x1xf32>
    %div3A_170 = arith.constant 1.280000e+02 : f32
    %div3A_171 = vector.broadcast %div3A_170 : f32 to vector<1000x1xf32>
    %div3A_172 = arith.divf %broadcast_in_dim3A_169, %div3A_171 : vector<1000x1xf32>
    %sub3A_173 = vector.broadcast %div3A_163 : vector<1000x1xf32> to vector<1000x128xf32>
    %sub3A_174 = arith.subf %max3A_157, %sub3A_173 : vector<1000x128xf32>
    %add3A_175 = arith.constant 9.99999974E-6 : f32
    %add3A_176 = vector.broadcast %add3A_175 : f32 to vector<1000x1xf32>
    %add3A_177 = arith.addf %div3A_172, %add3A_176 : vector<1000x1xf32>
    %sqrt3A_178 = math.sqrt %add3A_177 : vector<1000x1xf32>
    %div3A_179 = vector.broadcast %sqrt3A_178 : vector<1000x1xf32> to vector<1000x128xf32>
    %div3A_180 = arith.divf %sub3A_174, %div3A_179 : vector<1000x128xf32>
    %mul3A_181 = vector.broadcast %get3A_114 : vector<1x128xf32> to vector<1000x128xf32>
    %mul3A_182 = arith.mulf %div3A_180, %mul3A_181 : vector<1000x128xf32>
    %add3A_183 = vector.broadcast %get3A_117 : vector<1x128xf32> to vector<1000x128xf32>
    %add3A_184 = arith.addf %mul3A_182, %add3A_183 : vector<1000x128xf32>
    %dot_general3A_185 = arith.constant dense<0.000000e+00> : vector<1000x128xf32>
    %dot_general3A_186 = tpu.matmul %add3A_184, %get3A_120, %dot_general3A_185 {dimension_numbers = #tpu.dot_dimension_numbers<[1], [0], [0], [1], [0, 0, 1, 1], [], []>, transpose_lhs_hint = false} : vector<1000x128xf32>, vector<128x128xf32>, vector<1000x128xf32> -> vector<1000x128xf32>
    %add3A_187 = vector.broadcast %get3A_123 : vector<1x128xf32> to vector<1000x128xf32>
    %add3A_188 = arith.addf %dot_general3A_186, %add3A_187 : vector<1000x128xf32>
    %max3A_189 = arith.constant 0.000000e+00 : f32
    %max3A_190 = vector.broadcast %max3A_189 : f32 to vector<1000x128xf32>
    %max3A_191 = arith.maximumf %add3A_188, %max3A_190 : vector<1000x128xf32>
    %swap3A = arith.constant 0 : index
    %swap3A_192 = arith.constant 0 : index
    %swap3A_193 = vector.load %arg30[%swap3A, %swap3A_192] : memref<1000x128xf32, #tpu.memory_space<vmem>>, vector<1000x128xf32>
    tpu.vector_store %arg30[%swap3A, %swap3A_192], %max3A_191 {strides = array<i32>} : memref<1000x128xf32, #tpu.memory_space<vmem>>, vector<1000x128xf32>,
    %get3A_194 = arith.constant 0 : index
    %get3A_195 = arith.constant 0 : index
    %get3A_196 = vector.load %arg22[%get3A_194, %get3A_195] : memref<128x128xf32, #tpu.memory_space<vmem>>, vector<128x128xf32>
    %get3A_197 = arith.constant 0 : index
    %get3A_198 = arith.constant 0 : index
    %get3A_199 = vector.load %arg23[%get3A_197, %get3A_198] : memref<1x128xf32, #tpu.memory_space<vmem>>, vector<1x128xf32>
    %get3A_200 = arith.constant 0 : index
    %get3A_201 = arith.constant 0 : index
    %get3A_202 = vector.load %arg24[%get3A_200, %get3A_201] : memref<128x128xf32, #tpu.memory_space<vmem>>, vector<128x128xf32>
    %get3A_203 = arith.constant 0 : index
    %get3A_204 = arith.constant 0 : index
    %get3A_205 = vector.load %arg25[%get3A_203, %get3A_204] : memref<1x128xf32, #tpu.memory_space<vmem>>, vector<1x128xf32>
    %dot_general3A_206 = arith.constant dense<0.000000e+00> : vector<1000x128xf32>
    %dot_general3A_207 = tpu.matmul %max3A_99, %get3A_196, %dot_general3A_206 {dimension_numbers = #tpu.dot_dimension_numbers<[1], [0], [0], [1], [0, 0, 1, 1], [], []>, transpose_lhs_hint = false} : vector<1000x128xf32>, vector<128x128xf32>, vector<1000x128xf32> -> vector<1000x128xf32>
    %add3A_208 = vector.broadcast %get3A_199 : vector<1x128xf32> to vector<1000x128xf32>
    %add3A_209 = arith.addf %dot_general3A_207, %add3A_208 : vector<1000x128xf32>
    %max3A_210 = arith.constant 0.000000e+00 : f32
    %max3A_211 = vector.broadcast %max3A_210 : f32 to vector<1000x128xf32>
    %max3A_212 = arith.maximumf %add3A_209, %max3A_211 : vector<1000x128xf32>
    %dot_general3A_213 = arith.constant dense<0.000000e+00> : vector<1000x128xf32>
    %dot_general3A_214 = tpu.matmul %max3A_212, %get3A_202, %dot_general3A_213 {dimension_numbers = #tpu.dot_dimension_numbers<[1], [0], [0], [1], [0, 0, 1, 1], [], []>, transpose_lhs_hint = false} : vector<1000x128xf32>, vector<128x128xf32>, vector<1000x128xf32> -> vector<1000x128xf32>
    %add3A_215 = vector.broadcast %get3A_205 : vector<1x128xf32> to vector<1000x128xf32>
    %add3A_216 = arith.addf %dot_general3A_214, %add3A_215 : vector<1000x128xf32>
    %get3A_217 = arith.constant 0 : index
    %get3A_218 = arith.constant 0 : index
    %get3A_219 = vector.load %arg26[%get3A_217, %get3A_218] : memref<128x128xf32, #tpu.memory_space<vmem>>, vector<128x128xf32>
    %get3A_220 = arith.constant 0 : index
    %get3A_221 = arith.constant 0 : index
    %get3A_222 = vector.load %arg27[%get3A_220, %get3A_221] : memref<1x128xf32, #tpu.memory_space<vmem>>, vector<1x128xf32>
    %get3A_223 = arith.constant 0 : index
    %get3A_224 = arith.constant 0 : index
    %get3A_225 = vector.load %arg28[%get3A_223, %get3A_224] : memref<128x128xf32, #tpu.memory_space<vmem>>, vector<128x128xf32>
    %get3A_226 = arith.constant 0 : index
    %get3A_227 = arith.constant 0 : index
    %get3A_228 = vector.load %arg29[%get3A_226, %get3A_227] : memref<1x128xf32, #tpu.memory_space<vmem>>, vector<1x128xf32>
    %dot_general3A_229 = arith.constant dense<0.000000e+00> : vector<1000x128xf32>
    %dot_general3A_230 = tpu.matmul %max3A_99, %get3A_219, %dot_general3A_229 {dimension_numbers = #tpu.dot_dimension_numbers<[1], [0], [0], [1], [0, 0, 1, 1], [], []>, transpose_lhs_hint = false} : vector<1000x128xf32>, vector<128x128xf32>, vector<1000x128xf32> -> vector<1000x128xf32>
    %add3A_231 = vector.broadcast %get3A_222 : vector<1x128xf32> to vector<1000x128xf32>
    %add3A_232 = arith.addf %dot_general3A_230, %add3A_231 : vector<1000x128xf32>
    %max3A_233 = arith.constant 0.000000e+00 : f32
    %max3A_234 = vector.broadcast %max3A_233 : f32 to vector<1000x128xf32>
    %max3A_235 = arith.maximumf %add3A_232, %max3A_234 : vector<1000x128xf32>
    %dot_general3A_236 = arith.constant dense<0.000000e+00> : vector<1000x128xf32>
    %dot_general3A_237 = tpu.matmul %max3A_235, %get3A_225, %dot_general3A_236 {dimension_numbers = #tpu.dot_dimension_numbers<[1], [0], [0], [1], [0, 0, 1, 1], [], []>, transpose_lhs_hint = false} : vector<1000x128xf32>, vector<128x128xf32>, vector<1000x128xf32> -> vector<1000x128xf32>
    %add3A_238 = vector.broadcast %get3A_228 : vector<1x128xf32> to vector<1000x128xf32>
    %add3A_239 = arith.addf %dot_general3A_237, %add3A_238 : vector<1000x128xf32>
    %custom_jvp_call3A = arith.constant 0.000000e+00 : f32
    %max3A_240 = vector.broadcast %custom_jvp_call3A : f32 to vector<1000x128xf32>
    %max3A_241 = arith.maximumf %add3A_239, %max3A_240 : vector<1000x128xf32>
    %sub3A_242 = vector.broadcast %custom_jvp_call3A : f32 to vector<1000x128xf32>
    %sub3A_243 = arith.subf %add3A_239, %sub3A_242 : vector<1000x128xf32>
    %ne3A = arith.cmpf one, %sub3A_243, %sub3A_243 : vector<1000x128xf32>
    %add3A_244 = vector.broadcast %custom_jvp_call3A : f32 to vector<1000x128xf32>
    %add3A_245 = arith.addf %add3A_239, %add3A_244 : vector<1000x128xf32>
    %abs3A = math.absf %sub3A_243 : vector<1000x128xf32>
    %neg3A = arith.constant 0.000000e+00 : f32
    %neg3A_246 = vector.broadcast %neg3A : f32 to vector<1000x128xf32>
    %neg3A_247 = arith.subf %neg3A_246, %abs3A : vector<1000x128xf32>
    %exp3A = math.exp %neg3A_247 : vector<1000x128xf32>
    %log1p3A = math.log1p %exp3A : vector<1000x128xf32>
    %add3A_248 = arith.addf %max3A_241, %log1p3A : vector<1000x128xf32>
    %select_n3A = arith.select %ne3A, %add3A_245, %add3A_248 : vector<1000x128xi1>, vector<1000x128xf32>
    %get3A_249 = arith.constant 0 : index
    %get3A_250 = arith.constant 0 : index
    %get3A_251 = vector.load %arg5[%get3A_249, %get3A_250] : memref<1000x128xf32, #tpu.memory_space<vmem>>, vector<1000x128xf32>
    %mul3A_252 = arith.mulf %get3A_251, %select_n3A : vector<1000x128xf32>
    %add3A_253 = arith.addf %mul3A_252, %add3A_216 : vector<1000x128xf32>
    %swap3A_254 = arith.constant 0 : index
    %swap3A_255 = arith.constant 0 : index
    %swap3A_256 = vector.load %arg31[%swap3A_254, %swap3A_255] : memref<1000x128xf32, #tpu.memory_space<vmem>>, vector<1000x128xf32>
    tpu.vector_store %arg31[%swap3A_254, %swap3A_255], %add3A_253 {strides = array<i32>} : memref<1000x128xf32, #tpu.memory_space<vmem>>, vector<1000x128xf32>,
    %swap3A_257 = arith.constant 0 : index
    %swap3A_258 = arith.constant 0 : index
    %swap3A_259 = vector.load %arg32[%swap3A_257, %swap3A_258] : memref<1000x128xf32, #tpu.memory_space<vmem>>, vector<1000x128xf32>
    tpu.vector_store %arg32[%swap3A_257, %swap3A_258], %add3A_216 {strides = array<i32>} : memref<1000x128xf32, #tpu.memory_space<vmem>>, vector<1000x128xf32>,
    %swap3A_260 = arith.constant 0 : index
    %swap3A_261 = arith.constant 0 : index
    %swap3A_262 = vector.load %arg33[%swap3A_260, %swap3A_261] : memref<1000x128xf32, #tpu.memory_space<vmem>>, vector<1000x128xf32>
    tpu.vector_store %arg33[%swap3A_260, %swap3A_261], %select_n3A {strides = array<i32>} : memref<1000x128xf32, #tpu.memory_space<vmem>>, vector<1000x128xf32>,
    return
  }
  func.func @transform_0(%arg0: i32) -> (i32, i32) {
    %c0_i32 = arith.constant 0 : i32
    %c0_i32_0 = arith.constant 0 : i32
    return %arg0, %c0_i32 : i32, i32
  }
  func.func @transform_1(%arg0: i32) -> (i32, i32) {
    %c0_i32 = arith.constant 0 : i32
    %c0_i32_0 = arith.constant 0 : i32
    return %arg0, %c0_i32 : i32, i32
  }
  func.func @transform_2(%arg0: i32) -> (i32, i32) {
    %c0_i32 = arith.constant 0 : i32
    %c0_i32_0 = arith.constant 0 : i32
    return %arg0, %c0_i32 : i32, i32
  }
  func.func @transform_3(%arg0: i32) -> (i32, i32) {
    %c0_i32 = arith.constant 0 : i32
    %c0_i32_0 = arith.constant 0 : i32
    return %arg0, %c0_i32 : i32, i32
  }
  func.func @transform_4(%arg0: i32) -> (i32, i32) {
    %c0_i32 = arith.constant 0 : i32
    %c0_i32_0 = arith.constant 0 : i32
    return %arg0, %c0_i32 : i32, i32
  }
  func.func @transform_5(%arg0: i32) -> (i32, i32) {
    %c0_i32 = arith.constant 0 : i32
    %c0_i32_0 = arith.constant 0 : i32
    %c0_i32_1 = arith.constant 0 : i32
    return %c0_i32, %c0_i32_0 : i32, i32
  }
  func.func @transform_6(%arg0: i32) -> (i32, i32) {
    %c0_i32 = arith.constant 0 : i32
    %c0_i32_0 = arith.constant 0 : i32
    %c0_i32_1 = arith.constant 0 : i32
    return %c0_i32, %c0_i32_0 : i32, i32
  }
  func.func @transform_7(%arg0: i32) -> (i32, i32) {
    %c0_i32 = arith.constant 0 : i32
    %c0_i32_0 = arith.constant 0 : i32
    %c0_i32_1 = arith.constant 0 : i32
    return %c0_i32, %c0_i32_0 : i32, i32
  }
  func.func @transform_8(%arg0: i32) -> (i32, i32) {
    %c0_i32 = arith.constant 0 : i32
    %c0_i32_0 = arith.constant 0 : i32
    %c0_i32_1 = arith.constant 0 : i32
    return %c0_i32, %c0_i32_0 : i32, i32
  }
  func.func @transform_9(%arg0: i32) -> (i32, i32) {
    %c0_i32 = arith.constant 0 : i32
    %c0_i32_0 = arith.constant 0 : i32
    %c0_i32_1 = arith.constant 0 : i32
    return %c0_i32, %c0_i32_0 : i32, i32
  }
  func.func @transform_10(%arg0: i32) -> (i32, i32) {
    %c0_i32 = arith.constant 0 : i32
    %c0_i32_0 = arith.constant 0 : i32
    %c0_i32_1 = arith.constant 0 : i32
    return %c0_i32, %c0_i32_0 : i32, i32
  }
  func.func @transform_11(%arg0: i32) -> (i32, i32) {
    %c0_i32 = arith.constant 0 : i32
    %c0_i32_0 = arith.constant 0 : i32
    %c0_i32_1 = arith.constant 0 : i32
    return %c0_i32, %c0_i32_0 : i32, i32
  }
  func.func @transform_12(%arg0: i32) -> (i32, i32) {
    %c0_i32 = arith.constant 0 : i32
    %c0_i32_0 = arith.constant 0 : i32
    %c0_i32_1 = arith.constant 0 : i32
    return %c0_i32, %c0_i32_0 : i32, i32
  }
  func.func @transform_13(%arg0: i32) -> (i32, i32) {
    %c0_i32 = arith.constant 0 : i32
    %c0_i32_0 = arith.constant 0 : i32
    %c0_i32_1 = arith.constant 0 : i32
    return %c0_i32, %c0_i32_0 : i32, i32
  }
  func.func @transform_14(%arg0: i32) -> (i32, i32) {
    %c0_i32 = arith.constant 0 : i32
    %c0_i32_0 = arith.constant 0 : i32
    %c0_i32_1 = arith.constant 0 : i32
    return %c0_i32, %c0_i32_0 : i32, i32
  }
  func.func @transform_15(%arg0: i32) -> (i32, i32) {
    %c0_i32 = arith.constant 0 : i32
    %c0_i32_0 = arith.constant 0 : i32
    %c0_i32_1 = arith.constant 0 : i32
    return %c0_i32, %c0_i32_0 : i32, i32
  }
  func.func @transform_16(%arg0: i32) -> (i32, i32) {
    %c0_i32 = arith.constant 0 : i32
    %c0_i32_0 = arith.constant 0 : i32
    %c0_i32_1 = arith.constant 0 : i32
    return %c0_i32, %c0_i32_0 : i32, i32
  }
  func.func @transform_17(%arg0: i32) -> (i32, i32) {
    %c0_i32 = arith.constant 0 : i32
    %c0_i32_0 = arith.constant 0 : i32
    %c0_i32_1 = arith.constant 0 : i32
    return %c0_i32, %c0_i32_0 : i32, i32
  }
  func.func @transform_18(%arg0: i32) -> (i32, i32) {
    %c0_i32 = arith.constant 0 : i32
    %c0_i32_0 = arith.constant 0 : i32
    %c0_i32_1 = arith.constant 0 : i32
    return %c0_i32, %c0_i32_0 : i32, i32
  }
  func.func @transform_19(%arg0: i32) -> (i32, i32) {
    %c0_i32 = arith.constant 0 : i32
    %c0_i32_0 = arith.constant 0 : i32
    %c0_i32_1 = arith.constant 0 : i32
    return %c0_i32, %c0_i32_0 : i32, i32
  }
  func.func @transform_20(%arg0: i32) -> (i32, i32) {
    %c0_i32 = arith.constant 0 : i32
    %c0_i32_0 = arith.constant 0 : i32
    %c0_i32_1 = arith.constant 0 : i32
    return %c0_i32, %c0_i32_0 : i32, i32
  }
  func.func @transform_21(%arg0: i32) -> (i32, i32) {
    %c0_i32 = arith.constant 0 : i32
    %c0_i32_0 = arith.constant 0 : i32
    %c0_i32_1 = arith.constant 0 : i32
    return %c0_i32, %c0_i32_0 : i32, i32
  }
  func.func @transform_22(%arg0: i32) -> (i32, i32) {
    %c0_i32 = arith.constant 0 : i32
    %c0_i32_0 = arith.constant 0 : i32
    %c0_i32_1 = arith.constant 0 : i32
    return %c0_i32, %c0_i32_0 : i32, i32
  }
  func.func @transform_23(%arg0: i32) -> (i32, i32) {
    %c0_i32 = arith.constant 0 : i32
    %c0_i32_0 = arith.constant 0 : i32
    %c0_i32_1 = arith.constant 0 : i32
    return %c0_i32, %c0_i32_0 : i32, i32
  }
  func.func @transform_24(%arg0: i32) -> (i32, i32) {
    %c0_i32 = arith.constant 0 : i32
    %c0_i32_0 = arith.constant 0 : i32
    %c0_i32_1 = arith.constant 0 : i32
    return %c0_i32, %c0_i32_0 : i32, i32
  }
  func.func @transform_25(%arg0: i32) -> (i32, i32) {
    %c0_i32 = arith.constant 0 : i32
    %c0_i32_0 = arith.constant 0 : i32
    %c0_i32_1 = arith.constant 0 : i32
    return %c0_i32, %c0_i32_0 : i32, i32
  }
  func.func @transform_26(%arg0: i32) -> (i32, i32) {
    %c0_i32 = arith.constant 0 : i32
    %c0_i32_0 = arith.constant 0 : i32
    %c0_i32_1 = arith.constant 0 : i32
    return %c0_i32, %c0_i32_0 : i32, i32
  }
  func.func @transform_27(%arg0: i32) -> (i32, i32) {
    %c0_i32 = arith.constant 0 : i32
    %c0_i32_0 = arith.constant 0 : i32
    %c0_i32_1 = arith.constant 0 : i32
    return %c0_i32, %c0_i32_0 : i32, i32
  }
  func.func @transform_28(%arg0: i32) -> (i32, i32) {
    %c0_i32 = arith.constant 0 : i32
    %c0_i32_0 = arith.constant 0 : i32
    %c0_i32_1 = arith.constant 0 : i32
    return %c0_i32, %c0_i32_0 : i32, i32
  }
  func.func @transform_29(%arg0: i32) -> (i32, i32) {
    %c0_i32 = arith.constant 0 : i32
    %c0_i32_0 = arith.constant 0 : i32
    return %arg0, %c0_i32 : i32, i32
  }
  func.func @transform_30(%arg0: i32) -> (i32, i32) {
    %c0_i32 = arith.constant 0 : i32
    %c0_i32_0 = arith.constant 0 : i32
    return %arg0, %c0_i32 : i32, i32
  }
  func.func @transform_31(%arg0: i32) -> (i32, i32) {
    %c0_i32 = arith.constant 0 : i32
    %c0_i32_0 = arith.constant 0 : i32
    return %arg0, %c0_i32 : i32, i32
  }
  func.func @transform_32(%arg0: i32) -> (i32, i32) {
    %c0_i32 = arith.constant 0 : i32
    %c0_i32_0 = arith.constant 0 : i32
    return %arg0, %c0_i32 : i32, i32
  }
}

module attributes {stable_mosaic.version = 14 : i64} {
  func.func @body(%arg0: i32, %arg1: memref<1000x128xf32, #tpu.memory_space<vmem>>, %arg2: memref<1000x1xf32, #tpu.memory_space<vmem>>, %arg3: memref<1000x128xf32, #tpu.memory_space<vmem>>, %arg4: memref<1x128xf32, #tpu.memory_space<vmem>>, %arg5: memref<1x128xf32, #tpu.memory_space<vmem>>, %arg6: memref<128x128xf32, #tpu.memory_space<vmem>>, %arg7: memref<1x128xf32, #tpu.memory_space<vmem>>, %arg8: memref<1x128xf32, #tpu.memory_space<vmem>>, %arg9: memref<1x128xf32, #tpu.memory_space<vmem>>, %arg10: memref<128x128xf32, #tpu.memory_space<vmem>>, %arg11: memref<1x128xf32, #tpu.memory_space<vmem>>, %arg12: memref<128x128xf32, #tpu.memory_space<vmem>>, %arg13: memref<1x128xf32, #tpu.memory_space<vmem>>, %arg14: memref<128x128xf32, #tpu.memory_space<vmem>>, %arg15: memref<1x128xf32, #tpu.memory_space<vmem>>, %arg16: memref<128x128xf32, #tpu.memory_space<vmem>>, %arg17: memref<1x128xf32, #tpu.memory_space<vmem>>, %arg18: memref<128x128xf32, #tpu.memory_space<vmem>>, %arg19: memref<1x128xf32, #tpu.memory_space<vmem>>, %arg20: memref<1000x128xf32, #tpu.memory_space<vmem>>, %arg21: memref<1000x128xf32, #tpu.memory_space<vmem>>, %arg22: memref<1000x128xf32, #tpu.memory_space<vmem>>) attributes {dimension_semantics = [#tpu.dimension_semantics<arbitrary>], iteration_bounds = array<i64: 10>, scalar_prefetch = 0 : i64, scratch_operands = 0 : i64, tpu.core_type = #tpu.core_type<tc>, window_params = [{transform_indices = @transform_0, window_bounds = array<i64: 1000, 128>}, {transform_indices = @transform_1, window_bounds = array<i64: 1000, 1>}, {transform_indices = @transform_2, window_bounds = array<i64: 1000, 128>}, {pipeline_mode = #tpu.pipeline_mode<synchronous>, transform_indices = @transform_3, window_bounds = array<i64: 1, 128>}, {pipeline_mode = #tpu.pipeline_mode<synchronous>, transform_indices = @transform_4, window_bounds = array<i64: 1, 128>}, {pipeline_mode = #tpu.pipeline_mode<synchronous>, transform_indices = @transform_5, window_bounds = array<i64: 128, 128>}, {pipeline_mode = #tpu.pipeline_mode<synchronous>, transform_indices = @transform_6, window_bounds = array<i64: 1, 128>}, {pipeline_mode = #tpu.pipeline_mode<synchronous>, transform_indices = @transform_7, window_bounds = array<i64: 1, 128>}, {pipeline_mode = #tpu.pipeline_mode<synchronous>, transform_indices = @transform_8, window_bounds = array<i64: 1, 128>}, {pipeline_mode = #tpu.pipeline_mode<synchronous>, transform_indices = @transform_9, window_bounds = array<i64: 128, 128>}, {pipeline_mode = #tpu.pipeline_mode<synchronous>, transform_indices = @transform_10, window_bounds = array<i64: 1, 128>}, {pipeline_mode = #tpu.pipeline_mode<synchronous>, transform_indices = @transform_11, window_bounds = array<i64: 128, 128>}, {pipeline_mode = #tpu.pipeline_mode<synchronous>, transform_indices = @transform_12, window_bounds = array<i64: 1, 128>}, {pipeline_mode = #tpu.pipeline_mode<synchronous>, transform_indices = @transform_13, window_bounds = array<i64: 128, 128>}, {pipeline_mode = #tpu.pipeline_mode<synchronous>, transform_indices = @transform_14, window_bounds = array<i64: 1, 128>}, {pipeline_mode = #tpu.pipeline_mode<synchronous>, transform_indices = @transform_15, window_bounds = array<i64: 128, 128>}, {pipeline_mode = #tpu.pipeline_mode<synchronous>, transform_indices = @transform_16, window_bounds = array<i64: 1, 128>}, {pipeline_mode = #tpu.pipeline_mode<synchronous>, transform_indices = @transform_17, window_bounds = array<i64: 128, 128>}, {pipeline_mode = #tpu.pipeline_mode<synchronous>, transform_indices = @transform_18, window_bounds = array<i64: 1, 128>}, {transform_indices = @transform_19, window_bounds = array<i64: 1000, 128>}, {transform_indices = @transform_20, window_bounds = array<i64: 1000, 128>}, {transform_indices = @transform_21, window_bounds = array<i64: 1000, 128>}]} {
    %get3A = arith.constant 0 : index
    %get3A_0 = arith.constant 0 : index
    %get3A_1 = vector.load %arg2[%get3A, %get3A_0] : memref<1000x1xf32, #tpu.memory_space<vmem>>, vector<1000x1xf32>
    %get3A_2 = arith.constant 0 : index
    %get3A_3 = arith.constant 0 : index
    %get3A_4 = vector.load %arg1[%get3A_2, %get3A_3] : memref<1000x128xf32, #tpu.memory_space<vmem>>, vector<1000x128xf32>
    %max3A = arith.constant 1.000000e+00 : f32
    %max3A_5 = vector.broadcast %max3A : f32 to vector<1000x1xf32>
    %max3A_6 = arith.maximumf %get3A_1, %max3A_5 : vector<1000x1xf32>
    %div3A = vector.broadcast %max3A_6 : vector<1000x1xf32> to vector<1000x128xf32>
    %div3A_7 = arith.divf %get3A_4, %div3A : vector<1000x128xf32>
    %get3A_8 = arith.constant 0 : index
    %get3A_9 = arith.constant 0 : index
    %get3A_10 = vector.load %arg4[%get3A_8, %get3A_9] : memref<1x128xf32, #tpu.memory_space<vmem>>, vector<1x128xf32>
    %get3A_11 = arith.constant 0 : index
    %get3A_12 = arith.constant 0 : index
    %get3A_13 = vector.load %arg5[%get3A_11, %get3A_12] : memref<1x128xf32, #tpu.memory_space<vmem>>, vector<1x128xf32>
    %get3A_14 = arith.constant 0 : index
    %get3A_15 = arith.constant 0 : index
    %get3A_16 = vector.load %arg6[%get3A_14, %get3A_15] : memref<128x128xf32, #tpu.memory_space<vmem>>, vector<128x128xf32>
    %get3A_17 = arith.constant 0 : index
    %get3A_18 = arith.constant 0 : index
    %get3A_19 = vector.load %arg7[%get3A_17, %get3A_18] : memref<1x128xf32, #tpu.memory_space<vmem>>, vector<1x128xf32>
    %get3A_20 = arith.constant 0 : index
    %get3A_21 = arith.constant 0 : index
    %get3A_22 = vector.load %arg8[%get3A_20, %get3A_21] : memref<1x128xf32, #tpu.memory_space<vmem>>, vector<1x128xf32>
    %get3A_23 = arith.constant 0 : index
    %get3A_24 = arith.constant 0 : index
    %get3A_25 = vector.load %arg9[%get3A_23, %get3A_24] : memref<1x128xf32, #tpu.memory_space<vmem>>, vector<1x128xf32>
    %get3A_26 = arith.constant 0 : index
    %get3A_27 = arith.constant 0 : index
    %get3A_28 = vector.load %arg10[%get3A_26, %get3A_27] : memref<128x128xf32, #tpu.memory_space<vmem>>, vector<128x128xf32>
    %get3A_29 = arith.constant 0 : index
    %get3A_30 = arith.constant 0 : index
    %get3A_31 = vector.load %arg11[%get3A_29, %get3A_30] : memref<1x128xf32, #tpu.memory_space<vmem>>, vector<1x128xf32>
    %reduce_sum3A = arith.constant dense<0.000000e+00> : vector<1000xf32>
    %reduce_sum3A_32 = vector.multi_reduction <add>, %div3A_7, %reduce_sum3A [1] : vector<1000x128xf32> to vector<1000xf32>
    %broadcast_in_dim3A = vector.shape_cast %reduce_sum3A_32 : vector<1000xf32> to vector<1000x1xf32>
    %div3A_33 = arith.constant 1.280000e+02 : f32
    %div3A_34 = vector.broadcast %div3A_33 : f32 to vector<1000x1xf32>
    %div3A_35 = arith.divf %broadcast_in_dim3A, %div3A_34 : vector<1000x1xf32>
    %sub3A = vector.broadcast %div3A_35 : vector<1000x1xf32> to vector<1000x128xf32>
    %sub3A_36 = arith.subf %div3A_7, %sub3A : vector<1000x128xf32>
    %square3A = arith.mulf %sub3A_36, %sub3A_36 : vector<1000x128xf32>
    %reduce_sum3A_37 = arith.constant dense<0.000000e+00> : vector<1000xf32>
    %reduce_sum3A_38 = vector.multi_reduction <add>, %square3A, %reduce_sum3A_37 [1] : vector<1000x128xf32> to vector<1000xf32>
    %broadcast_in_dim3A_39 = vector.shape_cast %reduce_sum3A_38 : vector<1000xf32> to vector<1000x1xf32>
    %div3A_40 = arith.constant 1.280000e+02 : f32
    %div3A_41 = vector.broadcast %div3A_40 : f32 to vector<1000x1xf32>
    %div3A_42 = arith.divf %broadcast_in_dim3A_39, %div3A_41 : vector<1000x1xf32>
    %sub3A_43 = vector.broadcast %div3A_35 : vector<1000x1xf32> to vector<1000x128xf32>
    %sub3A_44 = arith.subf %div3A_7, %sub3A_43 : vector<1000x128xf32>
    %add3A = arith.constant 9.99999974E-6 : f32
    %add3A_45 = vector.broadcast %add3A : f32 to vector<1000x1xf32>
    %add3A_46 = arith.addf %div3A_42, %add3A_45 : vector<1000x1xf32>
    %sqrt3A = math.sqrt %add3A_46 : vector<1000x1xf32>
    %div3A_47 = vector.broadcast %sqrt3A : vector<1000x1xf32> to vector<1000x128xf32>
    %div3A_48 = arith.divf %sub3A_44, %div3A_47 : vector<1000x128xf32>
    %mul3A = vector.broadcast %get3A_10 : vector<1x128xf32> to vector<1000x128xf32>
    %mul3A_49 = arith.mulf %div3A_48, %mul3A : vector<1000x128xf32>
    %add3A_50 = vector.broadcast %get3A_13 : vector<1x128xf32> to vector<1000x128xf32>
    %add3A_51 = arith.addf %mul3A_49, %add3A_50 : vector<1000x128xf32>
    %dot_general3A = arith.constant dense<0.000000e+00> : vector<1000x128xf32>
    %dot_general3A_52 = tpu.matmul %add3A_51, %get3A_16, %dot_general3A {dimension_numbers = #tpu.dot_dimension_numbers<[1], [0], [0], [1], [0, 0, 1, 1], [], []>, transpose_lhs_hint = false} : vector<1000x128xf32>, vector<128x128xf32>, vector<1000x128xf32> -> vector<1000x128xf32>
    %add3A_53 = vector.broadcast %get3A_19 : vector<1x128xf32> to vector<1000x128xf32>
    %add3A_54 = arith.addf %dot_general3A_52, %add3A_53 : vector<1000x128xf32>
    %max3A_55 = arith.constant 0.000000e+00 : f32
    %max3A_56 = vector.broadcast %max3A_55 : f32 to vector<1000x128xf32>
    %max3A_57 = arith.maximumf %add3A_54, %max3A_56 : vector<1000x128xf32>
    %reduce_sum3A_58 = arith.constant dense<0.000000e+00> : vector<1000xf32>
    %reduce_sum3A_59 = vector.multi_reduction <add>, %max3A_57, %reduce_sum3A_58 [1] : vector<1000x128xf32> to vector<1000xf32>
    %broadcast_in_dim3A_60 = vector.shape_cast %reduce_sum3A_59 : vector<1000xf32> to vector<1000x1xf32>
    %div3A_61 = arith.constant 1.280000e+02 : f32
    %div3A_62 = vector.broadcast %div3A_61 : f32 to vector<1000x1xf32>
    %div3A_63 = arith.divf %broadcast_in_dim3A_60, %div3A_62 : vector<1000x1xf32>
    %sub3A_64 = vector.broadcast %div3A_63 : vector<1000x1xf32> to vector<1000x128xf32>
    %sub3A_65 = arith.subf %max3A_57, %sub3A_64 : vector<1000x128xf32>
    %square3A_66 = arith.mulf %sub3A_65, %sub3A_65 : vector<1000x128xf32>
    %reduce_sum3A_67 = arith.constant dense<0.000000e+00> : vector<1000xf32>
    %reduce_sum3A_68 = vector.multi_reduction <add>, %square3A_66, %reduce_sum3A_67 [1] : vector<1000x128xf32> to vector<1000xf32>
    %broadcast_in_dim3A_69 = vector.shape_cast %reduce_sum3A_68 : vector<1000xf32> to vector<1000x1xf32>
    %div3A_70 = arith.constant 1.280000e+02 : f32
    %div3A_71 = vector.broadcast %div3A_70 : f32 to vector<1000x1xf32>
    %div3A_72 = arith.divf %broadcast_in_dim3A_69, %div3A_71 : vector<1000x1xf32>
    %sub3A_73 = vector.broadcast %div3A_63 : vector<1000x1xf32> to vector<1000x128xf32>
    %sub3A_74 = arith.subf %max3A_57, %sub3A_73 : vector<1000x128xf32>
    %add3A_75 = arith.constant 9.99999974E-6 : f32
    %add3A_76 = vector.broadcast %add3A_75 : f32 to vector<1000x1xf32>
    %add3A_77 = arith.addf %div3A_72, %add3A_76 : vector<1000x1xf32>
    %sqrt3A_78 = math.sqrt %add3A_77 : vector<1000x1xf32>
    %div3A_79 = vector.broadcast %sqrt3A_78 : vector<1000x1xf32> to vector<1000x128xf32>
    %div3A_80 = arith.divf %sub3A_74, %div3A_79 : vector<1000x128xf32>
    %mul3A_81 = vector.broadcast %get3A_22 : vector<1x128xf32> to vector<1000x128xf32>
    %mul3A_82 = arith.mulf %div3A_80, %mul3A_81 : vector<1000x128xf32>
    %add3A_83 = vector.broadcast %get3A_25 : vector<1x128xf32> to vector<1000x128xf32>
    %add3A_84 = arith.addf %mul3A_82, %add3A_83 : vector<1000x128xf32>
    %dot_general3A_85 = arith.constant dense<0.000000e+00> : vector<1000x128xf32>
    %dot_general3A_86 = tpu.matmul %add3A_84, %get3A_28, %dot_general3A_85 {dimension_numbers = #tpu.dot_dimension_numbers<[1], [0], [0], [1], [0, 0, 1, 1], [], []>, transpose_lhs_hint = false} : vector<1000x128xf32>, vector<128x128xf32>, vector<1000x128xf32> -> vector<1000x128xf32>
    %add3A_87 = vector.broadcast %get3A_31 : vector<1x128xf32> to vector<1000x128xf32>
    %add3A_88 = arith.addf %dot_general3A_86, %add3A_87 : vector<1000x128xf32>
    %max3A_89 = arith.constant 0.000000e+00 : f32
    %max3A_90 = vector.broadcast %max3A_89 : f32 to vector<1000x128xf32>
    %max3A_91 = arith.maximumf %add3A_88, %max3A_90 : vector<1000x128xf32>
    %get3A_92 = arith.constant 0 : index
    %get3A_93 = arith.constant 0 : index
    %get3A_94 = vector.load %arg12[%get3A_92, %get3A_93] : memref<128x128xf32, #tpu.memory_space<vmem>>, vector<128x128xf32>
    %get3A_95 = arith.constant 0 : index
    %get3A_96 = arith.constant 0 : index
    %get3A_97 = vector.load %arg13[%get3A_95, %get3A_96] : memref<1x128xf32, #tpu.memory_space<vmem>>, vector<1x128xf32>
    %get3A_98 = arith.constant 0 : index
    %get3A_99 = arith.constant 0 : index
    %get3A_100 = vector.load %arg14[%get3A_98, %get3A_99] : memref<128x128xf32, #tpu.memory_space<vmem>>, vector<128x128xf32>
    %get3A_101 = arith.constant 0 : index
    %get3A_102 = arith.constant 0 : index
    %get3A_103 = vector.load %arg15[%get3A_101, %get3A_102] : memref<1x128xf32, #tpu.memory_space<vmem>>, vector<1x128xf32>
    %dot_general3A_104 = arith.constant dense<0.000000e+00> : vector<1000x128xf32>
    %dot_general3A_105 = tpu.matmul %max3A_91, %get3A_94, %dot_general3A_104 {dimension_numbers = #tpu.dot_dimension_numbers<[1], [0], [0], [1], [0, 0, 1, 1], [], []>, transpose_lhs_hint = false} : vector<1000x128xf32>, vector<128x128xf32>, vector<1000x128xf32> -> vector<1000x128xf32>
    %add3A_106 = vector.broadcast %get3A_97 : vector<1x128xf32> to vector<1000x128xf32>
    %add3A_107 = arith.addf %dot_general3A_105, %add3A_106 : vector<1000x128xf32>
    %max3A_108 = arith.constant 0.000000e+00 : f32
    %max3A_109 = vector.broadcast %max3A_108 : f32 to vector<1000x128xf32>
    %max3A_110 = arith.maximumf %add3A_107, %max3A_109 : vector<1000x128xf32>
    %dot_general3A_111 = arith.constant dense<0.000000e+00> : vector<1000x128xf32>
    %dot_general3A_112 = tpu.matmul %max3A_110, %get3A_100, %dot_general3A_111 {dimension_numbers = #tpu.dot_dimension_numbers<[1], [0], [0], [1], [0, 0, 1, 1], [], []>, transpose_lhs_hint = false} : vector<1000x128xf32>, vector<128x128xf32>, vector<1000x128xf32> -> vector<1000x128xf32>
    %add3A_113 = vector.broadcast %get3A_103 : vector<1x128xf32> to vector<1000x128xf32>
    %add3A_114 = arith.addf %dot_general3A_112, %add3A_113 : vector<1000x128xf32>
    %get3A_115 = arith.constant 0 : index
    %get3A_116 = arith.constant 0 : index
    %get3A_117 = vector.load %arg16[%get3A_115, %get3A_116] : memref<128x128xf32, #tpu.memory_space<vmem>>, vector<128x128xf32>
    %get3A_118 = arith.constant 0 : index
    %get3A_119 = arith.constant 0 : index
    %get3A_120 = vector.load %arg17[%get3A_118, %get3A_119] : memref<1x128xf32, #tpu.memory_space<vmem>>, vector<1x128xf32>
    %get3A_121 = arith.constant 0 : index
    %get3A_122 = arith.constant 0 : index
    %get3A_123 = vector.load %arg18[%get3A_121, %get3A_122] : memref<128x128xf32, #tpu.memory_space<vmem>>, vector<128x128xf32>
    %get3A_124 = arith.constant 0 : index
    %get3A_125 = arith.constant 0 : index
    %get3A_126 = vector.load %arg19[%get3A_124, %get3A_125] : memref<1x128xf32, #tpu.memory_space<vmem>>, vector<1x128xf32>
    %dot_general3A_127 = arith.constant dense<0.000000e+00> : vector<1000x128xf32>
    %dot_general3A_128 = tpu.matmul %max3A_91, %get3A_117, %dot_general3A_127 {dimension_numbers = #tpu.dot_dimension_numbers<[1], [0], [0], [1], [0, 0, 1, 1], [], []>, transpose_lhs_hint = false} : vector<1000x128xf32>, vector<128x128xf32>, vector<1000x128xf32> -> vector<1000x128xf32>
    %add3A_129 = vector.broadcast %get3A_120 : vector<1x128xf32> to vector<1000x128xf32>
    %add3A_130 = arith.addf %dot_general3A_128, %add3A_129 : vector<1000x128xf32>
    %max3A_131 = arith.constant 0.000000e+00 : f32
    %max3A_132 = vector.broadcast %max3A_131 : f32 to vector<1000x128xf32>
    %max3A_133 = arith.maximumf %add3A_130, %max3A_132 : vector<1000x128xf32>
    %dot_general3A_134 = arith.constant dense<0.000000e+00> : vector<1000x128xf32>
    %dot_general3A_135 = tpu.matmul %max3A_133, %get3A_123, %dot_general3A_134 {dimension_numbers = #tpu.dot_dimension_numbers<[1], [0], [0], [1], [0, 0, 1, 1], [], []>, transpose_lhs_hint = false} : vector<1000x128xf32>, vector<128x128xf32>, vector<1000x128xf32> -> vector<1000x128xf32>
    %add3A_136 = vector.broadcast %get3A_126 : vector<1x128xf32> to vector<1000x128xf32>
    %add3A_137 = arith.addf %dot_general3A_135, %add3A_136 : vector<1000x128xf32>
    %custom_jvp_call3A = arith.constant 0.000000e+00 : f32
    %max3A_138 = vector.broadcast %custom_jvp_call3A : f32 to vector<1000x128xf32>
    %max3A_139 = arith.maximumf %add3A_137, %max3A_138 : vector<1000x128xf32>
    %sub3A_140 = vector.broadcast %custom_jvp_call3A : f32 to vector<1000x128xf32>
    %sub3A_141 = arith.subf %add3A_137, %sub3A_140 : vector<1000x128xf32>
    %ne3A = arith.cmpf one, %sub3A_141, %sub3A_141 : vector<1000x128xf32>
    %add3A_142 = vector.broadcast %custom_jvp_call3A : f32 to vector<1000x128xf32>
    %add3A_143 = arith.addf %add3A_137, %add3A_142 : vector<1000x128xf32>
    %abs3A = math.absf %sub3A_141 : vector<1000x128xf32>
    %neg3A = arith.constant 0.000000e+00 : f32
    %neg3A_144 = vector.broadcast %neg3A : f32 to vector<1000x128xf32>
    %neg3A_145 = arith.subf %neg3A_144, %abs3A : vector<1000x128xf32>
    %exp3A = math.exp %neg3A_145 : vector<1000x128xf32>
    %log1p3A = math.log1p %exp3A : vector<1000x128xf32>
    %add3A_146 = arith.addf %max3A_139, %log1p3A : vector<1000x128xf32>
    %select_n3A = arith.select %ne3A, %add3A_143, %add3A_146 : vector<1000x128xi1>, vector<1000x128xf32>
    %get3A_147 = arith.constant 0 : index
    %get3A_148 = arith.constant 0 : index
    %get3A_149 = vector.load %arg3[%get3A_147, %get3A_148] : memref<1000x128xf32, #tpu.memory_space<vmem>>, vector<1000x128xf32>
    %mul3A_150 = arith.mulf %get3A_149, %select_n3A : vector<1000x128xf32>
    %add3A_151 = arith.addf %mul3A_150, %add3A_114 : vector<1000x128xf32>
    %swap3A = arith.constant 0 : index
    %swap3A_152 = arith.constant 0 : index
    %swap3A_153 = vector.load %arg20[%swap3A, %swap3A_152] : memref<1000x128xf32, #tpu.memory_space<vmem>>, vector<1000x128xf32>
    tpu.vector_store %arg20[%swap3A, %swap3A_152], %add3A_151 {strides = array<i32>} : memref<1000x128xf32, #tpu.memory_space<vmem>>, vector<1000x128xf32>,
    %swap3A_154 = arith.constant 0 : index
    %swap3A_155 = arith.constant 0 : index
    %swap3A_156 = vector.load %arg21[%swap3A_154, %swap3A_155] : memref<1000x128xf32, #tpu.memory_space<vmem>>, vector<1000x128xf32>
    tpu.vector_store %arg21[%swap3A_154, %swap3A_155], %add3A_114 {strides = array<i32>} : memref<1000x128xf32, #tpu.memory_space<vmem>>, vector<1000x128xf32>,
    %swap3A_157 = arith.constant 0 : index
    %swap3A_158 = arith.constant 0 : index
    %swap3A_159 = vector.load %arg22[%swap3A_157, %swap3A_158] : memref<1000x128xf32, #tpu.memory_space<vmem>>, vector<1000x128xf32>
    tpu.vector_store %arg22[%swap3A_157, %swap3A_158], %select_n3A {strides = array<i32>} : memref<1000x128xf32, #tpu.memory_space<vmem>>, vector<1000x128xf32>,
    return
  }
  func.func @transform_0(%arg0: i32) -> (i32, i32) {
    %c0_i32 = arith.constant 0 : i32
    %c0_i32_0 = arith.constant 0 : i32
    return %arg0, %c0_i32 : i32, i32
  }
  func.func @transform_1(%arg0: i32) -> (i32, i32) {
    %c0_i32 = arith.constant 0 : i32
    %c0_i32_0 = arith.constant 0 : i32
    return %arg0, %c0_i32 : i32, i32
  }
  func.func @transform_2(%arg0: i32) -> (i32, i32) {
    %c0_i32 = arith.constant 0 : i32
    %c0_i32_0 = arith.constant 0 : i32
    return %arg0, %c0_i32 : i32, i32
  }
  func.func @transform_3(%arg0: i32) -> (i32, i32) {
    %c0_i32 = arith.constant 0 : i32
    %c0_i32_0 = arith.constant 0 : i32
    %c0_i32_1 = arith.constant 0 : i32
    return %c0_i32, %c0_i32_0 : i32, i32
  }
  func.func @transform_4(%arg0: i32) -> (i32, i32) {
    %c0_i32 = arith.constant 0 : i32
    %c0_i32_0 = arith.constant 0 : i32
    %c0_i32_1 = arith.constant 0 : i32
    return %c0_i32, %c0_i32_0 : i32, i32
  }
  func.func @transform_5(%arg0: i32) -> (i32, i32) {
    %c0_i32 = arith.constant 0 : i32
    %c0_i32_0 = arith.constant 0 : i32
    %c0_i32_1 = arith.constant 0 : i32
    return %c0_i32, %c0_i32_0 : i32, i32
  }
  func.func @transform_6(%arg0: i32) -> (i32, i32) {
    %c0_i32 = arith.constant 0 : i32
    %c0_i32_0 = arith.constant 0 : i32
    %c0_i32_1 = arith.constant 0 : i32
    return %c0_i32, %c0_i32_0 : i32, i32
  }
  func.func @transform_7(%arg0: i32) -> (i32, i32) {
    %c0_i32 = arith.constant 0 : i32
    %c0_i32_0 = arith.constant 0 : i32
    %c0_i32_1 = arith.constant 0 : i32
    return %c0_i32, %c0_i32_0 : i32, i32
  }
  func.func @transform_8(%arg0: i32) -> (i32, i32) {
    %c0_i32 = arith.constant 0 : i32
    %c0_i32_0 = arith.constant 0 : i32
    %c0_i32_1 = arith.constant 0 : i32
    return %c0_i32, %c0_i32_0 : i32, i32
  }
  func.func @transform_9(%arg0: i32) -> (i32, i32) {
    %c0_i32 = arith.constant 0 : i32
    %c0_i32_0 = arith.constant 0 : i32
    %c0_i32_1 = arith.constant 0 : i32
    return %c0_i32, %c0_i32_0 : i32, i32
  }
  func.func @transform_10(%arg0: i32) -> (i32, i32) {
    %c0_i32 = arith.constant 0 : i32
    %c0_i32_0 = arith.constant 0 : i32
    %c0_i32_1 = arith.constant 0 : i32
    return %c0_i32, %c0_i32_0 : i32, i32
  }
  func.func @transform_11(%arg0: i32) -> (i32, i32) {
    %c0_i32 = arith.constant 0 : i32
    %c0_i32_0 = arith.constant 0 : i32
    %c0_i32_1 = arith.constant 0 : i32
    return %c0_i32, %c0_i32_0 : i32, i32
  }
  func.func @transform_12(%arg0: i32) -> (i32, i32) {
    %c0_i32 = arith.constant 0 : i32
    %c0_i32_0 = arith.constant 0 : i32
    %c0_i32_1 = arith.constant 0 : i32
    return %c0_i32, %c0_i32_0 : i32, i32
  }
  func.func @transform_13(%arg0: i32) -> (i32, i32) {
    %c0_i32 = arith.constant 0 : i32
    %c0_i32_0 = arith.constant 0 : i32
    %c0_i32_1 = arith.constant 0 : i32
    return %c0_i32, %c0_i32_0 : i32, i32
  }
  func.func @transform_14(%arg0: i32) -> (i32, i32) {
    %c0_i32 = arith.constant 0 : i32
    %c0_i32_0 = arith.constant 0 : i32
    %c0_i32_1 = arith.constant 0 : i32
    return %c0_i32, %c0_i32_0 : i32, i32
  }
  func.func @transform_15(%arg0: i32) -> (i32, i32) {
    %c0_i32 = arith.constant 0 : i32
    %c0_i32_0 = arith.constant 0 : i32
    %c0_i32_1 = arith.constant 0 : i32
    return %c0_i32, %c0_i32_0 : i32, i32
  }
  func.func @transform_16(%arg0: i32) -> (i32, i32) {
    %c0_i32 = arith.constant 0 : i32
    %c0_i32_0 = arith.constant 0 : i32
    %c0_i32_1 = arith.constant 0 : i32
    return %c0_i32, %c0_i32_0 : i32, i32
  }
  func.func @transform_17(%arg0: i32) -> (i32, i32) {
    %c0_i32 = arith.constant 0 : i32
    %c0_i32_0 = arith.constant 0 : i32
    %c0_i32_1 = arith.constant 0 : i32
    return %c0_i32, %c0_i32_0 : i32, i32
  }
  func.func @transform_18(%arg0: i32) -> (i32, i32) {
    %c0_i32 = arith.constant 0 : i32
    %c0_i32_0 = arith.constant 0 : i32
    %c0_i32_1 = arith.constant 0 : i32
    return %c0_i32, %c0_i32_0 : i32, i32
  }
  func.func @transform_19(%arg0: i32) -> (i32, i32) {
    %c0_i32 = arith.constant 0 : i32
    %c0_i32_0 = arith.constant 0 : i32
    return %arg0, %c0_i32 : i32, i32
  }
  func.func @transform_20(%arg0: i32) -> (i32, i32) {
    %c0_i32 = arith.constant 0 : i32
    %c0_i32_0 = arith.constant 0 : i32
    return %arg0, %c0_i32 : i32, i32
  }
  func.func @transform_21(%arg0: i32) -> (i32, i32) {
    %c0_i32 = arith.constant 0 : i32
    %c0_i32_0 = arith.constant 0 : i32
    return %arg0, %c0_i32 : i32, i32
  }
}

</mosaic_0001>

<sc_bundles>
// kernel: kernel.10.cloned.1.call-start
scs
__scs_entry_jumppad:
0x0: {  	(pc) =	sbr.rel $0x88, $3  }
0x1: {  	(tag) =	ssettag $0x0;
	lr =	simm.s32 $0x1  }
0x2: {  	[smem:$0x3F6E] =	sst lr;
	_ =	strace $0xD0000000  }
0x3: {  	_ = 	snop  }
0x4: {  	_ = 	snop  }
0x5: {  	_ = 	snop  }
0x6: {  	_ = 	snop  }
0x7: {  	_ = 	snop  }
__scs_overlays_trampoline_lowered:
0x8: {  	[smem:$0x3F7D] =	sst s0  }
0x9: {  	[smem:$0x3F7E] =	sst s1  }
0xa: {  	[smem:$0x3F7F] =	sst s2  }
0xb: {  	[smem:$0x3F80] =	sst s3  }
0xc: {  	[smem:$0x3F81] =	sst s4  }
0xd: {  	[smem:$0x3F82] =	sst s5  }
0xe: {  	[smem:$0x3F83] =	sst s6  }
0xf: {  	[smem:$0x3F84] =	sst s7  }
0x10: {  	[smem:$0x3F85] =	sst s8  }
0x11: {  	[smem:$0x3F86] =	sst s9;
	s0 =	simm.s32 @!p0 $0x0  }
0x12: {  	s1 =	sld [smem:$0x3F6C];
	s0 =	simm.s32 @p0 $0x1  }
0x13: {  	[smem:$0x3F87] =	sst s0;
	s0 =	simm.s32 @!p1 $0x0  }
0x14: {  	s2 =	sld [smem:$0x3F6B];
	s0 =	simm.s32 @p1 $0x1  }
0x15: {  	[smem:$0x3F88] =	sst s0;
	s0 =	simm.s32 @!p2 $0x0  }
0x16: {  	s3 =	sld [smem:$0x3FDB];
	s0 =	simm.s32 @p2 $0x1  }
0x17: {  	s4 =	simm.s32 $0x1BF5;
	[smem:$0x3F8A] =	sst s0  }
0x18: {  	s0 =	sld [smem:$0x3F6D];
	_ =	swait.ge [sflag:s4], $0x0  }
0x19: {  	s7 =	sld [smem:$0x3F6E]  }
0x1a: {  	s8 =	sadd.s32 $0xFFFFE003, lr  }
0x1b: {  	s9 =	sadd.s32 $0xFFFFFEF7, lr;
	s5 =	simm.s32 $0xFFFFFFFF;
	p2 =	slt.u32 s8, $0xFFFFF086  }
0x1c: {  	p1 =	slt.u32 s9, $0xF7A;
	s5 =	simm.s32 @!p2 $0x0  }
0x1d: {  	s5 =	simm.s32 @p1 $0x1;
	p0 =	seq.s32 s7, s2  }
0x1e: {  	s7 =	smul.u32 @!p0 $0xF7A, s2;
	p2 =	seq.s32 @!p0 s5, $0x0  }
0x1f: {  	s9 =	smul.u32 $0xF7A, s1;
	s8 =	simm.s32 @!p0 $0x1BF5;
	p2 =	por !p2, p0  }
0x20: {  	[sflag:s8] =	ssyncset.s32 @!p0 $0xFFFFF086;
	s6 =	sadd.s32 @!p0 s3, s7;
	s7 =	simm.s32 @!p0 $0x108  }
0x21: {  	s3 =	sadd.s32 s3, s9;
	s6 =	sadd.s32 @!p0 $0x88, s6;
	s7 =	simm.s32 @p2 $0x1082  }
0x22: {  	[simem:s7], [sflag:s8] =	dma.local @!p0 [hbm:s6], $0xF7A  }
0x23: {  	s9 =	sor.u32 $0xD0000000, s2;
	s6 =	simm.s32 $0x108;
	_ =	swait.ge @!p0 [sflag:s8], $0x0  }
0x24: {  	s3 =	sadd.s32 $0x88, s3;
	s6 =	simm.s32 @!p1 $0x1082;
	[sflag:s4] =	ssyncset.s32 $0xFFFFF086  }
0x25: {  	[simem:s6], [sflag:s4] =	dma.local [hbm:s3], $0xF7A  }
0x26: {  	[smem:$0x3F6E] =	sst s1;
	(tag) =	ssettag s2;
	_ =	strace s9  }
0x27: {  	s1 =	sld [smem:$0x3F7E]  }
0x28: {  	s2 =	sld [smem:$0x3F7F]  }
0x29: {  	s4 =	sld [smem:$0x3F81]  }
0x2a: {  	p0 =	seq.s32 s5, $0x0;
	s5 =	sld [smem:$0x3F82]  }
0x2b: {  	s6 =	sld [smem:$0x3F83]  }
0x2c: {  	s7 =	sld [smem:$0x3F84]  }
0x2d: {  	s3 =	simm.s32 $0x108;
	s8 =	sld [smem:$0x3F85]  }
0x2e: {  	s3 =	simm.s32 @!p0 $0x1082;
	s9 =	sld [smem:$0x3F86]  }
0x2f: {  	lr =	sadd.s32 s0, s3;
	s0 =	sld [smem:$0x3F7D]  }
0x30: {  	s3 =	sld [smem:$0x3F80]  }
0x31: {  	[smem:$0x3F89] =	sst s10  }
0x32: {  	s10 =	sld [smem:$0x3F87];
	_ =	sdelay $0x3  }
0x33: {  	p0 =	seq.s32 s10, $0x1;
	s10 =	sld [smem:$0x3F89];
	_ =	sdelay $0x3  }
0x34: {  	[smem:$0x3F89] =	sst s10  }
0x35: {  	s10 =	sld [smem:$0x3F88];
	_ =	sdelay $0x3  }
0x36: {  	p1 =	seq.s32 s10, $0x1;
	s10 =	sld [smem:$0x3F89];
	_ =	sdelay $0x3  }
0x37: {  	[smem:$0x3F89] =	sst s10  }
0x38: {  	s10 =	sld [smem:$0x3F8A]  }
0x39: {  	_ = 	snop;
	(pc) =	sbr.ind lr, $3  }
0x3a: {  	_ = 	snop  }
0x3b: {  	_ = 	snop  }
0x3c: {  	p2 =	seq.s32 s10, $0x1;
	s10 =	sld [smem:$0x3F89]  }
0x3d: {  	_ =	shalt  }
0x3e: {  	_ =	shalt  }
0x3f: {  	_ =	shalt  }
0x40: {  	_ =	shalt  }
0x41: {  	_ =	shalt  }
0x42: {  	_ =	shalt  }
0x43: {  	_ =	shalt  }
0x44: {  	_ =	shalt  }
0x45: {  	_ =	shalt  }
0x46: {  	_ =	shalt  }
0x47: {  	_ =	shalt  }
0x48: {  	_ =	shalt  }
0x49: {  	_ =	shalt  }
0x4a: {  	_ =	shalt  }
0x4b: {  	_ =	shalt  }
0x4c: {  	_ =	shalt  }
0x4d: {  	_ =	shalt  }
0x4e: {  	_ =	shalt  }
0x4f: {  	_ =	shalt  }
0x50: {  	_ =	shalt  }
0x51: {  	_ =	shalt  }
0x52: {  	_ =	shalt  }
0x53: {  	_ =	shalt  }
0x54: {  	_ =	shalt  }
0x55: {  	_ =	shalt  }
0x56: {  	_ =	shalt  }
0x57: {  	_ =	shalt  }
0x58: {  	_ =	shalt  }
0x59: {  	_ =	shalt  }
0x5a: {  	_ =	shalt  }
0x5b: {  	_ =	shalt  }
0x5c: {  	_ =	shalt  }
0x5d: {  	_ =	shalt  }
0x5e: {  	_ =	shalt  }
0x5f: {  	_ =	shalt  }
0x60: {  	_ =	shalt  }
0x61: {  	_ =	shalt  }
0x62: {  	_ =	shalt  }
0x63: {  	_ =	shalt  }
0x64: {  	_ =	shalt  }
0x65: {  	_ =	shalt  }
0x66: {  	_ =	shalt  }
0x67: {  	_ =	shalt  }
0x68: {  	_ =	shalt  }
0x69: {  	_ =	shalt  }
0x6a: {  	_ =	shalt  }
0x6b: {  	_ =	shalt  }
0x6c: {  	_ =	shalt  }
0x6d: {  	_ =	shalt  }
0x6e: {  	_ =	shalt  }
0x6f: {  	_ =	shalt  }
0x70: {  	_ =	shalt  }
0x71: {  	_ =	shalt  }
0x72: {  	_ =	shalt  }
0x73: {  	_ =	shalt  }
0x74: {  	_ =	shalt  }
0x75: {  	_ =	shalt  }
0x76: {  	_ =	shalt  }
0x77: {  	_ =	shalt  }
0x78: {  	_ =	shalt  }
0x79: {  	_ =	shalt  }
0x7a: {  	_ =	shalt  }
0x7b: {  	_ =	shalt  }
0x7c: {  	_ =	shalt  }
0x7d: {  	_ =	shalt  }
0x7e: {  	_ =	shalt  }
0x7f: {  	_ =	shalt  }
0x80: {  	_ =	shalt  }
0x81: {  	_ =	shalt  }
0x82: {  	_ =	shalt  }
0x83: {  	_ =	shalt  }
0x84: {  	_ =	shalt  }
0x85: {  	_ =	shalt  }
0x86: {  	_ =	shalt  }
0x87: {  	_ =	shalt  }
.Lfunc_end0:
.L_simem_size_0:
called_computation.1_lowered:
.L_overlay_start_0:
0x88: {  	s2 =	sld [smem:$0x3FD9]  }
0x89: {  	s3 =	sld [smem:$0x3FFE];
	_ =	sdelay $0x1  }
0x8a: {  	s1 =	srdreg.scid  }
0x8b: {  	s0 =	sand.u32 $0x1, s1  }
0x8c: {  	s14 =	sshll.u32 s0, $0xA;
	s2 =	sadd.s32 s3, s2  }
0x8d: {  	s2 =	sadd.s32 s2, s14  }
0x8e: {  	[smem:$0x3F95] =	sst s2  }
0x8f: {  	_ = 	snop  }
0x90: {  	s2 =	sld [smem:$0x3FD0];
	_ =	sdelay $0x2  }
0x91: {  	s15 =	simm.s32 $0xA;
	s4 =	simm.s32 $0x10  }
0x92: {  	[smem:s4], [sflag:s15] =	dma.local [hbm:s2], $0x1  }
0x93: {  	_ =	swait.eq [sflag:s15], $0x1  }
0x94: {  	s16 =	sld [smem:$0x10];
	[sflag:s15] =	ssyncset.done $0x0  }
0x95: {  	s17 =	sld [smem:$0x11];
	[sflag:s15] =	ssyncadd.s32 $0xFFFFFFFF  }
0x96: {  	s18 =	sld [smem:$0x12];
	(tm) =	ssettm $0x1  }
0x97: {  	s5 =	sld [smem:$0x3FFB];
	_ =	sdelay $0x3  }
0x98: {  	_ =	strace s5  }
0x99: {  	s5 =	sld [smem:$0x3FFC];
	_ =	sdelay $0x3  }
0x9a: {  	_ =	strace s5  }
0x9b: {  	s5 =	sld [smem:$0x3FFD];
	_ =	sdelay $0x3  }
0x9c: {  	_ =	strace s5  }
0x9d: {  	_ =	strace $0x8FFFFFFF  }
0x9e: {  	s19 =	sld [smem:$0x3FDB];
	_ =	sdelay $0x1  }
0x9f: {  	s6 =	simm.s32 $_scs_section_size  }
0xa0: {  	s7 =	simm.s32 $_size__tile_overlayer_lowered;
	s8 =	simm.s32 $_tile_overlayer_lowered  }
0xa1: {  	s22 =	simm.s32 $0x1BFF;
	s21 =	sshll.u32 s8, $0x1;
	s5 =	sadd.s32 s6, s19  }
0xa2: {  	s9 =	simm.s32 $0x0;
	s20 =	sshll.u32 s7, $0x1;
	s7 =	sadd.s32 s21, s5  }
0xa3: {  	[timem:s9], [sflag:s22] =	dma.local [hbm:s7], s20  }
0xa4: {  	_ =	swait.ge [sflag:s22], s20  }
0xa5: {  	s6 =	ssub.s32 $0x0, s20;
	[sflag:s22] =	ssyncset.done $0x0  }
0xa6: {  	[sflag:s22] =	ssyncadd.s32 s6;
	_ =	sdelay $0x1  }
0xa7: {  	s23 =	simm.s32 $0x1B8B  }
0xa8: {  	_ =	swait.ge [sflag:s23], $0x1  }
0xa9: {  	[sflag:s23] =	ssyncset.done $0x0  }
0xaa: {  	s25 =	simm.s32 $0x1B8E;
	s24 =	sld [smem:$0x3FFE];
	[sflag:s23] =	ssyncadd.s32 $0xFFFFFFFF  }
0xab: {  	s26 =	simm.s32 $execute0_lowered;
	[smem:$0x3FD2] =	sst s25  }
0xac: {  	s7 =	sshll.u32 s26, $0x1;
	_ =	strace $0x80000049;
	[dreg:$0x1] =	wrdreg $0xFFFFFFFF  }
0xad: {  	s28 =	simm.s32 $_size_execute0_lowered;
	s5 =	sadd.s32 s5, s7;
	[dreg:$0x0] =	wrdreg $0x0  }
0xae: {  	s7 =	sshll.u32 s28, $0x1;
	[dreg:$0x2] =	wrdreg s5  }
0xaf: {  	[dreg:$0x3] =	wrdreg s7  }
0xb0: {  	[dreg:$0x4] =	wrdreg $0xC0  }
0xb1: {  	_ =	task [dreg:s9], $0x5FFFF  }
0xb2: {  	[dreg:$0x1] =	wrdreg $0xFFFFFFFF  }
0xb3: {  	[dreg:$0x0] =	wrdreg $0x60  }
0xb4: {  	[dreg:$0x2] =	wrdreg s18  }
0xb5: {  	[dreg:$0x3] =	wrdreg s24  }
0xb6: {  	[dreg:$0x4] =	wrdreg s16  }
0xb7: {  	[dreg:$0x5] =	wrdreg s17  }
0xb8: {  	[dreg:$0x6] =	wrdreg $0x104000  }
0xb9: {  	[dreg:$0x7] =	wrdreg $0x1A4000  }
0xba: {  	[dreg:$0x8] =	wrdreg $0x9  }
0xbb: {  	_ =	task.clear_ibuf [dreg:s9], $0x9FFFF;
	_ =	strace $0x90000049  }
0xbc: {  	s29 =	simm.s32 $0x9;
	_ =	strace $0x8000004B  }
0xbd: {  	_ =	swait.ge [sflag:s29], $0x1  }
0xbe: {  	[sflag:s29] =	ssyncadd.s32 $0xFFFFFFFF  }
0xbf: {  	_ =	strace $0x9000004B  }
0xc0: {  	_ =	sfence  }
0xc1: {  	s30 =	sld [smem:$0x0];
	_ =	sdelay $0x2  }
0xc2: {  	s31 =	sshll.u32 s1, $0xD;
	s1 =	sshrl.u32 s1, $0x2  }
0xc3: {  	s3 =	sand.u32 $0x4000, s31;
	s1 =	sadd.s32 s1, s30  }
0xc4: {  	s0 =	sor.u32 s3, s0;
	s1 =	sshll.u32 s1, $0x11  }
0xc5: {  	s0 =	sor.u32 s1, s0  }
0xc6: {  	s0 =	sadd.s32 $0x8F2B, s0  }
0xc7: {  	[sflag:s0] =	ssyncadd.remote.s32 $0x1  }
0xc8: {  	_ =	sfence.sel $0xFFFF  }
0xc9: {  	[dreg:$0x0] =	wrdreg $0xFFFFFFFF;
	(pc) =	sbr.abs _section_cstart, $3  }
0xca: {  	[dreg:$0x1] =	wrdreg $0xFFFFFFFF  }
0xcb: {  	_ =	task.clear_ibuf [dreg:s9], $0x2FFFF;
	_ =	strace $0x9FFFFFFF  }
0xcc: {  	(tm) =	ssettm $0x7FFFFFFF  }
0xcd: {  	_ =	shalt  }
tec
execute0_lowered:
.L_overlay_start_1:
0x0: {  	(tag) =	ssettag $0x1  }
0x1: {  	s0 =	rddreg [dreg:$0x0]  }
0x2: {  	s2 =	rddreg [dreg:$0x1]  }
0x3: {  	s1 =	rddreg [dreg:$0x2]  }
0x4: {  	s3 =	rddreg [dreg:$0x3]  }
0x5: {  	s4 =	rddreg [dreg:$0x4];
	s17 =	stileid.u32  }
0x6: {  	s6 =	srdreg.scid;
	s9 =	smul.u32 $0xA000, s17  }
0x7: {  	s5 =	rddreg [dreg:$0x5];
	s28 =	simm.s32 $0x100;
	s10 =	smul.u32 $0x28000, s17  }
0x8: {  	s31 =	simm.s32 $0x80;
	s11 =	sand.u32 $0x1, s6;
	s15 =	smul.u32 $0x140, s17  }
0x9: {  	s29 =	simm.s32 $0x4200;
	s20 =	simm.s32 $0x0;
	s8 =	smul.u32 $0xA0000, s11  }
0xa: {  	s6 =	simm.s32 $0x0;
	s7 =	sadd.s32 $0x8400, s2;
	s14 =	smul.u32 $0x50000, s11  }
0xb: {  	[smem:$0x7FF] =	sst s6;
	s12 =	ssub.s32 $0x2, s11;
	s11 =	smul.u32 $0x1400, s11  }
0xc: {  	_ =	strace $0x8000004A;
	s13 =	sshrl.u32 s12, $0x1;
	s10 =	sshrl.u32 s10, $0x2  }
0xd: {  	s9 =	sadd.s32 s9, s8;
	s8 =	sadd.s32 $0x12400, s2;
	s12 =	ssub.s32 s12, s13  }
0xe: {  	s10 =	sadd.s32 s10, s4;
	s13 =	sadd.s32 s15, s5;
	s11 =	sadd.s32 s15, s11  }
0xf: {  	s9 =	sshrl.u32 s9, $0x3;
	s21 =	sadd.s32 $0x4000, s10;
	s22 =	sadd.s32 $0x8000, s10  }
0x10: {  	s11 =	sshrl.u32 s11, $0x3;
	s30 =	smax.u32 s12, $0x1;
	s12 =	simm.s32 $0x1  }
0x11: {  	s2 =	sadd.s32 s9, s2;
	s9 =	smul.u32 $0x5000, s17;
	[dreg:$0x7] =	wrdreg s21  }
0x12: {  	[dreg:$0x8] =	wrdreg s22;
	s17 =	smul.u32 $0x50000, s17;
	s26 =	sadd.s32 s3, s11  }
0x13: {  	[dreg:$0x11] =	wrdreg s30;
	s22 =	simm.s32 $0x10280;
	s3 =	simm.s32 $0x4  }
0x14: {  	s11 =	simm.s32 $0xC200;
	s2 =	sadd.s32 $0x512400, s2;
	[dreg:$0x10] =	wrdreg s26  }
0x15: {  	s14 =	sadd.s32 s9, s14;
	s16 =	sshrl.u32 s9, $0x3;
	s19 =	sor.u32 $0x80, s9  }
0x16: {  	s17 =	sadd.s32 s8, s17;
	[dreg:$0xf] =	wrdreg s2;
	s2 =	simm.s32 $0x180  }
0x17: {  	s18 =	sshrl.u32 s14, $0x3;
	s16 =	sadd.s32 s7, s16;
	s23 =	sshrl.u32 s19, $0x3  }
0x18: {  	[dreg:$0xb] =	wrdreg s17;
	s25 =	sshll.u32 s19, $0x4;
	s17 =	simm.s32 $0x10200  }
.Ltmp0:
0x19: {  	[dreg:$0x9] =	wrdreg s16;
	s16 =	sadd.s32 s7, s23;
	(pc) =	sbr.rel .LBB2_1-.Ltmp0, $4  }
0x1a: {  	s19 =	simm.s32 $0x6;
	s18 =	sadd.s32 s1, s18;
	[dreg:$0xc] =	wrdreg s16  }
0x1b: {  	s15 =	sadd.s32 s8, s25;
	s25 =	simm.s32 $0x7;
	[dreg:$0xa] =	wrdreg s18  }
0x1c: {  	s24 =	sadd.s32 $0x10, s18;
	[dreg:$0xe] =	wrdreg s15;
	s15 =	simm.s32 $0x5  }
0x1d: {  	v0 =	vimm.f32 $0.0e+00;
	v1 =	vimm.f32 $1.000000000e+00;
	s18 =	simm.s32 $0x2;
	[dreg:$0xd] =	wrdreg s24;
	s24 =	simm.s32 $0x8200  }
.LBB2_10:
0x1e: {  	s16 =	stileid.u32  }
0x1f: {  	[bflag:$0x0] =	sbarrier.arrive $0xFFFF;
	s16 =	sshll.u32 s16, $0x6  }
0x20: {  	s21 =	sshrl.u32 s10, $0x3;
	s22 =	rddreg [dreg:$0xf];
	s16 =	sor.u32 $0x1C07, s16  }
0x21: {  	[hbm:s22], [sflag:s16] =	dma.local [spmem:s21], $0x1400  }
0x22: {  	_ =	swait.ge [sflag:s25], $0x1400  }
0x23: {  	[sflag:s25] =	ssyncset.done $0x0  }
0x24: {  	s22 =	simm.s32 $0x10280;
	[sflag:s25] =	ssyncadd.s32 $0xFFFFEC00  }
0x25: {  	[tilespmem:s22], [sflag:$0x7] =	stream.linear.gather [spmem:s13], $0x140, $0x38;
	[tilespmem:$0x1A540] =	vst v63  }
0x26: {  	_ =	swait.ge [sflag:s25], $0x140  }
0x27: {  	[sflag:s25] =	ssyncset.done $0x0  }
0x28: {  	s26 =	rddreg [dreg:$0x10];
	[sflag:s25] =	ssyncadd.s32 $0xFFFFFEC0  }
0x29: {  	[hbm4b:s26+s6] =	stream.linear.scatter [tilespmem:s22], [sflag:$0x7], $0x140, $0x38;
	[tilespmem:$0x1A540] =	vst v63  }
0x2a: {  	_ =	swait.ge [sflag:s25], $0x140  }
0x2b: {  	s20 =	sadd.s32 $0x1, s20;
	s30 =	rddreg [dreg:$0x11]  }
0x2c: {  	p0 =	sne.s32 s20, s30  }
.Ltmp1:
0x2d: {  	_ = 	snop;
	(pc) =	sbr.rel @!p0 .LBB2_11-.Ltmp1, $3  }
0x2e: {  	_ =	sdelay $0x1  }
0x2f: {  	[sflag:s25] =	ssyncset.done $0x0  }
0x30: {  	[sflag:s25] =	ssyncadd.s32 $0xFFFFFEC0  }
.LBB2_1:
0x31: {  	s16 =	simm.s32 $0x0;
	s21 =	simm.s32 $0x200  }
.LBB2_2:
0x32: {  	p0 =	sne.s32 s21, $0xFE00;
	[tilespmem:s16+$0x8270] =	vst v0  }
0x33: {  	[tilespmem:s16+$0x8200] =	vst v0  }
0x34: {  	[tilespmem:s16+$0x8210] =	vst v0  }
.Ltmp2:
0x35: {  	[tilespmem:s16+$0x8220] =	vst v0;
	(pc) =	sbr.rel @p0 .LBB2_2-.Ltmp2, $4  }
0x36: {  	[tilespmem:s16+$0x8230] =	vst v0  }
0x37: {  	[tilespmem:s16+$0x8240] =	vst v0  }
0x38: {  	[tilespmem:s16+$0x8250] =	vst v0  }
0x39: {  	[tilespmem:s16+$0x8260] =	vst v0;
	s16 =	sshra.s32 s21, $0x2;
	s21 =	sadd.s32 $0x200, s21  }
0x3a: {  	[tilespmem:s16+$0x8270] =	vst v0  }
0x3b: {  	[tilespmem:s16+$0x8200] =	vst v0  }
0x3c: {  	[tilespmem:s16+$0x8210] =	vst v0  }
0x3d: {  	[tilespmem:s16+$0x8220] =	vst v0  }
0x3e: {  	[tilespmem:s16+$0x8230] =	vst v0  }
0x3f: {  	[tilespmem:s16+$0x8240] =	vst v0  }
0x40: {  	[tilespmem:s16+$0x8250] =	vst v0  }
0x41: {  	[tilespmem:s16+$0x8260] =	vst v0  }
0x42: {  	[tilespmem:$0x10280] =	vst v0  }
0x43: {  	[tilespmem:$0x10290] =	vst v0  }
0x44: {  	[tilespmem:$0x102A0] =	vst v0  }
0x45: {  	[tilespmem:$0x102B0] =	vst v0  }
0x46: {  	[tilespmem:$0x102C0] =	vst v0  }
0x47: {  	[tilespmem:$0x102D0] =	vst v0  }
0x48: {  	[tilespmem:$0x102E0] =	vst v0  }
0x49: {  	[tilespmem:$0x102F0] =	vst v0  }
0x4a: {  	[tilespmem:$0x10300] =	vst v0  }
0x4b: {  	[tilespmem:$0x10310] =	vst v0  }
0x4c: {  	[tilespmem:$0x10320] =	vst v0  }
0x4d: {  	[tilespmem:$0x10330] =	vst v0  }
0x4e: {  	[tilespmem:$0x10340] =	vst v0  }
0x4f: {  	[tilespmem:$0x10350] =	vst v0  }
0x50: {  	[tilespmem:$0x10360] =	vst v0  }
0x51: {  	[tilespmem:$0x10370] =	vst v0  }
0x52: {  	[tilespmem:$0x10380] =	vst v0  }
0x53: {  	[tilespmem:$0x10390] =	vst v0  }
0x54: {  	[tilespmem:$0x103A0] =	vst v0  }
0x55: {  	[tilespmem:$0x103B0] =	vst v0  }
0x56: {  	[tilespmem:$0x10200] =	vst v1  }
0x57: {  	[tilespmem:$0x10210] =	vst v1  }
0x58: {  	[tilespmem:$0x10220] =	vst v1  }
0x59: {  	[tilespmem:$0x10230] =	vst v1  }
0x5a: {  	[tilespmem:$0x10240] =	vst v1  }
0x5b: {  	[tilespmem:$0x10250] =	vst v1  }
0x5c: {  	[tilespmem:$0x10260] =	vst v1  }
0x5d: {  	[tilespmem:$0x10270] =	vst v1  }
0x5e: {  	[spmem:s10] =	stream.linear.scatter [tilespmem:s24], [sflag:$0x7], $0x4000, $0x38;
	[tilespmem:$0x1A540] =	vst v63  }
0x5f: {  	_ =	swait.ge [sflag:s25], $0x4000  }
0x60: {  	[sflag:s25] =	ssyncset.done $0x0  }
0x61: {  	s30 =	rddreg [dreg:$0x7];
	[sflag:s25] =	ssyncadd.s32 $0xFFFFC000  }
0x62: {  	[spmem:s30] =	stream.linear.scatter [tilespmem:s24], [sflag:$0x7], $0x4000, $0x38;
	[tilespmem:$0x1A540] =	vst v63  }
0x63: {  	_ =	swait.ge [sflag:s25], $0x4000  }
0x64: {  	[sflag:s25] =	ssyncset.done $0x0  }
0x65: {  	s21 =	rddreg [dreg:$0x8];
	[sflag:s25] =	ssyncadd.s32 $0xFFFFC000  }
0x66: {  	[spmem:s21] =	stream.linear.scatter [tilespmem:s24], [sflag:$0x7], $0x2000, $0x38;
	[tilespmem:$0x1A540] =	vst v63  }
0x67: {  	_ =	swait.ge [sflag:s25], $0x2000  }
0x68: {  	[sflag:s25] =	ssyncset.done $0x0  }
0x69: {  	[sflag:s25] =	ssyncadd.s32 $0xFFFFE000  }
0x6a: {  	[spmem:s13] =	stream.linear.scatter [tilespmem:s22], [sflag:$0x7], $0x140, $0x38;
	[tilespmem:$0x1A540] =	vst v63  }
0x6b: {  	_ =	swait.ge [sflag:s25], $0x140  }
0x6c: {  	[sflag:s25] =	ssyncset.done $0x0  }
0x6d: {  	[sflag:s25] =	ssyncadd.s32 $0xFFFFFEC0  }
0x6e: {  	[bflag:$0x0] =	sbarrier.arrive $0xFFFF  }
0x6f: {  	s21 =	simm.s32 $0x0;
	s22 =	rddreg [dreg:$0x9]  }
0x70: {  	[tilespmem:s21], [sflag:$0x3] =	stream.linear.gather [hbm4b:s22+s21], $0x80, $0x38;
	[tilespmem:$0x1A540] =	vst v63  }
0x71: {  	s23 =	rddreg [dreg:$0xa]  }
0x72: {  	[tilespmem:s28], [sflag:$0x5] =	stream.linear.gather [hbm4b:s23+s21], $0x80, $0x38;
	[tilespmem:$0x1A540] =	vst v63  }
0x73: {  	s30 =	simm.s32 $0x200;
	s26 =	rddreg [dreg:$0xb];
	s22 =	simm.s32 $0x3  }
0x74: {  	[tilespmem:s30], [sflag:$0x5] =	stream.linear.gather [hbm4b:s26+s21], $0x4000, $0x38;
	[tilespmem:$0x1A540] =	vst v63  }
0x75: {  	_ =	swait.ge [sflag:s22], $0x80  }
0x76: {  	[sflag:s22] =	ssyncset.done $0x0  }
0x77: {  	[sflag:s22] =	ssyncadd.s32 $0xFFFFFF80  }
0x78: {  	[tilespmem:s24], [sflag:$0x1] =	stream.indirect.gather [hbm4b:s0+s31], $0x80, s21, s31, $0xb8;
	[tilespmem:$0x1A540] =	vst v63  }
0x79: {  	s23 =	rddreg [dreg:$0xc]  }
0x7a: {  	[tilespmem:s31], [sflag:$0x4] =	stream.linear.gather [hbm4b:s23+s21], $0x80, $0x38;
	[tilespmem:$0x1A540] =	vst v63  }
0x7b: {  	s26 =	rddreg [dreg:$0xd]  }
0x7c: {  	[tilespmem:s2], [sflag:$0x6] =	stream.linear.gather [hbm4b:s26+s21], $0x80, $0x38;
	[tilespmem:$0x1A540] =	vst v63  }
0x7d: {  	s30 =	rddreg [dreg:$0xe]  }
0x7e: {  	[tilespmem:s29], [sflag:$0x6] =	stream.linear.gather [hbm4b:s30+s21], $0x4000, $0x38;
	[tilespmem:$0x1A540] =	vst v63  }
.LBB2_4:
0x7f: {  	_ =	swait.ge [sflag:s3], $0x80  }
0x80: {  	[sflag:s3] =	ssyncset.done $0x0  }
0x81: {  	[sflag:s3] =	ssyncadd.s32 $0xFFFFFF80  }
0x82: {  	[tilespmem:s11], [sflag:$0x2] =	stream.indirect.gather [hbm4b:s0+s31], $0x80, s31, s31, $0xb8;
	[tilespmem:$0x1A540] =	vst v63  }
0x83: {  	_ =	swait.ge [sflag:s12], $0x4000  }
0x84: {  	[sflag:s12] =	ssyncset.done $0x0  }
0x85: {  	[sflag:s12] =	ssyncadd.s32 $0xFFFFC000  }
0x86: {  	_ =	swait.ge [sflag:s15], $0x80  }
0x87: {  	[sflag:s15] =	ssyncset.done $0x0  }
0x88: {  	[sflag:s15] =	ssyncadd.s32 $0xFFFFFF80  }
0x89: {  	_ =	swait.ge [sflag:s15], $0x4000  }
0x8a: {  	[sflag:s15] =	ssyncset.done $0x0  }
0x8b: {  	s22 =	simm.s32 $0x0;
	[sflag:s15] =	ssyncadd.s32 $0xFFFFC000  }
0x8c: {  	v2 =	vld [tilespmem:s22+$0x200]  }
0x8d: {  	v6 =	vld [tilespmem:s22+$0x8200]  }
0x8e: {  	v8 =	vld [tilespmem:s22+$0x8210]  }
0x8f: {  	v7 =	vld [tilespmem:s22+$0x8220]  }
0x90: {  	v5 =	vld [tilespmem:s22+$0x8230]  }
0x91: {  	v3 =	vld [tilespmem:s22+$0x8240]  }
0x92: {  	v4 =	vld [tilespmem:s22+$0x8250];
	v9 =	vmul.f32 v6, v2  }
0x93: {  	s23 =	simm.s32 $0x200;
	v8 =	vmul.f32 v8, v2;
	v6 =	vld [tilespmem:s22+$0x8260]  }
.LBB2_5:
0x94: {  	s16 =	sshra.s32 s23, $0x2;
	p0 =	sne.s32 s23, $0xFE00;
	[tilespmem:s22+$0x8200] =	vst v9;
	v7 =	vmul.f32 v7, v2;
	v9 =	vld [tilespmem:s22+$0x8270]  }
0x95: {  	v10 =	vld [tilespmem:s16+$0x200];
	[tilespmem:s22+$0x8210] =	vst v8;
	v5 =	vmul.f32 v5, v2  }
0x96: {  	v8 =	vld [tilespmem:s16+$0x8200];
	[tilespmem:s22+$0x8220] =	vst v7;
	v3 =	vmul.f32 v3, v2  }
0x97: {  	v11 =	vld [tilespmem:s16+$0x8210];
	[tilespmem:s22+$0x8230] =	vst v5;
	v4 =	vmul.f32 v4, v2  }
.Ltmp3:
0x98: {  	v7 =	vld [tilespmem:s16+$0x8220];
	[tilespmem:s22+$0x8240] =	vst v3;
	v6 =	vmul.f32 v6, v2;
	(pc) =	sbr.rel @p0 .LBB2_5-.Ltmp3, $4  }
0x99: {  	v5 =	vld [tilespmem:s16+$0x8230];
	[tilespmem:s22+$0x8250] =	vst v4;
	v12 =	vmul.f32 v9, v2  }
0x9a: {  	v3 =	vld [tilespmem:s16+$0x8240];
	[tilespmem:s22+$0x8260] =	vst v6;
	v2 =	vmov v10  }
0x9b: {  	v9 =	vmul.f32 v8, v2;
	v4 =	vld [tilespmem:s16+$0x8250];
	[tilespmem:s22+$0x8270] =	vst v12;
	s22 =	smov.u32 s16  }
0x9c: {  	s23 =	sadd.s32 $0x200, s23;
	v8 =	vmul.f32 v11, v2;
	v6 =	vld [tilespmem:s22+$0x8260]  }
0x9d: {  	[tilespmem:s22+$0x8200] =	vst v9;
	v7 =	vmul.f32 v7, v2;
	v9 =	vld [tilespmem:s22+$0x8270]  }
0x9e: {  	[tilespmem:s22+$0x8210] =	vst v8;
	v5 =	vmul.f32 v5, v2  }
0x9f: {  	[tilespmem:s22+$0x8220] =	vst v7;
	v3 =	vmul.f32 v3, v2  }
0xa0: {  	[tilespmem:s22+$0x8230] =	vst v5;
	v4 =	vmul.f32 v4, v2  }
0xa1: {  	[tilespmem:s22+$0x8240] =	vst v3;
	v3 =	vmul.f32 v6, v2  }
0xa2: {  	[tilespmem:s22+$0x8250] =	vst v4;
	v2 =	vmul.f32 v9, v2  }
0xa3: {  	[tilespmem:s22+$0x8260] =	vst v3  }
0xa4: {  	[tilespmem:s22+$0x8270] =	vst v2  }
0xa5: {  	[spmem:s4] =	stream.indirect.scatter.add.f32 [tilespmem:s24], [sflag:$0x7], $0x80, s28, s31, $0xb8;
	[tilespmem:$0x1A540] =	vst v63  }
0xa6: {  	_ =	swait.ge [sflag:s25], $0x4000  }
0xa7: {  	p0 =	seq.s32 s21, $0x4F;
	s22 =	sshll.u32 s21, $0x8;
	[sflag:s25] =	ssyncset.done $0x0  }
0xa8: {  	s16 =	sadd.s32 @!p0 $0x100, s22;
	[sflag:s25] =	ssyncadd.s32 $0xFFFFC000  }
0xa9: {  	[spmem:s5] =	stream.indirect.scatter.add.f32 [tilespmem:s17], [sflag:$0x7], $0x1, s28, s31, $0xb8;
	[tilespmem:$0x1A540] =	vst v63  }
0xaa: {  	s30 =	simm.s32 @!p0 $0x0;
	s23 =	sadd.s32 @!p0 s9, s16;
	_ =	swait.ge [sflag:s25], $0x80  }
0xab: {  	s16 =	sadd.s32 @!p0 s14, s16;
	s26 =	sshrl.u32 @!p0 s23, $0x3;
	[sflag:s25] =	ssyncset.done $0x0  }
0xac: {  	s16 =	sshrl.u32 @!p0 s16, $0x3;
	s26 =	sadd.s32 @!p0 s7, s26;
	[sflag:s25] =	ssyncadd.s32 $0xFFFFFF80  }
0xad: {  	[tilespmem:s30], [sflag:$0x3] =	stream.linear.gather @!p0 [hbm4b:s26+s30], $0x80, $0x38;
	[tilespmem:$0x1A540] =	vst v63  }
0xae: {  	s16 =	sadd.s32 @!p0 s1, s16;
	s26 =	simm.s32 @!p0 $0x100  }
0xaf: {  	[tilespmem:s26], [sflag:$0x5] =	stream.linear.gather @!p0 [hbm4b:s16+s30], $0x80, $0x38;
	[tilespmem:$0x1A540] =	vst v63  }
0xb0: {  	s16 =	sshll.u32 @!p0 s23, $0x4  }
0xb1: {  	s23 =	simm.s32 @!p0 $0x200;
	s16 =	sadd.s32 @!p0 s8, s16  }
0xb2: {  	[tilespmem:s23], [sflag:$0x5] =	stream.linear.gather @!p0 [hbm4b:s16+s30], $0x4000, $0x38;
	[tilespmem:$0x1A540] =	vst v63  }
0xb3: {  	s16 =	simm.s32 @!p0 $0x3  }
0xb4: {  	_ =	swait.ge @!p0 [sflag:s16], $0x80  }
0xb5: {  	[sflag:s16] =	ssyncset.done @!p0 $0x0  }
0xb6: {  	s23 =	simm.s32 @!p0 $0x8200;
	[sflag:s16] =	ssyncadd.s32 @!p0 $0xFFFFFF80;
	s16 =	simm.s32 @!p0 $0x80  }
0xb7: {  	[tilespmem:s23], [sflag:$0x1] =	stream.indirect.gather @!p0 [hbm4b:s0+s16], $0x80, s30, s16, $0xb8;
	[tilespmem:$0x1A540] =	vst v63  }
0xb8: {  	_ =	swait.ge [sflag:s18], $0x4000  }
0xb9: {  	[sflag:s18] =	ssyncset.done $0x0  }
0xba: {  	[sflag:s18] =	ssyncadd.s32 $0xFFFFC000  }
0xbb: {  	_ =	swait.ge [sflag:s19], $0x80  }
0xbc: {  	[sflag:s19] =	ssyncset.done $0x0  }
0xbd: {  	[sflag:s19] =	ssyncadd.s32 $0xFFFFFF80  }
0xbe: {  	_ =	swait.ge [sflag:s19], $0x4000  }
0xbf: {  	[sflag:s19] =	ssyncset.done $0x0  }
0xc0: {  	s23 =	simm.s32 $0x0;
	[sflag:s19] =	ssyncadd.s32 $0xFFFFC000  }
0xc1: {  	v2 =	vld [tilespmem:s23+$0x4200]  }
0xc2: {  	v6 =	vld [tilespmem:s23+$0xC200]  }
0xc3: {  	v8 =	vld [tilespmem:s23+$0xC210]  }
0xc4: {  	v7 =	vld [tilespmem:s23+$0xC220]  }
0xc5: {  	v5 =	vld [tilespmem:s23+$0xC230]  }
0xc6: {  	v3 =	vld [tilespmem:s23+$0xC240]  }
0xc7: {  	v4 =	vld [tilespmem:s23+$0xC250];
	v9 =	vmul.f32 v6, v2  }
0xc8: {  	s16 =	simm.s32 $0x200;
	v8 =	vmul.f32 v8, v2;
	v6 =	vld [tilespmem:s23+$0xC260]  }
.LBB2_7:
0xc9: {  	s26 =	sshra.s32 s16, $0x2;
	p1 =	sne.s32 s16, $0xFE00;
	[tilespmem:s23+$0xC200] =	vst v9;
	v7 =	vmul.f32 v7, v2;
	v9 =	vld [tilespmem:s23+$0xC270]  }
0xca: {  	v10 =	vld [tilespmem:s26+$0x4200];
	[tilespmem:s23+$0xC210] =	vst v8;
	v5 =	vmul.f32 v5, v2  }
0xcb: {  	v8 =	vld [tilespmem:s26+$0xC200];
	[tilespmem:s23+$0xC220] =	vst v7;
	v3 =	vmul.f32 v3, v2  }
0xcc: {  	v11 =	vld [tilespmem:s26+$0xC210];
	[tilespmem:s23+$0xC230] =	vst v5;
	v4 =	vmul.f32 v4, v2  }
.Ltmp4:
0xcd: {  	v7 =	vld [tilespmem:s26+$0xC220];
	[tilespmem:s23+$0xC240] =	vst v3;
	v6 =	vmul.f32 v6, v2;
	(pc) =	sbr.rel @p1 .LBB2_7-.Ltmp4, $4  }
0xce: {  	v5 =	vld [tilespmem:s26+$0xC230];
	[tilespmem:s23+$0xC250] =	vst v4;
	v12 =	vmul.f32 v9, v2  }
0xcf: {  	v3 =	vld [tilespmem:s26+$0xC240];
	[tilespmem:s23+$0xC260] =	vst v6;
	v2 =	vmov v10  }
0xd0: {  	v9 =	vmul.f32 v8, v2;
	v4 =	vld [tilespmem:s26+$0xC250];
	[tilespmem:s23+$0xC270] =	vst v12;
	s23 =	smov.u32 s26  }
0xd1: {  	s16 =	sadd.s32 $0x200, s16;
	v8 =	vmul.f32 v11, v2;
	v6 =	vld [tilespmem:s23+$0xC260]  }
0xd2: {  	[tilespmem:s23+$0xC200] =	vst v9;
	v7 =	vmul.f32 v7, v2;
	v63 =	vld [tilespmem:s23+$0xC270]  }
0xd3: {  	[tilespmem:s23+$0xC210] =	vst v8;
	v5 =	vmul.f32 v5, v2  }
0xd4: {  	[tilespmem:s23+$0xC220] =	vst v7;
	v3 =	vmul.f32 v3, v2  }
0xd5: {  	[tilespmem:s23+$0xC230] =	vst v5;
	v4 =	vmul.f32 v4, v2  }
0xd6: {  	[tilespmem:s23+$0xC240] =	vst v3;
	v3 =	vmul.f32 v6, v2  }
0xd7: {  	[tilespmem:s23+$0xC250] =	vst v4;
	v2 =	vmul.f32 v63, v2  }
0xd8: {  	[tilespmem:s23+$0xC260] =	vst v3  }
0xd9: {  	[tilespmem:s23+$0xC270] =	vst v2  }
0xda: {  	[spmem:s4] =	stream.indirect.scatter.add.f32 [tilespmem:s11], [sflag:$0x7], $0x80, s2, s31, $0xb8;
	[tilespmem:$0x1A540] =	vst v63  }
0xdb: {  	_ =	swait.ge [sflag:s25], $0x4000  }
0xdc: {  	[sflag:s25] =	ssyncset.done $0x0  }
.Ltmp5:
0xdd: {  	[sflag:s25] =	ssyncadd.s32 $0xFFFFC000;
	(pc) =	sbr.rel @p0 .LBB2_10-.Ltmp5, $4  }
0xde: {  	[spmem:s5] =	stream.indirect.scatter.add.f32 [tilespmem:s17], [sflag:$0x7], $0x1, s2, s31, $0xb8;
	[tilespmem:$0x1A540] =	vst v63  }
0xdf: {  	_ =	swait.ge [sflag:s25], $0x80  }
0xe0: {  	[sflag:s25] =	ssyncset.done $0x0  }
0xe1: {  	[sflag:s25] =	ssyncadd.s32 $0xFFFFFF80  }
0xe2: {  	s16 =	sadd.s32 $0x180, s22  }
0xe3: {  	s22 =	sadd.s32 s9, s16  }
0xe4: {  	s23 =	sshrl.u32 s22, $0x3  }
0xe5: {  	s16 =	sadd.s32 s14, s16;
	s23 =	sadd.s32 s7, s23  }
0xe6: {  	[tilespmem:s31], [sflag:$0x4] =	stream.linear.gather [hbm4b:s23+s6], $0x80, $0x38;
	[tilespmem:$0x1A540] =	vst v63  }
.Ltmp6:
0xe7: {  	s16 =	sshrl.u32 s16, $0x3;
	(pc) =	sbr.rel .LBB2_4-.Ltmp6, $4  }
0xe8: {  	s30 =	sshll.u32 s22, $0x4;
	s16 =	sadd.s32 s1, s16  }
0xe9: {  	[tilespmem:s2], [sflag:$0x6] =	stream.linear.gather [hbm4b:s16+s6], $0x80, $0x38;
	[tilespmem:$0x1A540] =	vst v63  }
0xea: {  	s21 =	sadd.s32 $0x1, s21;
	s16 =	sadd.s32 s8, s30  }
0xeb: {  	[tilespmem:s29], [sflag:$0x6] =	stream.linear.gather [hbm4b:s16+s6], $0x4000, $0x38;
	[tilespmem:$0x1A540] =	vst v63  }
.LBB2_11:
0xec: {  	_ =	sfence.sel $0x180000  }
0xed: {  	[bflag:$0x0] =	sbarrier.arrive $0xFFFF  }
0xee: {  	_ =	strace $0x9000004A  }
0xef: {  	s0 =	stileid.u32;
	[bflag:$0x2] =	sbarrier.arrive $0xFFFF  }
0xf0: {  	p0 =	sne.s32 s0, $0x0;
	s0 =	rddreg [dreg:$0x6]  }
0xf1: {  	s0 =	sadd.s32 @!p0 $0x100000, s0  }
0xf2: {  	[sflag:s0] =	ssyncadd.tile.s32 @!p0 $0x1;
	_ =	shalt  }
.Lfunc_end2:
_tile_overlayer_lowered:
.L_overlay_start_2:
0xf3: {  	(tag) =	ssettag $0x2  }
0xf4: {  	s0 =	rddreg [dreg:$0x0];
	s2 =	stileid.u32  }
0xf5: {  	s1 =	rddreg [dreg:$0x1];
	p0 =	sne.s32 s2, $0x0  }
0xf6: {  	s3 =	rddreg [dreg:$0x2];
	[bflag:$0x3] =	sbarrier.arrive $0xFFFF;
	s2 =	simm.s32 @!p0 $0x1C07  }
0xf7: {  	[timem:s3], [sflag:s2] =	dma.local @!p0 [hbm:s0], s1  }
0xf8: {  	s0 =	simm.s32 @!p0 $0x7  }
0xf9: {  	_ =	swait.ge @!p0 [sflag:s0], s1  }
0xfa: {  	s1 =	ssub.s32 @!p0 $0x0, s1;
	[sflag:s0] =	ssyncset.done @!p0 $0x0  }
0xfb: {  	[sflag:s0] =	ssyncadd.s32 @!p0 s1  }
0xfc: {  	[bflag:$0x3] =	sbarrier.arrive $0xFFFF  }
0xfd: {  	_ =	shalt  }

// kernel: kernel.7.cloned.1.call-start
scs
__scs_entry_jumppad:
0x0: {  	(pc) =	sbr.rel $0x88, $3  }
0x1: {  	(tag) =	ssettag $0x0;
	lr =	simm.s32 $0x1  }
0x2: {  	[smem:$0x3F6E] =	sst lr;
	_ =	strace $0xD0000000  }
0x3: {  	_ = 	snop  }
0x4: {  	_ = 	snop  }
0x5: {  	_ = 	snop  }
0x6: {  	_ = 	snop  }
0x7: {  	_ = 	snop  }
__scs_overlays_trampoline_lowered:
0x8: {  	[smem:$0x3F7D] =	sst s0  }
0x9: {  	[smem:$0x3F7E] =	sst s1  }
0xa: {  	[smem:$0x3F7F] =	sst s2  }
0xb: {  	[smem:$0x3F80] =	sst s3  }
0xc: {  	[smem:$0x3F81] =	sst s4  }
0xd: {  	[smem:$0x3F82] =	sst s5  }
0xe: {  	[smem:$0x3F83] =	sst s6  }
0xf: {  	[smem:$0x3F84] =	sst s7  }
0x10: {  	[smem:$0x3F85] =	sst s8  }
0x11: {  	[smem:$0x3F86] =	sst s9;
	s0 =	simm.s32 @!p0 $0x0  }
0x12: {  	s1 =	sld [smem:$0x3F6C];
	s0 =	simm.s32 @p0 $0x1  }
0x13: {  	[smem:$0x3F87] =	sst s0;
	s0 =	simm.s32 @!p1 $0x0  }
0x14: {  	s2 =	sld [smem:$0x3F6B];
	s0 =	simm.s32 @p1 $0x1  }
0x15: {  	[smem:$0x3F88] =	sst s0;
	s0 =	simm.s32 @!p2 $0x0  }
0x16: {  	s3 =	sld [smem:$0x3FDB];
	s0 =	simm.s32 @p2 $0x1  }
0x17: {  	s4 =	simm.s32 $0x1BF5;
	[smem:$0x3F8A] =	sst s0  }
0x18: {  	s0 =	sld [smem:$0x3F6D];
	_ =	swait.ge [sflag:s4], $0x0  }
0x19: {  	s7 =	sld [smem:$0x3F6E]  }
0x1a: {  	s8 =	sadd.s32 $0xFFFFE003, lr  }
0x1b: {  	s9 =	sadd.s32 $0xFFFFFEF7, lr;
	s5 =	simm.s32 $0xFFFFFFFF;
	p2 =	slt.u32 s8, $0xFFFFF086  }
0x1c: {  	p1 =	slt.u32 s9, $0xF7A;
	s5 =	simm.s32 @!p2 $0x0  }
0x1d: {  	s5 =	simm.s32 @p1 $0x1;
	p0 =	seq.s32 s7, s2  }
0x1e: {  	s7 =	smul.u32 @!p0 $0xF7A, s2;
	p2 =	seq.s32 @!p0 s5, $0x0  }
0x1f: {  	s9 =	smul.u32 $0xF7A, s1;
	s8 =	simm.s32 @!p0 $0x1BF5;
	p2 =	por !p2, p0  }
0x20: {  	[sflag:s8] =	ssyncset.s32 @!p0 $0xFFFFF086;
	s6 =	sadd.s32 @!p0 s3, s7;
	s7 =	simm.s32 @!p0 $0x108  }
0x21: {  	s3 =	sadd.s32 s3, s9;
	s6 =	sadd.s32 @!p0 $0x88, s6;
	s7 =	simm.s32 @p2 $0x1082  }
0x22: {  	[simem:s7], [sflag:s8] =	dma.local @!p0 [hbm:s6], $0xF7A  }
0x23: {  	s9 =	sor.u32 $0xD0000000, s2;
	s6 =	simm.s32 $0x108;
	_ =	swait.ge @!p0 [sflag:s8], $0x0  }
0x24: {  	s3 =	sadd.s32 $0x88, s3;
	s6 =	simm.s32 @!p1 $0x1082;
	[sflag:s4] =	ssyncset.s32 $0xFFFFF086  }
0x25: {  	[simem:s6], [sflag:s4] =	dma.local [hbm:s3], $0xF7A  }
0x26: {  	[smem:$0x3F6E] =	sst s1;
	(tag) =	ssettag s2;
	_ =	strace s9  }
0x27: {  	s1 =	sld [smem:$0x3F7E]  }
0x28: {  	s2 =	sld [smem:$0x3F7F]  }
0x29: {  	s4 =	sld [smem:$0x3F81]  }
0x2a: {  	p0 =	seq.s32 s5, $0x0;
	s5 =	sld [smem:$0x3F82]  }
0x2b: {  	s6 =	sld [smem:$0x3F83]  }
0x2c: {  	s7 =	sld [smem:$0x3F84]  }
0x2d: {  	s3 =	simm.s32 $0x108;
	s8 =	sld [smem:$0x3F85]  }
0x2e: {  	s3 =	simm.s32 @!p0 $0x1082;
	s9 =	sld [smem:$0x3F86]  }
0x2f: {  	lr =	sadd.s32 s0, s3;
	s0 =	sld [smem:$0x3F7D]  }
0x30: {  	s3 =	sld [smem:$0x3F80]  }
0x31: {  	[smem:$0x3F89] =	sst s10  }
0x32: {  	s10 =	sld [smem:$0x3F87];
	_ =	sdelay $0x3  }
0x33: {  	p0 =	seq.s32 s10, $0x1;
	s10 =	sld [smem:$0x3F89];
	_ =	sdelay $0x3  }
0x34: {  	[smem:$0x3F89] =	sst s10  }
0x35: {  	s10 =	sld [smem:$0x3F88];
	_ =	sdelay $0x3  }
0x36: {  	p1 =	seq.s32 s10, $0x1;
	s10 =	sld [smem:$0x3F89];
	_ =	sdelay $0x3  }
0x37: {  	[smem:$0x3F89] =	sst s10  }
0x38: {  	s10 =	sld [smem:$0x3F8A]  }
0x39: {  	_ = 	snop;
	(pc) =	sbr.ind lr, $3  }
0x3a: {  	_ = 	snop  }
0x3b: {  	_ = 	snop  }
0x3c: {  	p2 =	seq.s32 s10, $0x1;
	s10 =	sld [smem:$0x3F89]  }
0x3d: {  	_ =	shalt  }
0x3e: {  	_ =	shalt  }
0x3f: {  	_ =	shalt  }
0x40: {  	_ =	shalt  }
0x41: {  	_ =	shalt  }
0x42: {  	_ =	shalt  }
0x43: {  	_ =	shalt  }
0x44: {  	_ =	shalt  }
0x45: {  	_ =	shalt  }
0x46: {  	_ =	shalt  }
0x47: {  	_ =	shalt  }
0x48: {  	_ =	shalt  }
0x49: {  	_ =	shalt  }
0x4a: {  	_ =	shalt  }
0x4b: {  	_ =	shalt  }
0x4c: {  	_ =	shalt  }
0x4d: {  	_ =	shalt  }
0x4e: {  	_ =	shalt  }
0x4f: {  	_ =	shalt  }
0x50: {  	_ =	shalt  }
0x51: {  	_ =	shalt  }
0x52: {  	_ =	shalt  }
0x53: {  	_ =	shalt  }
0x54: {  	_ =	shalt  }
0x55: {  	_ =	shalt  }
0x56: {  	_ =	shalt  }
0x57: {  	_ =	shalt  }
0x58: {  	_ =	shalt  }
0x59: {  	_ =	shalt  }
0x5a: {  	_ =	shalt  }
0x5b: {  	_ =	shalt  }
0x5c: {  	_ =	shalt  }
0x5d: {  	_ =	shalt  }
0x5e: {  	_ =	shalt  }
0x5f: {  	_ =	shalt  }
0x60: {  	_ =	shalt  }
0x61: {  	_ =	shalt  }
0x62: {  	_ =	shalt  }
0x63: {  	_ =	shalt  }
0x64: {  	_ =	shalt  }
0x65: {  	_ =	shalt  }
0x66: {  	_ =	shalt  }
0x67: {  	_ =	shalt  }
0x68: {  	_ =	shalt  }
0x69: {  	_ =	shalt  }
0x6a: {  	_ =	shalt  }
0x6b: {  	_ =	shalt  }
0x6c: {  	_ =	shalt  }
0x6d: {  	_ =	shalt  }
0x6e: {  	_ =	shalt  }
0x6f: {  	_ =	shalt  }
0x70: {  	_ =	shalt  }
0x71: {  	_ =	shalt  }
0x72: {  	_ =	shalt  }
0x73: {  	_ =	shalt  }
0x74: {  	_ =	shalt  }
0x75: {  	_ =	shalt  }
0x76: {  	_ =	shalt  }
0x77: {  	_ =	shalt  }
0x78: {  	_ =	shalt  }
0x79: {  	_ =	shalt  }
0x7a: {  	_ =	shalt  }
0x7b: {  	_ =	shalt  }
0x7c: {  	_ =	shalt  }
0x7d: {  	_ =	shalt  }
0x7e: {  	_ =	shalt  }
0x7f: {  	_ =	shalt  }
0x80: {  	_ =	shalt  }
0x81: {  	_ =	shalt  }
0x82: {  	_ =	shalt  }
0x83: {  	_ =	shalt  }
0x84: {  	_ =	shalt  }
0x85: {  	_ =	shalt  }
0x86: {  	_ =	shalt  }
0x87: {  	_ =	shalt  }
.Lfunc_end0:
.L_simem_size_0:
called_computation_lowered:
.L_overlay_start_0:
0x88: {  	s2 =	sld [smem:$0x3FD9]  }
0x89: {  	s3 =	sld [smem:$0x3FFE];
	_ =	sdelay $0x1  }
0x8a: {  	s1 =	srdreg.scid  }
0x8b: {  	s0 =	sand.u32 $0x1, s1  }
0x8c: {  	s14 =	sshll.u32 s0, $0xA;
	s2 =	sadd.s32 s3, s2  }
0x8d: {  	s2 =	sadd.s32 s2, s14  }
0x8e: {  	[smem:$0x3F95] =	sst s2  }
0x8f: {  	_ = 	snop  }
0x90: {  	s2 =	sld [smem:$0x3FD0];
	_ =	sdelay $0x2  }
0x91: {  	s15 =	simm.s32 $0xA;
	s4 =	simm.s32 $0x10  }
0x92: {  	[smem:s4], [sflag:s15] =	dma.local [hbm:s2], $0x1  }
0x93: {  	_ =	swait.eq [sflag:s15], $0x1  }
0x94: {  	s16 =	sld [smem:$0x11]  }
0x95: {  	s17 =	sld [smem:$0x12];
	[sflag:s15] =	ssyncset.done $0x0  }
0x96: {  	s5 =	sld [smem:$0x14];
	[sflag:s15] =	ssyncadd.s32 $0xFFFFFFFF  }
0x97: {  	s18 =	sld [smem:$0x15];
	(tm) =	ssettm $0x1  }
0x98: {  	s6 =	sld [smem:$0x3FFB];
	_ =	sdelay $0x3  }
0x99: {  	_ =	strace s6  }
0x9a: {  	s6 =	sld [smem:$0x3FFC];
	_ =	sdelay $0x3  }
0x9b: {  	_ =	strace s6  }
0x9c: {  	s6 =	sld [smem:$0x3FFD];
	_ =	sdelay $0x3  }
0x9d: {  	_ =	strace s6  }
0x9e: {  	_ =	strace $0x8FFFFFFF  }
0x9f: {  	s19 =	sld [smem:$0x3FDB];
	_ =	sdelay $0x1  }
0xa0: {  	s7 =	simm.s32 $_scs_section_size  }
0xa1: {  	s8 =	simm.s32 $_size__tile_overlayer_lowered;
	s9 =	simm.s32 $_tile_overlayer_lowered  }
0xa2: {  	s22 =	simm.s32 $0x1BFF;
	s21 =	sshll.u32 s9, $0x1;
	s6 =	sadd.s32 s7, s19  }
0xa3: {  	s10 =	simm.s32 $0x0;
	s20 =	sshll.u32 s8, $0x1;
	s8 =	sadd.s32 s21, s6  }
0xa4: {  	[timem:s10], [sflag:s22] =	dma.local [hbm:s8], s20  }
0xa5: {  	_ =	swait.ge [sflag:s22], s20  }
0xa6: {  	s7 =	ssub.s32 $0x0, s20;
	[sflag:s22] =	ssyncset.done $0x0  }
0xa7: {  	[sflag:s22] =	ssyncadd.s32 s7;
	_ =	sdelay $0x1  }
0xa8: {  	s23 =	simm.s32 $0x1B8B  }
0xa9: {  	_ =	swait.ge [sflag:s23], $0x1  }
0xaa: {  	[sflag:s23] =	ssyncset.done $0x0  }
0xab: {  	s25 =	simm.s32 $0x1B8E;
	s24 =	sld [smem:$0x3FFE];
	[sflag:s23] =	ssyncadd.s32 $0xFFFFFFFF  }
0xac: {  	s26 =	simm.s32 $execute0_lowered;
	[smem:$0x3FD2] =	sst s25  }
0xad: {  	s8 =	sshll.u32 s26, $0x1;
	_ =	strace $0x80000046;
	[dreg:$0x1] =	wrdreg $0xFFFFFFFF  }
0xae: {  	s28 =	simm.s32 $_size_execute0_lowered;
	s6 =	sadd.s32 s6, s8;
	[dreg:$0x0] =	wrdreg $0x0  }
0xaf: {  	s8 =	sshll.u32 s28, $0x1;
	[dreg:$0x2] =	wrdreg s6  }
0xb0: {  	[dreg:$0x3] =	wrdreg s8  }
0xb1: {  	[dreg:$0x4] =	wrdreg $0xC0  }
0xb2: {  	_ =	task [dreg:s10], $0x5FFFF  }
0xb3: {  	[dreg:$0x1] =	wrdreg $0xFFFFFFFF  }
0xb4: {  	[dreg:$0x0] =	wrdreg $0x60  }
0xb5: {  	[dreg:$0x2] =	wrdreg s17  }
0xb6: {  	[dreg:$0x3] =	wrdreg s18  }
0xb7: {  	[dreg:$0x4] =	wrdreg s16  }
0xb8: {  	[dreg:$0x5] =	wrdreg s24  }
0xb9: {  	[dreg:$0x6] =	wrdreg s5  }
0xba: {  	[dreg:$0x7] =	wrdreg $0x104000  }
0xbb: {  	[dreg:$0x8] =	wrdreg $0x1A4000  }
0xbc: {  	[dreg:$0x9] =	wrdreg $0x9  }
0xbd: {  	_ =	task.clear_ibuf [dreg:s10], $0xAFFFF;
	_ =	strace $0x90000046  }
0xbe: {  	s29 =	simm.s32 $0x9;
	_ =	strace $0x80000048  }
0xbf: {  	_ =	swait.ge [sflag:s29], $0x1  }
0xc0: {  	[sflag:s29] =	ssyncadd.s32 $0xFFFFFFFF  }
0xc1: {  	_ =	strace $0x90000048  }
0xc2: {  	_ =	sfence  }
0xc3: {  	s30 =	sld [smem:$0x0];
	_ =	sdelay $0x2  }
0xc4: {  	s31 =	sshll.u32 s1, $0xD;
	s1 =	sshrl.u32 s1, $0x2  }
0xc5: {  	s3 =	sand.u32 $0x4000, s31;
	s1 =	sadd.s32 s1, s30  }
0xc6: {  	s0 =	sor.u32 s3, s0;
	s1 =	sshll.u32 s1, $0x11  }
0xc7: {  	s0 =	sor.u32 s1, s0  }
0xc8: {  	s0 =	sadd.s32 $0x8F2B, s0  }
0xc9: {  	[sflag:s0] =	ssyncadd.remote.s32 $0x1  }
0xca: {  	_ =	sfence.sel $0xFFFF  }
0xcb: {  	[dreg:$0x0] =	wrdreg $0xFFFFFFFF;
	(pc) =	sbr.abs _section_cstart, $3  }
0xcc: {  	[dreg:$0x1] =	wrdreg $0xFFFFFFFF  }
0xcd: {  	_ =	task.clear_ibuf [dreg:s10], $0x2FFFF;
	_ =	strace $0x9FFFFFFF  }
0xce: {  	(tm) =	ssettm $0x7FFFFFFF  }
0xcf: {  	_ =	shalt  }
tec
execute0_lowered:
.L_overlay_start_1:
0x0: {  	(tag) =	ssettag $0x1  }
0x1: {  	s0 =	rddreg [dreg:$0x0]  }
0x2: {  	s1 =	rddreg [dreg:$0x1]  }
0x3: {  	s3 =	rddreg [dreg:$0x2]  }
0x4: {  	s2 =	rddreg [dreg:$0x3]  }
0x5: {  	s6 =	rddreg [dreg:$0x4]  }
0x6: {  	s4 =	rddreg [dreg:$0x5]  }
0x7: {  	s5 =	rddreg [dreg:$0x6];
	s15 =	stileid.u32  }
0x8: {  	s7 =	srdreg.scid;
	s10 =	smul.u32 $0xA000, s15  }
0x9: {  	s28 =	simm.s32 $0x100;
	s31 =	simm.s32 $0x80;
	s18 =	smul.u32 $0x28000, s15  }
0xa: {  	s11 =	sand.u32 $0x1, s7;
	s17 =	sshll.u32 s15, $0x1;
	s15 =	smul.u32 $0x140, s15  }
0xb: {  	s29 =	simm.s32 $0x4200;
	s7 =	simm.s32 $0x0;
	s9 =	smul.u32 $0xA0000, s11  }
0xc: {  	s8 =	sadd.s32 $0x12400, s2;
	[smem:$0x7FF] =	sst s7;
	s19 =	smul.u32 $0x50000, s11  }
0xd: {  	s12 =	sor.u32 s11, s17;
	s13 =	ssub.s32 $0x2, s11;
	s11 =	smul.u32 $0x1400, s11  }
0xe: {  	_ =	strace $0x80000047;
	s14 =	sshrl.u32 s13, $0x1;
	s9 =	sadd.s32 s10, s9  }
0xf: {  	s10 =	sshrl.u32 s18, $0x2;
	s16 =	ssub.s32 s13, s14;
	s13 =	sadd.s32 s15, s5  }
0x10: {  	s11 =	sadd.s32 s15, s11;
	s15 =	simm.s32 $0x5;
	s9 =	sshrl.u32 s9, $0x3  }
0x11: {  	s10 =	sadd.s32 s10, s4;
	s11 =	sshrl.u32 s11, $0x3;
	s30 =	smax.u32 s16, $0x1  }
0x12: {  	s2 =	sadd.s32 s9, s2;
	s9 =	smul.u32 $0x2800, s12;
	s20 =	sadd.s32 $0x4000, s10  }
0x13: {  	s21 =	sadd.s32 $0x8000, s10;
	s12 =	smul.u32 $0x28000, s12;
	[dreg:$0x12] =	wrdreg s30  }
0x14: {  	s26 =	sadd.s32 s6, s11;
	s6 =	simm.s32 $0x4;
	[dreg:$0x8] =	wrdreg s20  }
0x15: {  	s11 =	simm.s32 $0xC200;
	[dreg:$0x9] =	wrdreg s21;
	s2 =	sadd.s32 $0x512400, s2  }
0x16: {  	[dreg:$0x11] =	wrdreg s26;
	s20 =	simm.s32 $0x0;
	s14 =	sadd.s32 s19, s9  }
0x17: {  	s17 =	sshrl.u32 s9, $0x3;
	s19 =	sor.u32 $0x80, s9;
	s12 =	sadd.s32 s8, s12  }
0x18: {  	[dreg:$0x10] =	wrdreg s2;
	s2 =	simm.s32 $0x180;
	s18 =	sshrl.u32 s14, $0x3  }
0x19: {  	s17 =	sadd.s32 s1, s17;
	s22 =	sshrl.u32 s19, $0x3;
	[dreg:$0xc] =	wrdreg s12  }
0x1a: {  	s25 =	sshll.u32 s19, $0x4;
	s19 =	simm.s32 $0x6;
	[dreg:$0xa] =	wrdreg s17  }
.Ltmp0:
0x1b: {  	s18 =	sadd.s32 s3, s18;
	s23 =	sadd.s32 s1, s22;
	(pc) =	sbr.rel .LBB2_1-.Ltmp0, $4  }
0x1c: {  	s12 =	sadd.s32 s8, s25;
	s25 =	simm.s32 $0x7;
	[dreg:$0xd] =	wrdreg s23  }
0x1d: {  	s22 =	simm.s32 $0x10280;
	s17 =	simm.s32 $0x10200;
	[dreg:$0xb] =	wrdreg s18  }
0x1e: {  	s24 =	sadd.s32 $0x10, s18;
	[dreg:$0xf] =	wrdreg s12;
	s12 =	simm.s32 $0x1  }
0x1f: {  	v0 =	vimm.f32 $0.0e+00;
	v1 =	vimm.f32 $1.000000000e+00;
	s18 =	simm.s32 $0x2;
	[dreg:$0xe] =	wrdreg s24;
	s24 =	simm.s32 $0x8200  }
.LBB2_10:
0x20: {  	s16 =	stileid.u32  }
0x21: {  	[bflag:$0x0] =	sbarrier.arrive $0xFFFF;
	s16 =	sshll.u32 s16, $0x6  }
0x22: {  	s21 =	sshrl.u32 s10, $0x3;
	s22 =	rddreg [dreg:$0x10];
	s16 =	sor.u32 $0x1C07, s16  }
0x23: {  	[hbm:s22], [sflag:s16] =	dma.local [spmem:s21], $0x1400  }
0x24: {  	_ =	swait.ge [sflag:s25], $0x1400  }
0x25: {  	[sflag:s25] =	ssyncset.done $0x0  }
0x26: {  	s22 =	simm.s32 $0x10280;
	[sflag:s25] =	ssyncadd.s32 $0xFFFFEC00  }
0x27: {  	[tilespmem:s22], [sflag:$0x7] =	stream.linear.gather [spmem:s13], $0x140, $0x38;
	[tilespmem:$0x1A540] =	vst v63  }
0x28: {  	_ =	swait.ge [sflag:s25], $0x140  }
0x29: {  	[sflag:s25] =	ssyncset.done $0x0  }
0x2a: {  	s26 =	rddreg [dreg:$0x11];
	[sflag:s25] =	ssyncadd.s32 $0xFFFFFEC0  }
0x2b: {  	[hbm4b:s26+s7] =	stream.linear.scatter [tilespmem:s22], [sflag:$0x7], $0x140, $0x38;
	[tilespmem:$0x1A540] =	vst v63  }
0x2c: {  	_ =	swait.ge [sflag:s25], $0x140  }
0x2d: {  	s20 =	sadd.s32 $0x1, s20;
	s30 =	rddreg [dreg:$0x12]  }
0x2e: {  	p0 =	sne.s32 s20, s30  }
.Ltmp1:
0x2f: {  	_ = 	snop;
	(pc) =	sbr.rel @!p0 .LBB2_11-.Ltmp1, $3  }
0x30: {  	_ =	sdelay $0x1  }
0x31: {  	[sflag:s25] =	ssyncset.done $0x0  }
0x32: {  	[sflag:s25] =	ssyncadd.s32 $0xFFFFFEC0  }
.LBB2_1:
0x33: {  	s16 =	simm.s32 $0x0;
	s21 =	simm.s32 $0x200  }
.LBB2_2:
0x34: {  	p0 =	sne.s32 s21, $0xFE00;
	[tilespmem:s16+$0x8270] =	vst v0  }
0x35: {  	[tilespmem:s16+$0x8200] =	vst v0  }
0x36: {  	[tilespmem:s16+$0x8210] =	vst v0  }
.Ltmp2:
0x37: {  	[tilespmem:s16+$0x8220] =	vst v0;
	(pc) =	sbr.rel @p0 .LBB2_2-.Ltmp2, $4  }
0x38: {  	[tilespmem:s16+$0x8230] =	vst v0  }
0x39: {  	[tilespmem:s16+$0x8240] =	vst v0  }
0x3a: {  	[tilespmem:s16+$0x8250] =	vst v0  }
0x3b: {  	[tilespmem:s16+$0x8260] =	vst v0;
	s16 =	sshra.s32 s21, $0x2;
	s21 =	sadd.s32 $0x200, s21  }
0x3c: {  	[tilespmem:s16+$0x8270] =	vst v0  }
0x3d: {  	[tilespmem:s16+$0x8200] =	vst v0  }
0x3e: {  	[tilespmem:s16+$0x8210] =	vst v0  }
0x3f: {  	[tilespmem:s16+$0x8220] =	vst v0  }
0x40: {  	[tilespmem:s16+$0x8230] =	vst v0  }
0x41: {  	[tilespmem:s16+$0x8240] =	vst v0  }
0x42: {  	[tilespmem:s16+$0x8250] =	vst v0  }
0x43: {  	[tilespmem:s16+$0x8260] =	vst v0  }
0x44: {  	[tilespmem:$0x10280] =	vst v0  }
0x45: {  	[tilespmem:$0x10290] =	vst v0  }
0x46: {  	[tilespmem:$0x102A0] =	vst v0  }
0x47: {  	[tilespmem:$0x102B0] =	vst v0  }
0x48: {  	[tilespmem:$0x102C0] =	vst v0  }
0x49: {  	[tilespmem:$0x102D0] =	vst v0  }
0x4a: {  	[tilespmem:$0x102E0] =	vst v0  }
0x4b: {  	[tilespmem:$0x102F0] =	vst v0  }
0x4c: {  	[tilespmem:$0x10300] =	vst v0  }
0x4d: {  	[tilespmem:$0x10310] =	vst v0  }
0x4e: {  	[tilespmem:$0x10320] =	vst v0  }
0x4f: {  	[tilespmem:$0x10330] =	vst v0  }
0x50: {  	[tilespmem:$0x10340] =	vst v0  }
0x51: {  	[tilespmem:$0x10350] =	vst v0  }
0x52: {  	[tilespmem:$0x10360] =	vst v0  }
0x53: {  	[tilespmem:$0x10370] =	vst v0  }
0x54: {  	[tilespmem:$0x10380] =	vst v0  }
0x55: {  	[tilespmem:$0x10390] =	vst v0  }
0x56: {  	[tilespmem:$0x103A0] =	vst v0  }
0x57: {  	[tilespmem:$0x103B0] =	vst v0  }
0x58: {  	[tilespmem:$0x10200] =	vst v1  }
0x59: {  	[tilespmem:$0x10210] =	vst v1  }
0x5a: {  	[tilespmem:$0x10220] =	vst v1  }
0x5b: {  	[tilespmem:$0x10230] =	vst v1  }
0x5c: {  	[tilespmem:$0x10240] =	vst v1  }
0x5d: {  	[tilespmem:$0x10250] =	vst v1  }
0x5e: {  	[tilespmem:$0x10260] =	vst v1  }
0x5f: {  	[tilespmem:$0x10270] =	vst v1  }
0x60: {  	[spmem:s10] =	stream.linear.scatter [tilespmem:s24], [sflag:$0x7], $0x4000, $0x38;
	[tilespmem:$0x1A540] =	vst v63  }
0x61: {  	_ =	swait.ge [sflag:s25], $0x4000  }
0x62: {  	[sflag:s25] =	ssyncset.done $0x0  }
0x63: {  	s30 =	rddreg [dreg:$0x8];
	[sflag:s25] =	ssyncadd.s32 $0xFFFFC000  }
0x64: {  	[spmem:s30] =	stream.linear.scatter [tilespmem:s24], [sflag:$0x7], $0x4000, $0x38;
	[tilespmem:$0x1A540] =	vst v63  }
0x65: {  	_ =	swait.ge [sflag:s25], $0x4000  }
0x66: {  	[sflag:s25] =	ssyncset.done $0x0  }
0x67: {  	s21 =	rddreg [dreg:$0x9];
	[sflag:s25] =	ssyncadd.s32 $0xFFFFC000  }
0x68: {  	[spmem:s21] =	stream.linear.scatter [tilespmem:s24], [sflag:$0x7], $0x2000, $0x38;
	[tilespmem:$0x1A540] =	vst v63  }
0x69: {  	_ =	swait.ge [sflag:s25], $0x2000  }
0x6a: {  	[sflag:s25] =	ssyncset.done $0x0  }
0x6b: {  	[sflag:s25] =	ssyncadd.s32 $0xFFFFE000  }
0x6c: {  	[spmem:s13] =	stream.linear.scatter [tilespmem:s22], [sflag:$0x7], $0x140, $0x38;
	[tilespmem:$0x1A540] =	vst v63  }
0x6d: {  	_ =	swait.ge [sflag:s25], $0x140  }
0x6e: {  	[sflag:s25] =	ssyncset.done $0x0  }
0x6f: {  	[sflag:s25] =	ssyncadd.s32 $0xFFFFFEC0  }
0x70: {  	[bflag:$0x0] =	sbarrier.arrive $0xFFFF  }
0x71: {  	s21 =	simm.s32 $0x0;
	s22 =	rddreg [dreg:$0xa]  }
0x72: {  	[tilespmem:s21], [sflag:$0x3] =	stream.linear.gather [hbm4b:s22+s21], $0x80, $0x38;
	[tilespmem:$0x1A540] =	vst v63  }
0x73: {  	s23 =	rddreg [dreg:$0xb]  }
0x74: {  	[tilespmem:s28], [sflag:$0x5] =	stream.linear.gather [hbm4b:s23+s21], $0x80, $0x38;
	[tilespmem:$0x1A540] =	vst v63  }
0x75: {  	s30 =	simm.s32 $0x200;
	s26 =	rddreg [dreg:$0xc];
	s22 =	simm.s32 $0x3  }
0x76: {  	[tilespmem:s30], [sflag:$0x5] =	stream.linear.gather [hbm4b:s26+s21], $0x4000, $0x38;
	[tilespmem:$0x1A540] =	vst v63  }
0x77: {  	_ =	swait.ge [sflag:s22], $0x80  }
0x78: {  	[sflag:s22] =	ssyncset.done $0x0  }
0x79: {  	[sflag:s22] =	ssyncadd.s32 $0xFFFFFF80  }
0x7a: {  	[tilespmem:s24], [sflag:$0x1] =	stream.indirect.gather [hbm4b:s0+s31], $0x80, s21, s31, $0xb8;
	[tilespmem:$0x1A540] =	vst v63  }
0x7b: {  	s23 =	rddreg [dreg:$0xd]  }
0x7c: {  	[tilespmem:s31], [sflag:$0x4] =	stream.linear.gather [hbm4b:s23+s21], $0x80, $0x38;
	[tilespmem:$0x1A540] =	vst v63  }
0x7d: {  	s26 =	rddreg [dreg:$0xe]  }
0x7e: {  	[tilespmem:s2], [sflag:$0x6] =	stream.linear.gather [hbm4b:s26+s21], $0x80, $0x38;
	[tilespmem:$0x1A540] =	vst v63  }
0x7f: {  	s30 =	rddreg [dreg:$0xf]  }
0x80: {  	[tilespmem:s29], [sflag:$0x6] =	stream.linear.gather [hbm4b:s30+s21], $0x4000, $0x38;
	[tilespmem:$0x1A540] =	vst v63  }
.LBB2_4:
0x81: {  	_ =	swait.ge [sflag:s6], $0x80  }
0x82: {  	[sflag:s6] =	ssyncset.done $0x0  }
0x83: {  	[sflag:s6] =	ssyncadd.s32 $0xFFFFFF80  }
0x84: {  	[tilespmem:s11], [sflag:$0x2] =	stream.indirect.gather [hbm4b:s0+s31], $0x80, s31, s31, $0xb8;
	[tilespmem:$0x1A540] =	vst v63  }
0x85: {  	_ =	swait.ge [sflag:s12], $0x4000  }
0x86: {  	[sflag:s12] =	ssyncset.done $0x0  }
0x87: {  	[sflag:s12] =	ssyncadd.s32 $0xFFFFC000  }
0x88: {  	_ =	swait.ge [sflag:s15], $0x80  }
0x89: {  	[sflag:s15] =	ssyncset.done $0x0  }
0x8a: {  	[sflag:s15] =	ssyncadd.s32 $0xFFFFFF80  }
0x8b: {  	_ =	swait.ge [sflag:s15], $0x4000  }
0x8c: {  	[sflag:s15] =	ssyncset.done $0x0  }
0x8d: {  	s22 =	simm.s32 $0x0;
	[sflag:s15] =	ssyncadd.s32 $0xFFFFC000  }
0x8e: {  	v2 =	vld [tilespmem:s22+$0x200]  }
0x8f: {  	v6 =	vld [tilespmem:s22+$0x8200]  }
0x90: {  	v8 =	vld [tilespmem:s22+$0x8210]  }
0x91: {  	v7 =	vld [tilespmem:s22+$0x8220]  }
0x92: {  	v5 =	vld [tilespmem:s22+$0x8230]  }
0x93: {  	v3 =	vld [tilespmem:s22+$0x8240]  }
0x94: {  	v4 =	vld [tilespmem:s22+$0x8250];
	v9 =	vmul.f32 v6, v2  }
0x95: {  	s23 =	simm.s32 $0x200;
	v8 =	vmul.f32 v8, v2;
	v6 =	vld [tilespmem:s22+$0x8260]  }
.LBB2_5:
0x96: {  	s16 =	sshra.s32 s23, $0x2;
	p0 =	sne.s32 s23, $0xFE00;
	[tilespmem:s22+$0x8200] =	vst v9;
	v7 =	vmul.f32 v7, v2;
	v9 =	vld [tilespmem:s22+$0x8270]  }
0x97: {  	v10 =	vld [tilespmem:s16+$0x200];
	[tilespmem:s22+$0x8210] =	vst v8;
	v5 =	vmul.f32 v5, v2  }
0x98: {  	v8 =	vld [tilespmem:s16+$0x8200];
	[tilespmem:s22+$0x8220] =	vst v7;
	v3 =	vmul.f32 v3, v2  }
0x99: {  	v11 =	vld [tilespmem:s16+$0x8210];
	[tilespmem:s22+$0x8230] =	vst v5;
	v4 =	vmul.f32 v4, v2  }
.Ltmp3:
0x9a: {  	v7 =	vld [tilespmem:s16+$0x8220];
	[tilespmem:s22+$0x8240] =	vst v3;
	v6 =	vmul.f32 v6, v2;
	(pc) =	sbr.rel @p0 .LBB2_5-.Ltmp3, $4  }
0x9b: {  	v5 =	vld [tilespmem:s16+$0x8230];
	[tilespmem:s22+$0x8250] =	vst v4;
	v12 =	vmul.f32 v9, v2  }
0x9c: {  	v3 =	vld [tilespmem:s16+$0x8240];
	[tilespmem:s22+$0x8260] =	vst v6;
	v2 =	vmov v10  }
0x9d: {  	v9 =	vmul.f32 v8, v2;
	v4 =	vld [tilespmem:s16+$0x8250];
	[tilespmem:s22+$0x8270] =	vst v12;
	s22 =	smov.u32 s16  }
0x9e: {  	s23 =	sadd.s32 $0x200, s23;
	v8 =	vmul.f32 v11, v2;
	v6 =	vld [tilespmem:s22+$0x8260]  }
0x9f: {  	[tilespmem:s22+$0x8200] =	vst v9;
	v7 =	vmul.f32 v7, v2;
	v9 =	vld [tilespmem:s22+$0x8270]  }
0xa0: {  	[tilespmem:s22+$0x8210] =	vst v8;
	v5 =	vmul.f32 v5, v2  }
0xa1: {  	[tilespmem:s22+$0x8220] =	vst v7;
	v3 =	vmul.f32 v3, v2  }
0xa2: {  	[tilespmem:s22+$0x8230] =	vst v5;
	v4 =	vmul.f32 v4, v2  }
0xa3: {  	[tilespmem:s22+$0x8240] =	vst v3;
	v3 =	vmul.f32 v6, v2  }
0xa4: {  	[tilespmem:s22+$0x8250] =	vst v4;
	v2 =	vmul.f32 v9, v2  }
0xa5: {  	[tilespmem:s22+$0x8260] =	vst v3  }
0xa6: {  	[tilespmem:s22+$0x8270] =	vst v2  }
0xa7: {  	[spmem:s4] =	stream.indirect.scatter.add.f32 [tilespmem:s24], [sflag:$0x7], $0x80, s28, s31, $0xb8;
	[tilespmem:$0x1A540] =	vst v63  }
0xa8: {  	_ =	swait.ge [sflag:s25], $0x4000  }
0xa9: {  	p0 =	seq.s32 s21, $0x27;
	s22 =	sshll.u32 s21, $0x8;
	[sflag:s25] =	ssyncset.done $0x0  }
0xaa: {  	s16 =	sadd.s32 @!p0 $0x100, s22;
	[sflag:s25] =	ssyncadd.s32 $0xFFFFC000  }
0xab: {  	[spmem:s5] =	stream.indirect.scatter.add.f32 [tilespmem:s17], [sflag:$0x7], $0x1, s28, s31, $0xb8;
	[tilespmem:$0x1A540] =	vst v63  }
0xac: {  	s30 =	simm.s32 @!p0 $0x0;
	s23 =	sadd.s32 @!p0 s9, s16;
	_ =	swait.ge [sflag:s25], $0x80  }
0xad: {  	s16 =	sadd.s32 @!p0 s14, s16;
	s26 =	sshrl.u32 @!p0 s23, $0x3;
	[sflag:s25] =	ssyncset.done $0x0  }
0xae: {  	s16 =	sshrl.u32 @!p0 s16, $0x3;
	s26 =	sadd.s32 @!p0 s1, s26;
	[sflag:s25] =	ssyncadd.s32 $0xFFFFFF80  }
0xaf: {  	[tilespmem:s30], [sflag:$0x3] =	stream.linear.gather @!p0 [hbm4b:s26+s30], $0x80, $0x38;
	[tilespmem:$0x1A540] =	vst v63  }
0xb0: {  	s16 =	sadd.s32 @!p0 s3, s16;
	s26 =	simm.s32 @!p0 $0x100  }
0xb1: {  	[tilespmem:s26], [sflag:$0x5] =	stream.linear.gather @!p0 [hbm4b:s16+s30], $0x80, $0x38;
	[tilespmem:$0x1A540] =	vst v63  }
0xb2: {  	s16 =	sshll.u32 @!p0 s23, $0x4  }
0xb3: {  	s23 =	simm.s32 @!p0 $0x200;
	s16 =	sadd.s32 @!p0 s8, s16  }
0xb4: {  	[tilespmem:s23], [sflag:$0x5] =	stream.linear.gather @!p0 [hbm4b:s16+s30], $0x4000, $0x38;
	[tilespmem:$0x1A540] =	vst v63  }
0xb5: {  	s16 =	simm.s32 @!p0 $0x3  }
0xb6: {  	_ =	swait.ge @!p0 [sflag:s16], $0x80  }
0xb7: {  	[sflag:s16] =	ssyncset.done @!p0 $0x0  }
0xb8: {  	s23 =	simm.s32 @!p0 $0x8200;
	[sflag:s16] =	ssyncadd.s32 @!p0 $0xFFFFFF80;
	s16 =	simm.s32 @!p0 $0x80  }
0xb9: {  	[tilespmem:s23], [sflag:$0x1] =	stream.indirect.gather @!p0 [hbm4b:s0+s16], $0x80, s30, s16, $0xb8;
	[tilespmem:$0x1A540] =	vst v63  }
0xba: {  	_ =	swait.ge [sflag:s18], $0x4000  }
0xbb: {  	[sflag:s18] =	ssyncset.done $0x0  }
0xbc: {  	[sflag:s18] =	ssyncadd.s32 $0xFFFFC000  }
0xbd: {  	_ =	swait.ge [sflag:s19], $0x80  }
0xbe: {  	[sflag:s19] =	ssyncset.done $0x0  }
0xbf: {  	[sflag:s19] =	ssyncadd.s32 $0xFFFFFF80  }
0xc0: {  	_ =	swait.ge [sflag:s19], $0x4000  }
0xc1: {  	[sflag:s19] =	ssyncset.done $0x0  }
0xc2: {  	s23 =	simm.s32 $0x0;
	[sflag:s19] =	ssyncadd.s32 $0xFFFFC000  }
0xc3: {  	v2 =	vld [tilespmem:s23+$0x4200]  }
0xc4: {  	v6 =	vld [tilespmem:s23+$0xC200]  }
0xc5: {  	v8 =	vld [tilespmem:s23+$0xC210]  }
0xc6: {  	v7 =	vld [tilespmem:s23+$0xC220]  }
0xc7: {  	v5 =	vld [tilespmem:s23+$0xC230]  }
0xc8: {  	v3 =	vld [tilespmem:s23+$0xC240]  }
0xc9: {  	v4 =	vld [tilespmem:s23+$0xC250];
	v9 =	vmul.f32 v6, v2  }
0xca: {  	s16 =	simm.s32 $0x200;
	v8 =	vmul.f32 v8, v2;
	v6 =	vld [tilespmem:s23+$0xC260]  }
.LBB2_7:
0xcb: {  	s26 =	sshra.s32 s16, $0x2;
	p1 =	sne.s32 s16, $0xFE00;
	[tilespmem:s23+$0xC200] =	vst v9;
	v7 =	vmul.f32 v7, v2;
	v9 =	vld [tilespmem:s23+$0xC270]  }
0xcc: {  	v10 =	vld [tilespmem:s26+$0x4200];
	[tilespmem:s23+$0xC210] =	vst v8;
	v5 =	vmul.f32 v5, v2  }
0xcd: {  	v8 =	vld [tilespmem:s26+$0xC200];
	[tilespmem:s23+$0xC220] =	vst v7;
	v3 =	vmul.f32 v3, v2  }
0xce: {  	v11 =	vld [tilespmem:s26+$0xC210];
	[tilespmem:s23+$0xC230] =	vst v5;
	v4 =	vmul.f32 v4, v2  }
.Ltmp4:
0xcf: {  	v7 =	vld [tilespmem:s26+$0xC220];
	[tilespmem:s23+$0xC240] =	vst v3;
	v6 =	vmul.f32 v6, v2;
	(pc) =	sbr.rel @p1 .LBB2_7-.Ltmp4, $4  }
0xd0: {  	v5 =	vld [tilespmem:s26+$0xC230];
	[tilespmem:s23+$0xC250] =	vst v4;
	v12 =	vmul.f32 v9, v2  }
0xd1: {  	v3 =	vld [tilespmem:s26+$0xC240];
	[tilespmem:s23+$0xC260] =	vst v6;
	v2 =	vmov v10  }
0xd2: {  	v9 =	vmul.f32 v8, v2;
	v4 =	vld [tilespmem:s26+$0xC250];
	[tilespmem:s23+$0xC270] =	vst v12;
	s23 =	smov.u32 s26  }
0xd3: {  	s16 =	sadd.s32 $0x200, s16;
	v8 =	vmul.f32 v11, v2;
	v6 =	vld [tilespmem:s23+$0xC260]  }
0xd4: {  	[tilespmem:s23+$0xC200] =	vst v9;
	v7 =	vmul.f32 v7, v2;
	v63 =	vld [tilespmem:s23+$0xC270]  }
0xd5: {  	[tilespmem:s23+$0xC210] =	vst v8;
	v5 =	vmul.f32 v5, v2  }
0xd6: {  	[tilespmem:s23+$0xC220] =	vst v7;
	v3 =	vmul.f32 v3, v2  }
0xd7: {  	[tilespmem:s23+$0xC230] =	vst v5;
	v4 =	vmul.f32 v4, v2  }
0xd8: {  	[tilespmem:s23+$0xC240] =	vst v3;
	v3 =	vmul.f32 v6, v2  }
0xd9: {  	[tilespmem:s23+$0xC250] =	vst v4;
	v2 =	vmul.f32 v63, v2  }
0xda: {  	[tilespmem:s23+$0xC260] =	vst v3  }
0xdb: {  	[tilespmem:s23+$0xC270] =	vst v2  }
0xdc: {  	[spmem:s4] =	stream.indirect.scatter.add.f32 [tilespmem:s11], [sflag:$0x7], $0x80, s2, s31, $0xb8;
	[tilespmem:$0x1A540] =	vst v63  }
0xdd: {  	_ =	swait.ge [sflag:s25], $0x4000  }
0xde: {  	[sflag:s25] =	ssyncset.done $0x0  }
.Ltmp5:
0xdf: {  	[sflag:s25] =	ssyncadd.s32 $0xFFFFC000;
	(pc) =	sbr.rel @p0 .LBB2_10-.Ltmp5, $4  }
0xe0: {  	[spmem:s5] =	stream.indirect.scatter.add.f32 [tilespmem:s17], [sflag:$0x7], $0x1, s2, s31, $0xb8;
	[tilespmem:$0x1A540] =	vst v63  }
0xe1: {  	_ =	swait.ge [sflag:s25], $0x80  }
0xe2: {  	[sflag:s25] =	ssyncset.done $0x0  }
0xe3: {  	[sflag:s25] =	ssyncadd.s32 $0xFFFFFF80  }
0xe4: {  	s16 =	sadd.s32 $0x180, s22  }
0xe5: {  	s22 =	sadd.s32 s9, s16  }
0xe6: {  	s23 =	sshrl.u32 s22, $0x3  }
0xe7: {  	s16 =	sadd.s32 s14, s16;
	s23 =	sadd.s32 s1, s23  }
0xe8: {  	[tilespmem:s31], [sflag:$0x4] =	stream.linear.gather [hbm4b:s23+s7], $0x80, $0x38;
	[tilespmem:$0x1A540] =	vst v63  }
.Ltmp6:
0xe9: {  	s16 =	sshrl.u32 s16, $0x3;
	(pc) =	sbr.rel .LBB2_4-.Ltmp6, $4  }
0xea: {  	s30 =	sshll.u32 s22, $0x4;
	s16 =	sadd.s32 s3, s16  }
0xeb: {  	[tilespmem:s2], [sflag:$0x6] =	stream.linear.gather [hbm4b:s16+s7], $0x80, $0x38;
	[tilespmem:$0x1A540] =	vst v63  }
0xec: {  	s21 =	sadd.s32 $0x1, s21;
	s16 =	sadd.s32 s8, s30  }
0xed: {  	[tilespmem:s29], [sflag:$0x6] =	stream.linear.gather [hbm4b:s16+s7], $0x4000, $0x38;
	[tilespmem:$0x1A540] =	vst v63  }
.LBB2_11:
0xee: {  	_ =	sfence.sel $0x180000  }
0xef: {  	[bflag:$0x0] =	sbarrier.arrive $0xFFFF  }
0xf0: {  	_ =	strace $0x90000047  }
0xf1: {  	s0 =	stileid.u32;
	[bflag:$0x2] =	sbarrier.arrive $0xFFFF  }
0xf2: {  	p0 =	sne.s32 s0, $0x0;
	s0 =	rddreg [dreg:$0x7]  }
0xf3: {  	s0 =	sadd.s32 @!p0 $0x100000, s0  }
0xf4: {  	[sflag:s0] =	ssyncadd.tile.s32 @!p0 $0x1;
	_ =	shalt  }
.Lfunc_end2:
_tile_overlayer_lowered:
.L_overlay_start_2:
0xf5: {  	(tag) =	ssettag $0x2  }
0xf6: {  	s0 =	rddreg [dreg:$0x0];
	s2 =	stileid.u32  }
0xf7: {  	s1 =	rddreg [dreg:$0x1];
	p0 =	sne.s32 s2, $0x0  }
0xf8: {  	s3 =	rddreg [dreg:$0x2];
	[bflag:$0x3] =	sbarrier.arrive $0xFFFF;
	s2 =	simm.s32 @!p0 $0x1C07  }
0xf9: {  	[timem:s3], [sflag:s2] =	dma.local @!p0 [hbm:s0], s1  }
0xfa: {  	s0 =	simm.s32 @!p0 $0x7  }
0xfb: {  	_ =	swait.ge @!p0 [sflag:s0], s1  }
0xfc: {  	s1 =	ssub.s32 @!p0 $0x0, s1;
	[sflag:s0] =	ssyncset.done @!p0 $0x0  }
0xfd: {  	[sflag:s0] =	ssyncadd.s32 @!p0 s1  }
0xfe: {  	[bflag:$0x3] =	sbarrier.arrive $0xFFFF  }
0xff: {  	_ =	shalt  }

</sc_bundles>
